<compile_context>
chip_gen: v7x
topology: tpu7x:2x2x1
jax: 0.10.2.dev20260603
libtpu: 0.0.44.dev20260713+nightly
codegen_flags: <defaults>
</compile_context>

<pallas_src>
import functools

import jax
import jax.numpy as jnp
from jax import lax
from jax.experimental import pallas as pl
from jax.experimental.pallas import tpu as pltpu
from jax.experimental.pallas import tpu_sc as plsc

_N = 10000
_E = 320000
_D = 128
_K = 64

_NC = 2
_NS = 16
_NW = _NC * _NS
_EPW = _E // _NW
_C = 80
_NCH = _EPW // _C
_NPAD = 10240
_RPT = _NPAD // _NS

_mesh = plsc.VectorSubcoreMesh(core_axis_name="c", subcore_axis_name="s")


@functools.partial(
    pl.kernel,
    out_type=jax.ShapeDtypeStruct((_NC * _NPAD,), jnp.float32),
    mesh=_mesh,
    scratch_types=[
        pltpu.VMEM((_NCH, _C), jnp.int32),
        pltpu.VMEM((_C,), jnp.float32),
        pltpu.VMEM((_RPT,), jnp.float32),
        pltpu.VMEM_SHARED((_NPAD,), jnp.float32),
        pltpu.SemaphoreType.DMA,
    ],
)
def _deg_kernel(dst_hbm, out_hbm, idxd_v, ones_v, zbuf_v, part_sh, sem):
    cid = lax.axis_index("c")
    sid = lax.axis_index("s")
    wid = sid * _NC + cid

    pltpu.async_copy(dst_hbm.at[wid], idxd_v, sem)

    def fo(k, _):
        ones_v[pl.ds(k * 16, 16)] = jnp.ones((16,), jnp.float32)
        return 0
    lax.fori_loop(0, _C // 16, fo, 0)

    def fz(k, _):
        zbuf_v[pl.ds(k * 16, 16)] = jnp.zeros((16,), jnp.float32)
        return 0
    lax.fori_loop(0, _RPT // 16, fz, 0)

    pltpu.sync_copy(zbuf_v, part_sh.at[pl.ds(sid * _RPT, _RPT)])
    pltpu.make_async_copy(dst_hbm.at[wid], idxd_v, sem).wait()
    plsc.subcore_barrier()

    def chunk(t, _):
        j = 25 * t
        for q in range(25):
            pltpu.async_copy(ones_v, part_sh.at[idxd_v.at[j + q]], sem,
                             add=True)
        for q in range(25):
            pltpu.make_async_copy(ones_v, part_sh.at[idxd_v.at[j + q]],
                                  sem).wait()
        return 0
    lax.fori_loop(0, _NCH // 25, chunk, 0)
    plsc.subcore_barrier()

    pltpu.sync_copy(part_sh.at[pl.ds(sid * _RPT, _RPT)],
                    out_hbm.at[pl.ds(cid * _NPAD + sid * _RPT, _RPT)])


@functools.partial(
    pl.kernel,
    out_type=jax.ShapeDtypeStruct((_NC, _NPAD, _D), jnp.float32),
    mesh=_mesh,
    scratch_types=[
        pltpu.VMEM((_NCH, _C), jnp.int32),
        pltpu.VMEM((_C,), jnp.int32),
        pltpu.VMEM((_C,), jnp.int32),
        pltpu.VMEM((_C, _D), jnp.float32),
        pltpu.VMEM((_C, _D), jnp.float32),
        pltpu.VMEM_SHARED((_NPAD, _D), jnp.float32),
        pltpu.SemaphoreType.DMA,
        pltpu.SemaphoreType.DMA,
        pltpu.SemaphoreType.DMA,
        pltpu.SemaphoreType.DMA,
    ],
)
def _scatter_kernel(y_hbm, src_hbm, dst_hbm, out_hbm,
                    idxs_v, idxd0_v, idxd1_v, rows0_v, rows1_v, part_sh,
                    sem0, sem1, semd0, semd1):
    cid = lax.axis_index("c")
    sid = lax.axis_index("s")
    wid = sid * _NC + cid

    pltpu.async_copy(src_hbm.at[wid], idxs_v, semd0)
    pltpu.async_copy(dst_hbm.at[wid, 0], idxd0_v, semd1)

    def zbody(i, _):
        r = i // (_D // 16)
        col = (i % (_D // 16)) * 16
        rows0_v[r, pl.ds(col, 16)] = jnp.zeros((16,), jnp.float32)
        return 0
    lax.fori_loop(0, _C * (_D // 16), zbody, 0)

    for t in range(_RPT // _C):
        pltpu.async_copy(rows0_v, part_sh.at[pl.ds(sid * _RPT + t * _C, _C)],
                         sem1)
    for t in range(_RPT // _C):
        pltpu.make_async_copy(
            rows0_v, part_sh.at[pl.ds(sid * _RPT + t * _C, _C)], sem1).wait()

    pltpu.make_async_copy(src_hbm.at[wid], idxs_v, semd0).wait()
    pltpu.make_async_copy(dst_hbm.at[wid, 0], idxd0_v, semd1).wait()
    pltpu.async_copy(y_hbm.at[idxs_v.at[0]], rows0_v, sem0)
    plsc.subcore_barrier()

    def pair(t, _):
        j = 2 * t
        pltpu.async_copy(y_hbm.at[idxs_v.at[j + 1]], rows1_v, sem1)
        pltpu.async_copy(dst_hbm.at[wid, j + 1], idxd1_v, semd1)
        pltpu.make_async_copy(y_hbm.at[idxs_v.at[j]], rows0_v, sem0).wait()
        pltpu.sync_copy(rows0_v, part_sh.at[idxd0_v], add=True)
        pltpu.async_copy(y_hbm.at[idxs_v.at[j + 2]], rows0_v, sem0)
        pltpu.async_copy(dst_hbm.at[wid, j + 2], idxd0_v, semd0)
        pltpu.make_async_copy(y_hbm.at[idxs_v.at[j + 1]], rows1_v, sem1).wait()
        pltpu.make_async_copy(dst_hbm.at[wid, j + 1], idxd1_v, semd1).wait()
        pltpu.sync_copy(rows1_v, part_sh.at[idxd1_v], add=True)
        pltpu.make_async_copy(dst_hbm.at[wid, j + 2], idxd0_v, semd0).wait()
        return 0
    lax.fori_loop(0, (_NCH - 1) // 2, pair, 0)
    pltpu.make_async_copy(y_hbm.at[idxs_v.at[_NCH - 1]], rows0_v, sem0).wait()
    pltpu.sync_copy(rows0_v, part_sh.at[idxd0_v], add=True)
    plsc.subcore_barrier()

    for t in range(_RPT // _C):
        r0 = sid * _RPT + t * _C
        pltpu.async_copy(part_sh.at[pl.ds(r0, _C)],
                         out_hbm.at[cid, pl.ds(r0, _C)], sem0)
    for t in range(_RPT // _C):
        r0 = sid * _RPT + t * _C
        pltpu.make_async_copy(part_sh.at[pl.ds(r0, _C)],
                              out_hbm.at[cid, pl.ds(r0, _C)], sem0).wait()


_BR = 1024
_NB = _NPAD // _BR
_GR = _BR // 128


def _dinv_col(degp_ref, i):
    g = degp_ref[0] + degp_ref[1] + 1.0
    r = jnp.broadcast_to(g[:, None, :], (_GR, 128, 128)).reshape(_BR, 128)
    lane = lax.broadcasted_iota(jnp.int32, (_BR, 128), 1)
    row = lax.broadcasted_iota(jnp.int32, (_BR, 128), 0) % 128
    deg = jnp.sum(jnp.where(lane == row, r, 0.0), axis=1, keepdims=True)
    return lax.rsqrt(deg)


def _tc1_body(degp_ref, x_ref, w1_ref, y1_ref):
    dinv = _dinv_col(degp_ref, None)
    xw = jnp.dot(x_ref[...], w1_ref[...], preferred_element_type=jnp.float32)
    y1_ref[...] = xw * dinv


def _tc1(degp, x, W1):
    return pl.pallas_call(
        _tc1_body,
        grid=(_NB,),
        in_specs=[
            pl.BlockSpec((2, _GR, 128), lambda i: (0, i, 0)),
            pl.BlockSpec((_BR, _D), lambda i: (i, 0)),
            pl.BlockSpec((_D, _D), lambda i: (0, 0)),
        ],
        out_specs=pl.BlockSpec((_BR, _D), lambda i: (i, 0)),
        out_shape=jax.ShapeDtypeStruct((_N, _D), jnp.float32),
    )(degp, x, W1)


def _tc2_body(degp_ref, parts_ref, y1_ref, b1_ref, w2_ref, y2_ref):
    dinv = _dinv_col(degp_ref, None)
    s = parts_ref[0] + parts_ref[1] + y1_ref[...]
    h = jnp.maximum(dinv * s + b1_ref[...], 0.0)
    y2_ref[...] = dinv * jnp.dot(
        h, w2_ref[...], preferred_element_type=jnp.float32)


def _tc2(degp, parts1, y1, b1, W2):
    return pl.pallas_call(
        _tc2_body,
        grid=(_NB,),
        in_specs=[
            pl.BlockSpec((2, _GR, 128), lambda i: (0, i, 0)),
            pl.BlockSpec((2, _BR, _D), lambda i: (0, i, 0)),
            pl.BlockSpec((_BR, _D), lambda i: (i, 0)),
            pl.BlockSpec((1, _D), lambda i: (0, 0)),
            pl.BlockSpec((_D, _D), lambda i: (0, 0)),
        ],
        out_specs=pl.BlockSpec((_BR, _D), lambda i: (i, 0)),
        out_shape=jax.ShapeDtypeStruct((_N, _D), jnp.float32),
    )(degp, parts1, y1, b1.reshape(1, _D), W2)


def _tc3_body(degp_ref, parts_ref, y2_ref, b2_ref, wk_ref, lt_ref,
              s_ref, logits_ref):
    dinv = _dinv_col(degp_ref, None)
    s = parts_ref[0] + parts_ref[1] + y2_ref[...]
    agg = dinv * s + b2_ref[...]
    logits = jnp.dot(agg, wk_ref[...], preferred_element_type=jnp.float32)
    logits_ref[...] = logits
    tau = jnp.exp(lt_ref[0])
    z = logits / tau
    z = z - jnp.max(z, axis=-1, keepdims=True)
    ez = jnp.exp(z)
    s_ref[...] = ez / jnp.sum(ez, axis=-1, keepdims=True)


def _tc3(degp, parts2, y2, b2, Wk, log_tau):
    return pl.pallas_call(
        _tc3_body,
        grid=(_NB,),
        in_specs=[
            pl.BlockSpec((2, _GR, 128), lambda i: (0, i, 0)),
            pl.BlockSpec((2, _BR, _D), lambda i: (0, i, 0)),
            pl.BlockSpec((_BR, _D), lambda i: (i, 0)),
            pl.BlockSpec((1, _D), lambda i: (0, 0)),
            pl.BlockSpec((_D, _K), lambda i: (0, 0)),
            pl.BlockSpec(memory_space=pltpu.SMEM),
        ],
        out_specs=[
            pl.BlockSpec((_BR, _K), lambda i: (i, 0)),
            pl.BlockSpec((_BR, _K), lambda i: (i, 0)),
        ],
        out_shape=[
            jax.ShapeDtypeStruct((_N, _K), jnp.float32),
            jax.ShapeDtypeStruct((_N, _K), jnp.float32),
        ],
    )(degp, parts2, y2, b2.reshape(1, _D), Wk, log_tau.reshape(1))


def kernel(x, edge_index, W1, b1, W2, b2, Wk, log_tau):
    src = edge_index[0].reshape(_NW, _NCH, _C)
    dst = edge_index[1].reshape(_NW, _NCH, _C)

    degp = _deg_kernel(dst).reshape(_NC, _NPAD // 128, 128)
    y1 = _tc1(degp, x, W1)
    parts1 = _scatter_kernel(y1, src, dst)
    y2 = _tc2(degp, parts1, y1, b1, W2)
    parts2 = _scatter_kernel(y2, src, dst)
    S, logits = _tc3(degp, parts2, y2, b2, Wk, log_tau)
    return S, logits

# --- scband reference (transcript-rebuilt; emitter-appended) ---
"""Pipeline reference for scband-sgspassign2-18537078849989 (READ-ONLY COPY).

The authoritative reference and input builder live on the scoring server;
editing this copy changes nothing except your own understanding.
"""

import jax, jax.numpy as jnp
import numpy as np

N = 10000
E = 320000
D = 128
H = 128
K = 64


def setup_inputs(seed: int = 0) -> dict:
    key = jax.random.key(seed)
    ks = jax.random.split(key, 8)
    x = jax.random.normal(ks[0], (N, D), dtype=jnp.float32)
    edge_index = jax.random.randint(ks[1], (2, E), 0, N, dtype=jnp.int32)
    W1 = jax.random.normal(ks[2], (D, H), dtype=jnp.float32) * (1.0 / np.sqrt(D))
    b1 = jnp.zeros((H,), dtype=jnp.float32)
    W2 = jax.random.normal(ks[3], (H, H), dtype=jnp.float32) * (1.0 / np.sqrt(H))
    b2 = jnp.zeros((H,), dtype=jnp.float32)
    Wk = jax.random.normal(ks[4], (H, K), dtype=jnp.float32) * (1.0 / np.sqrt(H))
    log_tau = jnp.log(jnp.asarray(1.0, dtype=jnp.float32))
    return {"x": x, "edge_index": edge_index, "W1": W1, "b1": b1, "W2": W2, "b2": b2, "Wk": Wk, "log_tau": log_tau}


def _gcn_layer(x, src, dst, norm, W, b, n):
    xw = x @ W
    msg = xw[src] * norm[:, None]
    agg = jax.ops.segment_sum(msg, dst, num_segments=n)
    return agg + b


def reference(x, edge_index, W1, b1, W2, b2, Wk, log_tau):
    n = x.shape[0]
    loops = jnp.arange(n, dtype=edge_index.dtype)
    src = jnp.concatenate([edge_index[0], loops])
    dst = jnp.concatenate([edge_index[1], loops])
    deg = jax.ops.segment_sum(jnp.ones_like(src, dtype=x.dtype), dst, num_segments=n)
    dinv = jnp.where(deg > 0, deg ** -0.5, 0.0)
    norm = dinv[src] * dinv[dst]
    h = jax.nn.relu(_gcn_layer(x, src, dst, norm, W1, b1, n))
    h = _gcn_layer(h, src, dst, norm, W2, b2, n)
    logits = h @ Wk
    tau = jnp.exp(log_tau)
    S = jax.nn.softmax(logits / tau, axis=-1)
    return (S, logits)

if __name__ == "__main__":
    import jax
    _d = setup_inputs()
    print(jax.jit(kernel)(*tuple(_d.values())))

</pallas_src>

<mosaic_0001>
#map = affine_map<(d0, d1) -> (0, 0)>
#map1 = affine_map<(d0, d1) -> (0, 0, 0)>
module attributes {stable_mosaic.version = 14 : i64} {
  func.func @_scatter_kernel(%arg0: i32, %arg1: i32, %arg2: memref<10000x128xf32, #tpu.memory_space<hbm>>, %arg3: memref<32x125x80xi32, #tpu.memory_space<hbm>>, %arg4: memref<32x125x80xi32, #tpu.memory_space<hbm>>, %arg5: memref<2x10240x128xf32, #tpu.memory_space<hbm>>, %arg6: memref<125x80xi32, #tpu.memory_space<vmem>>, %arg7: memref<80xi32, #tpu.memory_space<vmem>>, %arg8: memref<80xi32, #tpu.memory_space<vmem>>, %arg9: memref<80x128xf32, #tpu.memory_space<vmem>>, %arg10: memref<80x128xf32, #tpu.memory_space<vmem>>, %arg11: memref<10240x128xf32, #tpu.memory_space<vmem_shared>>, %arg12: memref<!tpu.dma_semaphore, #tpu.memory_space<semaphore_mem>>, %arg13: memref<!tpu.dma_semaphore, #tpu.memory_space<semaphore_mem>>, %arg14: memref<!tpu.dma_semaphore, #tpu.memory_space<semaphore_mem>>, %arg15: memref<!tpu.dma_semaphore, #tpu.memory_space<semaphore_mem>>) attributes {dimension_semantics = [#tpu.dimension_semantics<core_parallel>, #tpu.dimension_semantics<subcore_parallel>], iteration_bounds = array<i64: 2, 16>, scalar_prefetch = 0 : i64, scratch_operands = 10 : i64, tpu.core_type = #tpu.core_type<sc_vector_subcore>, window_params = [{transform_indices = #map}, {transform_indices = #map1}, {transform_indices = #map1}, {transform_indices = #map1}]} {
    %mul3A = arith.constant 2 : i32
    %mul3A_0 = arith.muli %arg1, %mul3A : i32
    %add3A = arith.addi %mul3A_0, %arg0 : i32
    %dma_start3A = arith.constant 0 : i32
    %dma_start3A_1 = arith.constant 0 : i32
    %dma_start3A_2 = tpu.memref_slice %arg3[%add3A, %dma_start3A, %dma_start3A_1] : memref<32x125x80xi32, #tpu.memory_space<hbm>> -> memref<1x125x80xi32, #tpu.memory_space<hbm>>
    %dma_start3A_3 = tpu.memref_squeeze %dma_start3A_2 : memref<1x125x80xi32, #tpu.memory_space<hbm>> -> memref<125x80xi32, #tpu.memory_space<hbm>>
    %dma_start3A_4 = arith.constant 0 : i32
    %dma_start3A_5 = arith.constant 0 : i32
    %dma_start3A_6 = tpu.memref_slice %arg3[%add3A, %dma_start3A_4, %dma_start3A_5] : memref<32x125x80xi32, #tpu.memory_space<hbm>> -> memref<1x125x80xi32, #tpu.memory_space<hbm>>
    %dma_start3A_7 = tpu.memref_squeeze %dma_start3A_6 : memref<1x125x80xi32, #tpu.memory_space<hbm>> -> memref<125x80xi32, #tpu.memory_space<hbm>>
    tpu.enqueue_dma source(%dma_start3A_7 : memref<125x80xi32, #tpu.memory_space<hbm>>) target(%arg6 : memref<125x80xi32, #tpu.memory_space<vmem>>) target_semaphore(%arg14 : memref<!tpu.dma_semaphore, #tpu.memory_space<semaphore_mem>>)
    %dma_start3A_8 = arith.constant 0 : i32
    %dma_start3A_9 = arith.constant 0 : i32
    %dma_start3A_10 = tpu.memref_slice %arg4[%add3A, %dma_start3A_8, %dma_start3A_9] : memref<32x125x80xi32, #tpu.memory_space<hbm>> -> memref<1x1x80xi32, #tpu.memory_space<hbm>>
    %dma_start3A_11 = tpu.memref_squeeze %dma_start3A_10 : memref<1x1x80xi32, #tpu.memory_space<hbm>> -> memref<80xi32, #tpu.memory_space<hbm>>
    %dma_start3A_12 = arith.constant 0 : i32
    %dma_start3A_13 = tpu.memref_slice %arg4[%add3A, %dma_start3A_8, %dma_start3A_12] : memref<32x125x80xi32, #tpu.memory_space<hbm>> -> memref<1x1x80xi32, #tpu.memory_space<hbm>>
    %dma_start3A_14 = tpu.memref_squeeze %dma_start3A_13 : memref<1x1x80xi32, #tpu.memory_space<hbm>> -> memref<80xi32, #tpu.memory_space<hbm>>
    tpu.enqueue_dma source(%dma_start3A_14 : memref<80xi32, #tpu.memory_space<hbm>>) target(%arg7 : memref<80xi32, #tpu.memory_space<vmem>>) target_semaphore(%arg15 : memref<!tpu.dma_semaphore, #tpu.memory_space<semaphore_mem>>)
    %scan3A = arith.constant 0 : i32
    %scan3A_15 = arith.constant 0 : i32
    %scan3A_16 = arith.constant 640 : i32
    %scan3A_17 = arith.addi %scan3A_15, %scan3A_16 : i32
    %scan3A_18 = arith.constant 1 : i32
    %scan3A_19 = scf.for %scan3A_329 = %scan3A_15 to %scan3A_17 step %scan3A_18 iter_args(%scan3A_330 = %scan3A) -> (i32)  : i32 {
      %jit3A = arith.constant 8 : i32
      %div3A = arith.divsi %scan3A_329, %jit3A : i32
      %sign3A = arith.constant 0 : i32
      %sign3A_331 = arith.cmpi sgt, %scan3A_329, %sign3A : i32
      %sign3A_332 = arith.extui %sign3A_331 : i1 to i32
      %sign3A_333 = arith.constant 0 : i32
      %sign3A_334 = arith.cmpi slt, %scan3A_329, %sign3A_333 : i32
      %sign3A_335 = arith.extui %sign3A_334 : i1 to i32
      %sign3A_336 = arith.subi %sign3A_332, %sign3A_335 : i32
      %sign3A_337 = arith.constant 0 : i32
      %sign3A_338 = arith.cmpi sgt, %jit3A, %sign3A_337 : i32
      %sign3A_339 = arith.extui %sign3A_338 : i1 to i32
      %sign3A_340 = arith.constant 0 : i32
      %sign3A_341 = arith.cmpi slt, %jit3A, %sign3A_340 : i32
      %sign3A_342 = arith.extui %sign3A_341 : i1 to i32
      %sign3A_343 = arith.subi %sign3A_339, %sign3A_342 : i32
      %ne3A = arith.cmpi ne, %sign3A_336, %sign3A_343 : i32
      %rem3A = arith.remsi %scan3A_329, %jit3A : i32
      %ne3A_344 = arith.constant 0 : i32
      %ne3A_345 = arith.cmpi ne, %rem3A, %ne3A_344 : i32
      %and3A = arith.andi %ne3A, %ne3A_345 : i1
      %sub3A = arith.constant 1 : i32
      %sub3A_346 = arith.subi %div3A, %sub3A : i32
      %select_n3A = arith.select %and3A, %sub3A_346, %div3A : i32
      %jit3A_347 = arith.constant 8 : i32
      %eq3A = arith.constant 0 : i32
      %eq3A_348 = arith.cmpi eq, %jit3A_347, %eq3A : i32
      %jit3A_349 = arith.constant 1 : i32
      %select_n3A_350 = arith.select %eq3A_348, %jit3A_349, %jit3A_347 : i32
      %rem3A_351 = arith.remsi %scan3A_329, %select_n3A_350 : i32
      %ne3A_352 = arith.constant 0 : i32
      %ne3A_353 = arith.cmpi ne, %rem3A_351, %ne3A_352 : i32
      %lt3A = arith.constant 0 : i32
      %lt3A_354 = arith.cmpi slt, %rem3A_351, %lt3A : i32
      %lt3A_355 = arith.constant 0 : i32
      %lt3A_356 = arith.cmpi slt, %select_n3A_350, %lt3A_355 : i32
      %ne3A_357 = arith.xori %lt3A_354, %lt3A_356 : i1
      %and3A_358 = arith.andi %ne3A_357, %ne3A_353 : i1
      %add3A_359 = arith.addi %rem3A_351, %select_n3A_350 : i32
      %select_n3A_360 = arith.select %and3A_358, %add3A_359, %rem3A_351 : i32
      %mul3A_361 = arith.constant 16 : i32
      %mul3A_362 = arith.muli %select_n3A_360, %mul3A_361 : i32
      %broadcast_in_dim3A = arith.constant 0.000000e+00 : f32
      %broadcast_in_dim3A_363 = vector.broadcast %broadcast_in_dim3A : f32 to vector<16xf32>
      %swap3A = arith.index_cast %select_n3A : i32 to index
      %swap3A_364 = arith.index_cast %mul3A_362 : i32 to index
      %swap3A_365 = tpu.vector_load %arg9[%swap3A, %swap3A_364] {strides = array<i32>} : memref<80x128xf32, #tpu.memory_space<vmem>>, vector<1x16xf32>,
      %swap3A_366 = vector.shape_cast %swap3A_365 : vector<1x16xf32> to vector<16xf32>
      %swap3A_367 = vector.shape_cast %broadcast_in_dim3A_363 : vector<16xf32> to vector<1x16xf32>
      tpu.vector_store %arg9[%swap3A, %swap3A_364], %swap3A_367 {strides = array<i32>} : memref<80x128xf32, #tpu.memory_space<vmem>>, vector<1x16xf32>,
      %scan3A_368 = arith.constant 0 : i32
      scf.yield %scan3A_368 : i32
    }
    %scan3A_20 = arith.constant 640 : i32
    %mul3A_21 = arith.constant 640 : i32
    %mul3A_22 = arith.muli %arg1, %mul3A_21 : i32
    %add3A_23 = arith.constant 0 : i32
    %add3A_24 = arith.addi %mul3A_22, %add3A_23 : i32
    %dma_start3A_25 = arith.constant 0 : i32
    %dma_start3A_26 = tpu.memref_slice %arg11[%add3A_24, %dma_start3A_25] : memref<10240x128xf32, #tpu.memory_space<vmem_shared>> -> memref<80x128xf32, #tpu.memory_space<vmem_shared>>
    %dma_start3A_27 = arith.constant 0 : i32
    %dma_start3A_28 = tpu.memref_slice %arg11[%add3A_24, %dma_start3A_27] : memref<10240x128xf32, #tpu.memory_space<vmem_shared>> -> memref<80x128xf32, #tpu.memory_space<vmem_shared>>
    tpu.enqueue_dma source(%arg9 : memref<80x128xf32, #tpu.memory_space<vmem>>) target(%dma_start3A_28 : memref<80x128xf32, #tpu.memory_space<vmem_shared>>) target_semaphore(%arg13 : memref<!tpu.dma_semaphore, #tpu.memory_space<semaphore_mem>>)
    %mul3A_29 = arith.constant 640 : i32
    %mul3A_30 = arith.muli %arg1, %mul3A_29 : i32
    %add3A_31 = arith.constant 80 : i32
    %add3A_32 = arith.addi %mul3A_30, %add3A_31 : i32
    %dma_start3A_33 = arith.constant 0 : i32
    %dma_start3A_34 = tpu.memref_slice %arg11[%add3A_32, %dma_start3A_33] : memref<10240x128xf32, #tpu.memory_space<vmem_shared>> -> memref<80x128xf32, #tpu.memory_space<vmem_shared>>
    %dma_start3A_35 = arith.constant 0 : i32
    %dma_start3A_36 = tpu.memref_slice %arg11[%add3A_32, %dma_start3A_35] : memref<10240x128xf32, #tpu.memory_space<vmem_shared>> -> memref<80x128xf32, #tpu.memory_space<vmem_shared>>
    tpu.enqueue_dma source(%arg9 : memref<80x128xf32, #tpu.memory_space<vmem>>) target(%dma_start3A_36 : memref<80x128xf32, #tpu.memory_space<vmem_shared>>) target_semaphore(%arg13 : memref<!tpu.dma_semaphore, #tpu.memory_space<semaphore_mem>>)
    %mul3A_37 = arith.constant 640 : i32
    %mul3A_38 = arith.muli %arg1, %mul3A_37 : i32
    %add3A_39 = arith.constant 160 : i32
    %add3A_40 = arith.addi %mul3A_38, %add3A_39 : i32
    %dma_start3A_41 = arith.constant 0 : i32
    %dma_start3A_42 = tpu.memref_slice %arg11[%add3A_40, %dma_start3A_41] : memref<10240x128xf32, #tpu.memory_space<vmem_shared>> -> memref<80x128xf32, #tpu.memory_space<vmem_shared>>
    %dma_start3A_43 = arith.constant 0 : i32
    %dma_start3A_44 = tpu.memref_slice %arg11[%add3A_40, %dma_start3A_43] : memref<10240x128xf32, #tpu.memory_space<vmem_shared>> -> memref<80x128xf32, #tpu.memory_space<vmem_shared>>
    tpu.enqueue_dma source(%arg9 : memref<80x128xf32, #tpu.memory_space<vmem>>) target(%dma_start3A_44 : memref<80x128xf32, #tpu.memory_space<vmem_shared>>) target_semaphore(%arg13 : memref<!tpu.dma_semaphore, #tpu.memory_space<semaphore_mem>>)
    %mul3A_45 = arith.constant 640 : i32
    %mul3A_46 = arith.muli %arg1, %mul3A_45 : i32
    %add3A_47 = arith.constant 240 : i32
    %add3A_48 = arith.addi %mul3A_46, %add3A_47 : i32
    %dma_start3A_49 = arith.constant 0 : i32
    %dma_start3A_50 = tpu.memref_slice %arg11[%add3A_48, %dma_start3A_49] : memref<10240x128xf32, #tpu.memory_space<vmem_shared>> -> memref<80x128xf32, #tpu.memory_space<vmem_shared>>
    %dma_start3A_51 = arith.constant 0 : i32
    %dma_start3A_52 = tpu.memref_slice %arg11[%add3A_48, %dma_start3A_51] : memref<10240x128xf32, #tpu.memory_space<vmem_shared>> -> memref<80x128xf32, #tpu.memory_space<vmem_shared>>
    tpu.enqueue_dma source(%arg9 : memref<80x128xf32, #tpu.memory_space<vmem>>) target(%dma_start3A_52 : memref<80x128xf32, #tpu.memory_space<vmem_shared>>) target_semaphore(%arg13 : memref<!tpu.dma_semaphore, #tpu.memory_space<semaphore_mem>>)
    %mul3A_53 = arith.constant 640 : i32
    %mul3A_54 = arith.muli %arg1, %mul3A_53 : i32
    %add3A_55 = arith.constant 320 : i32
    %add3A_56 = arith.addi %mul3A_54, %add3A_55 : i32
    %dma_start3A_57 = arith.constant 0 : i32
    %dma_start3A_58 = tpu.memref_slice %arg11[%add3A_56, %dma_start3A_57] : memref<10240x128xf32, #tpu.memory_space<vmem_shared>> -> memref<80x128xf32, #tpu.memory_space<vmem_shared>>
    %dma_start3A_59 = arith.constant 0 : i32
    %dma_start3A_60 = tpu.memref_slice %arg11[%add3A_56, %dma_start3A_59] : memref<10240x128xf32, #tpu.memory_space<vmem_shared>> -> memref<80x128xf32, #tpu.memory_space<vmem_shared>>
    tpu.enqueue_dma source(%arg9 : memref<80x128xf32, #tpu.memory_space<vmem>>) target(%dma_start3A_60 : memref<80x128xf32, #tpu.memory_space<vmem_shared>>) target_semaphore(%arg13 : memref<!tpu.dma_semaphore, #tpu.memory_space<semaphore_mem>>)
    %mul3A_61 = arith.constant 640 : i32
    %mul3A_62 = arith.muli %arg1, %mul3A_61 : i32
    %add3A_63 = arith.constant 400 : i32
    %add3A_64 = arith.addi %mul3A_62, %add3A_63 : i32
    %dma_start3A_65 = arith.constant 0 : i32
    %dma_start3A_66 = tpu.memref_slice %arg11[%add3A_64, %dma_start3A_65] : memref<10240x128xf32, #tpu.memory_space<vmem_shared>> -> memref<80x128xf32, #tpu.memory_space<vmem_shared>>
    %dma_start3A_67 = arith.constant 0 : i32
    %dma_start3A_68 = tpu.memref_slice %arg11[%add3A_64, %dma_start3A_67] : memref<10240x128xf32, #tpu.memory_space<vmem_shared>> -> memref<80x128xf32, #tpu.memory_space<vmem_shared>>
    tpu.enqueue_dma source(%arg9 : memref<80x128xf32, #tpu.memory_space<vmem>>) target(%dma_start3A_68 : memref<80x128xf32, #tpu.memory_space<vmem_shared>>) target_semaphore(%arg13 : memref<!tpu.dma_semaphore, #tpu.memory_space<semaphore_mem>>)
    %mul3A_69 = arith.constant 640 : i32
    %mul3A_70 = arith.muli %arg1, %mul3A_69 : i32
    %add3A_71 = arith.constant 480 : i32
    %add3A_72 = arith.addi %mul3A_70, %add3A_71 : i32
    %dma_start3A_73 = arith.constant 0 : i32
    %dma_start3A_74 = tpu.memref_slice %arg11[%add3A_72, %dma_start3A_73] : memref<10240x128xf32, #tpu.memory_space<vmem_shared>> -> memref<80x128xf32, #tpu.memory_space<vmem_shared>>
    %dma_start3A_75 = arith.constant 0 : i32
    %dma_start3A_76 = tpu.memref_slice %arg11[%add3A_72, %dma_start3A_75] : memref<10240x128xf32, #tpu.memory_space<vmem_shared>> -> memref<80x128xf32, #tpu.memory_space<vmem_shared>>
    tpu.enqueue_dma source(%arg9 : memref<80x128xf32, #tpu.memory_space<vmem>>) target(%dma_start3A_76 : memref<80x128xf32, #tpu.memory_space<vmem_shared>>) target_semaphore(%arg13 : memref<!tpu.dma_semaphore, #tpu.memory_space<semaphore_mem>>)
    %mul3A_77 = arith.constant 640 : i32
    %mul3A_78 = arith.muli %arg1, %mul3A_77 : i32
    %add3A_79 = arith.constant 560 : i32
    %add3A_80 = arith.addi %mul3A_78, %add3A_79 : i32
    %dma_start3A_81 = arith.constant 0 : i32
    %dma_start3A_82 = tpu.memref_slice %arg11[%add3A_80, %dma_start3A_81] : memref<10240x128xf32, #tpu.memory_space<vmem_shared>> -> memref<80x128xf32, #tpu.memory_space<vmem_shared>>
    %dma_start3A_83 = arith.constant 0 : i32
    %dma_start3A_84 = tpu.memref_slice %arg11[%add3A_80, %dma_start3A_83] : memref<10240x128xf32, #tpu.memory_space<vmem_shared>> -> memref<80x128xf32, #tpu.memory_space<vmem_shared>>
    tpu.enqueue_dma source(%arg9 : memref<80x128xf32, #tpu.memory_space<vmem>>) target(%dma_start3A_84 : memref<80x128xf32, #tpu.memory_space<vmem_shared>>) target_semaphore(%arg13 : memref<!tpu.dma_semaphore, #tpu.memory_space<semaphore_mem>>)
    %mul3A_85 = arith.constant 640 : i32
    %mul3A_86 = arith.muli %arg1, %mul3A_85 : i32
    %add3A_87 = arith.constant 0 : i32
    %add3A_88 = arith.addi %mul3A_86, %add3A_87 : i32
    %dma_wait3A = arith.constant 0 : i32
    %dma_wait3A_89 = tpu.memref_slice %arg11[%add3A_88, %dma_wait3A] : memref<10240x128xf32, #tpu.memory_space<vmem_shared>> -> memref<80x128xf32, #tpu.memory_space<vmem_shared>>
    %dma_wait3A_90 = arith.constant 0 : i32
    %dma_wait3A_91 = tpu.memref_slice %arg11[%add3A_88, %dma_wait3A_90] : memref<10240x128xf32, #tpu.memory_space<vmem_shared>> -> memref<80x128xf32, #tpu.memory_space<vmem_shared>>
    tpu.wait_dma2 semaphore(%arg13 : memref<!tpu.dma_semaphore, #tpu.memory_space<semaphore_mem>>) src(%arg9 : memref<80x128xf32, #tpu.memory_space<vmem>>) dst(%dma_wait3A_91 : memref<80x128xf32, #tpu.memory_space<vmem_shared>>)
    %mul3A_92 = arith.constant 640 : i32
    %mul3A_93 = arith.muli %arg1, %mul3A_92 : i32
    %add3A_94 = arith.constant 80 : i32
    %add3A_95 = arith.addi %mul3A_93, %add3A_94 : i32
    %dma_wait3A_96 = arith.constant 0 : i32
    %dma_wait3A_97 = tpu.memref_slice %arg11[%add3A_95, %dma_wait3A_96] : memref<10240x128xf32, #tpu.memory_space<vmem_shared>> -> memref<80x128xf32, #tpu.memory_space<vmem_shared>>
    %dma_wait3A_98 = arith.constant 0 : i32
    %dma_wait3A_99 = tpu.memref_slice %arg11[%add3A_95, %dma_wait3A_98] : memref<10240x128xf32, #tpu.memory_space<vmem_shared>> -> memref<80x128xf32, #tpu.memory_space<vmem_shared>>
    tpu.wait_dma2 semaphore(%arg13 : memref<!tpu.dma_semaphore, #tpu.memory_space<semaphore_mem>>) src(%arg9 : memref<80x128xf32, #tpu.memory_space<vmem>>) dst(%dma_wait3A_99 : memref<80x128xf32, #tpu.memory_space<vmem_shared>>)
    %mul3A_100 = arith.constant 640 : i32
    %mul3A_101 = arith.muli %arg1, %mul3A_100 : i32
    %add3A_102 = arith.constant 160 : i32
    %add3A_103 = arith.addi %mul3A_101, %add3A_102 : i32
    %dma_wait3A_104 = arith.constant 0 : i32
    %dma_wait3A_105 = tpu.memref_slice %arg11[%add3A_103, %dma_wait3A_104] : memref<10240x128xf32, #tpu.memory_space<vmem_shared>> -> memref<80x128xf32, #tpu.memory_space<vmem_shared>>
    %dma_wait3A_106 = arith.constant 0 : i32
    %dma_wait3A_107 = tpu.memref_slice %arg11[%add3A_103, %dma_wait3A_106] : memref<10240x128xf32, #tpu.memory_space<vmem_shared>> -> memref<80x128xf32, #tpu.memory_space<vmem_shared>>
    tpu.wait_dma2 semaphore(%arg13 : memref<!tpu.dma_semaphore, #tpu.memory_space<semaphore_mem>>) src(%arg9 : memref<80x128xf32, #tpu.memory_space<vmem>>) dst(%dma_wait3A_107 : memref<80x128xf32, #tpu.memory_space<vmem_shared>>)
    %mul3A_108 = arith.constant 640 : i32
    %mul3A_109 = arith.muli %arg1, %mul3A_108 : i32
    %add3A_110 = arith.constant 240 : i32
    %add3A_111 = arith.addi %mul3A_109, %add3A_110 : i32
    %dma_wait3A_112 = arith.constant 0 : i32
    %dma_wait3A_113 = tpu.memref_slice %arg11[%add3A_111, %dma_wait3A_112] : memref<10240x128xf32, #tpu.memory_space<vmem_shared>> -> memref<80x128xf32, #tpu.memory_space<vmem_shared>>
    %dma_wait3A_114 = arith.constant 0 : i32
    %dma_wait3A_115 = tpu.memref_slice %arg11[%add3A_111, %dma_wait3A_114] : memref<10240x128xf32, #tpu.memory_space<vmem_shared>> -> memref<80x128xf32, #tpu.memory_space<vmem_shared>>
    tpu.wait_dma2 semaphore(%arg13 : memref<!tpu.dma_semaphore, #tpu.memory_space<semaphore_mem>>) src(%arg9 : memref<80x128xf32, #tpu.memory_space<vmem>>) dst(%dma_wait3A_115 : memref<80x128xf32, #tpu.memory_space<vmem_shared>>)
    %mul3A_116 = arith.constant 640 : i32
    %mul3A_117 = arith.muli %arg1, %mul3A_116 : i32
    %add3A_118 = arith.constant 320 : i32
    %add3A_119 = arith.addi %mul3A_117, %add3A_118 : i32
    %dma_wait3A_120 = arith.constant 0 : i32
    %dma_wait3A_121 = tpu.memref_slice %arg11[%add3A_119, %dma_wait3A_120] : memref<10240x128xf32, #tpu.memory_space<vmem_shared>> -> memref<80x128xf32, #tpu.memory_space<vmem_shared>>
    %dma_wait3A_122 = arith.constant 0 : i32
    %dma_wait3A_123 = tpu.memref_slice %arg11[%add3A_119, %dma_wait3A_122] : memref<10240x128xf32, #tpu.memory_space<vmem_shared>> -> memref<80x128xf32, #tpu.memory_space<vmem_shared>>
    tpu.wait_dma2 semaphore(%arg13 : memref<!tpu.dma_semaphore, #tpu.memory_space<semaphore_mem>>) src(%arg9 : memref<80x128xf32, #tpu.memory_space<vmem>>) dst(%dma_wait3A_123 : memref<80x128xf32, #tpu.memory_space<vmem_shared>>)
    %mul3A_124 = arith.constant 640 : i32
    %mul3A_125 = arith.muli %arg1, %mul3A_124 : i32
    %add3A_126 = arith.constant 400 : i32
    %add3A_127 = arith.addi %mul3A_125, %add3A_126 : i32
    %dma_wait3A_128 = arith.constant 0 : i32
    %dma_wait3A_129 = tpu.memref_slice %arg11[%add3A_127, %dma_wait3A_128] : memref<10240x128xf32, #tpu.memory_space<vmem_shared>> -> memref<80x128xf32, #tpu.memory_space<vmem_shared>>
    %dma_wait3A_130 = arith.constant 0 : i32
    %dma_wait3A_131 = tpu.memref_slice %arg11[%add3A_127, %dma_wait3A_130] : memref<10240x128xf32, #tpu.memory_space<vmem_shared>> -> memref<80x128xf32, #tpu.memory_space<vmem_shared>>
    tpu.wait_dma2 semaphore(%arg13 : memref<!tpu.dma_semaphore, #tpu.memory_space<semaphore_mem>>) src(%arg9 : memref<80x128xf32, #tpu.memory_space<vmem>>) dst(%dma_wait3A_131 : memref<80x128xf32, #tpu.memory_space<vmem_shared>>)
    %mul3A_132 = arith.constant 640 : i32
    %mul3A_133 = arith.muli %arg1, %mul3A_132 : i32
    %add3A_134 = arith.constant 480 : i32
    %add3A_135 = arith.addi %mul3A_133, %add3A_134 : i32
    %dma_wait3A_136 = arith.constant 0 : i32
    %dma_wait3A_137 = tpu.memref_slice %arg11[%add3A_135, %dma_wait3A_136] : memref<10240x128xf32, #tpu.memory_space<vmem_shared>> -> memref<80x128xf32, #tpu.memory_space<vmem_shared>>
    %dma_wait3A_138 = arith.constant 0 : i32
    %dma_wait3A_139 = tpu.memref_slice %arg11[%add3A_135, %dma_wait3A_138] : memref<10240x128xf32, #tpu.memory_space<vmem_shared>> -> memref<80x128xf32, #tpu.memory_space<vmem_shared>>
    tpu.wait_dma2 semaphore(%arg13 : memref<!tpu.dma_semaphore, #tpu.memory_space<semaphore_mem>>) src(%arg9 : memref<80x128xf32, #tpu.memory_space<vmem>>) dst(%dma_wait3A_139 : memref<80x128xf32, #tpu.memory_space<vmem_shared>>)
    %mul3A_140 = arith.constant 640 : i32
    %mul3A_141 = arith.muli %arg1, %mul3A_140 : i32
    %add3A_142 = arith.constant 560 : i32
    %add3A_143 = arith.addi %mul3A_141, %add3A_142 : i32
    %dma_wait3A_144 = arith.constant 0 : i32
    %dma_wait3A_145 = tpu.memref_slice %arg11[%add3A_143, %dma_wait3A_144] : memref<10240x128xf32, #tpu.memory_space<vmem_shared>> -> memref<80x128xf32, #tpu.memory_space<vmem_shared>>
    %dma_wait3A_146 = arith.constant 0 : i32
    %dma_wait3A_147 = tpu.memref_slice %arg11[%add3A_143, %dma_wait3A_146] : memref<10240x128xf32, #tpu.memory_space<vmem_shared>> -> memref<80x128xf32, #tpu.memory_space<vmem_shared>>
    tpu.wait_dma2 semaphore(%arg13 : memref<!tpu.dma_semaphore, #tpu.memory_space<semaphore_mem>>) src(%arg9 : memref<80x128xf32, #tpu.memory_space<vmem>>) dst(%dma_wait3A_147 : memref<80x128xf32, #tpu.memory_space<vmem_shared>>)
    %dma_wait3A_148 = arith.constant 0 : i32
    %dma_wait3A_149 = arith.constant 0 : i32
    %dma_wait3A_150 = tpu.memref_slice %arg3[%add3A, %dma_wait3A_148, %dma_wait3A_149] : memref<32x125x80xi32, #tpu.memory_space<hbm>> -> memref<1x125x80xi32, #tpu.memory_space<hbm>>
    %dma_wait3A_151 = tpu.memref_squeeze %dma_wait3A_150 : memref<1x125x80xi32, #tpu.memory_space<hbm>> -> memref<125x80xi32, #tpu.memory_space<hbm>>
    %dma_wait3A_152 = arith.constant 0 : i32
    %dma_wait3A_153 = arith.constant 0 : i32
    %dma_wait3A_154 = tpu.memref_slice %arg3[%add3A, %dma_wait3A_152, %dma_wait3A_153] : memref<32x125x80xi32, #tpu.memory_space<hbm>> -> memref<1x125x80xi32, #tpu.memory_space<hbm>>
    %dma_wait3A_155 = tpu.memref_squeeze %dma_wait3A_154 : memref<1x125x80xi32, #tpu.memory_space<hbm>> -> memref<125x80xi32, #tpu.memory_space<hbm>>
    tpu.wait_dma2 semaphore(%arg14 : memref<!tpu.dma_semaphore, #tpu.memory_space<semaphore_mem>>) src(%dma_wait3A_155 : memref<125x80xi32, #tpu.memory_space<hbm>>) dst(%arg6 : memref<125x80xi32, #tpu.memory_space<vmem>>)
    %dma_wait3A_156 = arith.constant 0 : i32
    %dma_wait3A_157 = arith.constant 0 : i32
    %dma_wait3A_158 = tpu.memref_slice %arg4[%add3A, %dma_wait3A_156, %dma_wait3A_157] : memref<32x125x80xi32, #tpu.memory_space<hbm>> -> memref<1x1x80xi32, #tpu.memory_space<hbm>>
    %dma_wait3A_159 = tpu.memref_squeeze %dma_wait3A_158 : memref<1x1x80xi32, #tpu.memory_space<hbm>> -> memref<80xi32, #tpu.memory_space<hbm>>
    %dma_wait3A_160 = arith.constant 0 : i32
    %dma_wait3A_161 = tpu.memref_slice %arg4[%add3A, %dma_wait3A_156, %dma_wait3A_160] : memref<32x125x80xi32, #tpu.memory_space<hbm>> -> memref<1x1x80xi32, #tpu.memory_space<hbm>>
    %dma_wait3A_162 = tpu.memref_squeeze %dma_wait3A_161 : memref<1x1x80xi32, #tpu.memory_space<hbm>> -> memref<80xi32, #tpu.memory_space<hbm>>
    tpu.wait_dma2 semaphore(%arg15 : memref<!tpu.dma_semaphore, #tpu.memory_space<semaphore_mem>>) src(%dma_wait3A_162 : memref<80xi32, #tpu.memory_space<hbm>>) dst(%arg7 : memref<80xi32, #tpu.memory_space<vmem>>)
    %dma_start3A_163 = arith.constant 0 : i32
    %dma_start3A_164 = arith.constant 0 : i32
    %dma_start3A_165 = tpu.memref_slice %arg6[%dma_start3A_163, %dma_start3A_164] : memref<125x80xi32, #tpu.memory_space<vmem>> -> memref<1x80xi32, #tpu.memory_space<vmem>>
    %dma_start3A_166 = tpu.memref_squeeze %dma_start3A_165 : memref<1x80xi32, #tpu.memory_space<vmem>> -> memref<80xi32, #tpu.memory_space<vmem>>
    %dma_start3A_167 = arith.constant 0 : i32
    %dma_start3A_168 = arith.constant 0 : i32
    %dma_start3A_169 = tpu.memref_slice %arg2[%dma_start3A_167, %dma_start3A_168] : memref<10000x128xf32, #tpu.memory_space<hbm>> -> memref<10000x128xf32, #tpu.memory_space<hbm>>
    tpu.enqueue_indirect_dma source(%dma_start3A_169 : memref<10000x128xf32, #tpu.memory_space<hbm>>) target(%arg9 : memref<80x128xf32, #tpu.memory_space<vmem>>) offsets(%dma_start3A_166 : memref<80xi32, #tpu.memory_space<vmem>>) semaphore(%arg12 : memref<!tpu.dma_semaphore, #tpu.memory_space<semaphore_mem>>)
    %barrier3A = arith.constant 0 : index
    tpu.barrier barrier_id(%barrier3A)
    %scan3A_170 = arith.constant 0 : i32
    %scan3A_171 = arith.constant 0 : i32
    %scan3A_172 = arith.constant 62 : i32
    %scan3A_173 = arith.addi %scan3A_171, %scan3A_172 : i32
    %scan3A_174 = arith.constant 1 : i32
    %scan3A_175 = scf.for %scan3A_329 = %scan3A_171 to %scan3A_173 step %scan3A_174 iter_args(%scan3A_330 = %scan3A_170) -> (i32)  : i32 {
      %mul3A_331 = arith.constant 2 : i32
      %mul3A_332 = arith.muli %mul3A_331, %scan3A_329 : i32
      %add3A_333 = arith.constant 1 : i32
      %add3A_334 = arith.addi %mul3A_332, %add3A_333 : i32
      %dma_start3A_335 = arith.constant 0 : i32
      %dma_start3A_336 = tpu.memref_slice %arg6[%add3A_334, %dma_start3A_335] : memref<125x80xi32, #tpu.memory_space<vmem>> -> memref<1x80xi32, #tpu.memory_space<vmem>>
      %dma_start3A_337 = tpu.memref_squeeze %dma_start3A_336 : memref<1x80xi32, #tpu.memory_space<vmem>> -> memref<80xi32, #tpu.memory_space<vmem>>
      %dma_start3A_338 = arith.constant 0 : i32
      %dma_start3A_339 = arith.constant 0 : i32
      %dma_start3A_340 = tpu.memref_slice %arg2[%dma_start3A_338, %dma_start3A_339] : memref<10000x128xf32, #tpu.memory_space<hbm>> -> memref<10000x128xf32, #tpu.memory_space<hbm>>
      tpu.enqueue_indirect_dma source(%dma_start3A_340 : memref<10000x128xf32, #tpu.memory_space<hbm>>) target(%arg10 : memref<80x128xf32, #tpu.memory_space<vmem>>) offsets(%dma_start3A_337 : memref<80xi32, #tpu.memory_space<vmem>>) semaphore(%arg13 : memref<!tpu.dma_semaphore, #tpu.memory_space<semaphore_mem>>)
      %add3A_341 = arith.constant 1 : i32
      %add3A_342 = arith.addi %mul3A_332, %add3A_341 : i32
      %dma_start3A_343 = arith.constant 0 : i32
      %dma_start3A_344 = tpu.memref_slice %arg4[%add3A, %add3A_342, %dma_start3A_343] : memref<32x125x80xi32, #tpu.memory_space<hbm>> -> memref<1x1x80xi32, #tpu.memory_space<hbm>>
      %dma_start3A_345 = tpu.memref_squeeze %dma_start3A_344 : memref<1x1x80xi32, #tpu.memory_space<hbm>> -> memref<80xi32, #tpu.memory_space<hbm>>
      %dma_start3A_346 = arith.constant 0 : i32
      %dma_start3A_347 = tpu.memref_slice %arg4[%add3A, %add3A_342, %dma_start3A_346] : memref<32x125x80xi32, #tpu.memory_space<hbm>> -> memref<1x1x80xi32, #tpu.memory_space<hbm>>
      %dma_start3A_348 = tpu.memref_squeeze %dma_start3A_347 : memref<1x1x80xi32, #tpu.memory_space<hbm>> -> memref<80xi32, #tpu.memory_space<hbm>>
      tpu.enqueue_dma source(%dma_start3A_348 : memref<80xi32, #tpu.memory_space<hbm>>) target(%arg8 : memref<80xi32, #tpu.memory_space<vmem>>) target_semaphore(%arg15 : memref<!tpu.dma_semaphore, #tpu.memory_space<semaphore_mem>>)
      %dma_wait3A_349 = arith.constant 0 : i32
      %dma_wait3A_350 = tpu.memref_slice %arg6[%mul3A_332, %dma_wait3A_349] : memref<125x80xi32, #tpu.memory_space<vmem>> -> memref<1x80xi32, #tpu.memory_space<vmem>>
      %dma_wait3A_351 = tpu.memref_squeeze %dma_wait3A_350 : memref<1x80xi32, #tpu.memory_space<vmem>> -> memref<80xi32, #tpu.memory_space<vmem>>
      %dma_wait3A_352 = arith.constant 0 : i32
      %dma_wait3A_353 = arith.constant 0 : i32
      %dma_wait3A_354 = tpu.memref_slice %arg2[%dma_wait3A_352, %dma_wait3A_353] : memref<10000x128xf32, #tpu.memory_space<hbm>> -> memref<10000x128xf32, #tpu.memory_space<hbm>>
      tpu.wait_indirect_dma semaphore(%arg12 : memref<!tpu.dma_semaphore, #tpu.memory_space<semaphore_mem>>) src(%dma_wait3A_354 : memref<10000x128xf32, #tpu.memory_space<hbm>>) dst(%arg9 : memref<80x128xf32, #tpu.memory_space<vmem>>)
      "tpu.region"() ({
        %run_scoped3A = tpu.sem_alloc : memref<!tpu.dma_semaphore, #tpu.memory_space<semaphore_mem>>
        %dma_start3A_396 = arith.constant 0 : i32
        %dma_start3A_397 = arith.constant 0 : i32
        %dma_start3A_398 = tpu.memref_slice %arg11[%dma_start3A_396, %dma_start3A_397] : memref<10240x128xf32, #tpu.memory_space<vmem_shared>> -> memref<10240x128xf32, #tpu.memory_space<vmem_shared>>
        tpu.enqueue_indirect_dma source(%arg9 : memref<80x128xf32, #tpu.memory_space<vmem>>) target(%dma_start3A_398 : memref<10240x128xf32, #tpu.memory_space<vmem_shared>>) offsets(%arg7 : memref<80xi32, #tpu.memory_space<vmem>>) semaphore(%run_scoped3A : memref<!tpu.dma_semaphore, #tpu.memory_space<semaphore_mem>>) {add = true}
        %dma_wait3A_399 = arith.constant 0 : i32
        %dma_wait3A_400 = arith.constant 0 : i32
        %dma_wait3A_401 = tpu.memref_slice %arg11[%dma_wait3A_399, %dma_wait3A_400] : memref<10240x128xf32, #tpu.memory_space<vmem_shared>> -> memref<10240x128xf32, #tpu.memory_space<vmem_shared>>
        tpu.wait_indirect_dma semaphore(%run_scoped3A : memref<!tpu.dma_semaphore, #tpu.memory_space<semaphore_mem>>) src(%arg9 : memref<80x128xf32, #tpu.memory_space<vmem>>) dst(%dma_wait3A_401 : memref<10240x128xf32, #tpu.memory_space<vmem_shared>>)
        tpu.yield
      }) : () -> ()
      %add3A_355 = arith.constant 2 : i32
      %add3A_356 = arith.addi %mul3A_332, %add3A_355 : i32
      %dma_start3A_357 = arith.constant 0 : i32
      %dma_start3A_358 = tpu.memref_slice %arg6[%add3A_356, %dma_start3A_357] : memref<125x80xi32, #tpu.memory_space<vmem>> -> memref<1x80xi32, #tpu.memory_space<vmem>>
      %dma_start3A_359 = tpu.memref_squeeze %dma_start3A_358 : memref<1x80xi32, #tpu.memory_space<vmem>> -> memref<80xi32, #tpu.memory_space<vmem>>
      %dma_start3A_360 = arith.constant 0 : i32
      %dma_start3A_361 = arith.constant 0 : i32
      %dma_start3A_362 = tpu.memref_slice %arg2[%dma_start3A_360, %dma_start3A_361] : memref<10000x128xf32, #tpu.memory_space<hbm>> -> memref<10000x128xf32, #tpu.memory_space<hbm>>
      tpu.enqueue_indirect_dma source(%dma_start3A_362 : memref<10000x128xf32, #tpu.memory_space<hbm>>) target(%arg9 : memref<80x128xf32, #tpu.memory_space<vmem>>) offsets(%dma_start3A_359 : memref<80xi32, #tpu.memory_space<vmem>>) semaphore(%arg12 : memref<!tpu.dma_semaphore, #tpu.memory_space<semaphore_mem>>)
      %add3A_363 = arith.constant 2 : i32
      %add3A_364 = arith.addi %mul3A_332, %add3A_363 : i32
      %dma_start3A_365 = arith.constant 0 : i32
      %dma_start3A_366 = tpu.memref_slice %arg4[%add3A, %add3A_364, %dma_start3A_365] : memref<32x125x80xi32, #tpu.memory_space<hbm>> -> memref<1x1x80xi32, #tpu.memory_space<hbm>>
      %dma_start3A_367 = tpu.memref_squeeze %dma_start3A_366 : memref<1x1x80xi32, #tpu.memory_space<hbm>> -> memref<80xi32, #tpu.memory_space<hbm>>
      %dma_start3A_368 = arith.constant 0 : i32
      %dma_start3A_369 = tpu.memref_slice %arg4[%add3A, %add3A_364, %dma_start3A_368] : memref<32x125x80xi32, #tpu.memory_space<hbm>> -> memref<1x1x80xi32, #tpu.memory_space<hbm>>
      %dma_start3A_370 = tpu.memref_squeeze %dma_start3A_369 : memref<1x1x80xi32, #tpu.memory_space<hbm>> -> memref<80xi32, #tpu.memory_space<hbm>>
      tpu.enqueue_dma source(%dma_start3A_370 : memref<80xi32, #tpu.memory_space<hbm>>) target(%arg7 : memref<80xi32, #tpu.memory_space<vmem>>) target_semaphore(%arg14 : memref<!tpu.dma_semaphore, #tpu.memory_space<semaphore_mem>>)
      %add3A_371 = arith.constant 1 : i32
      %add3A_372 = arith.addi %mul3A_332, %add3A_371 : i32
      %dma_wait3A_373 = arith.constant 0 : i32
      %dma_wait3A_374 = tpu.memref_slice %arg6[%add3A_372, %dma_wait3A_373] : memref<125x80xi32, #tpu.memory_space<vmem>> -> memref<1x80xi32, #tpu.memory_space<vmem>>
      %dma_wait3A_375 = tpu.memref_squeeze %dma_wait3A_374 : memref<1x80xi32, #tpu.memory_space<vmem>> -> memref<80xi32, #tpu.memory_space<vmem>>
      %dma_wait3A_376 = arith.constant 0 : i32
      %dma_wait3A_377 = arith.constant 0 : i32
      %dma_wait3A_378 = tpu.memref_slice %arg2[%dma_wait3A_376, %dma_wait3A_377] : memref<10000x128xf32, #tpu.memory_space<hbm>> -> memref<10000x128xf32, #tpu.memory_space<hbm>>
      tpu.wait_indirect_dma semaphore(%arg13 : memref<!tpu.dma_semaphore, #tpu.memory_space<semaphore_mem>>) src(%dma_wait3A_378 : memref<10000x128xf32, #tpu.memory_space<hbm>>) dst(%arg10 : memref<80x128xf32, #tpu.memory_space<vmem>>)
      %add3A_379 = arith.constant 1 : i32
      %add3A_380 = arith.addi %mul3A_332, %add3A_379 : i32
      %dma_wait3A_381 = arith.constant 0 : i32
      %dma_wait3A_382 = tpu.memref_slice %arg4[%add3A, %add3A_380, %dma_wait3A_381] : memref<32x125x80xi32, #tpu.memory_space<hbm>> -> memref<1x1x80xi32, #tpu.memory_space<hbm>>
      %dma_wait3A_383 = tpu.memref_squeeze %dma_wait3A_382 : memref<1x1x80xi32, #tpu.memory_space<hbm>> -> memref<80xi32, #tpu.memory_space<hbm>>
      %dma_wait3A_384 = arith.constant 0 : i32
      %dma_wait3A_385 = tpu.memref_slice %arg4[%add3A, %add3A_380, %dma_wait3A_384] : memref<32x125x80xi32, #tpu.memory_space<hbm>> -> memref<1x1x80xi32, #tpu.memory_space<hbm>>
      %dma_wait3A_386 = tpu.memref_squeeze %dma_wait3A_385 : memref<1x1x80xi32, #tpu.memory_space<hbm>> -> memref<80xi32, #tpu.memory_space<hbm>>
      tpu.wait_dma2 semaphore(%arg15 : memref<!tpu.dma_semaphore, #tpu.memory_space<semaphore_mem>>) src(%dma_wait3A_386 : memref<80xi32, #tpu.memory_space<hbm>>) dst(%arg8 : memref<80xi32, #tpu.memory_space<vmem>>)
      "tpu.region"() ({
        %run_scoped3A = tpu.sem_alloc : memref<!tpu.dma_semaphore, #tpu.memory_space<semaphore_mem>>
        %dma_start3A_396 = arith.constant 0 : i32
        %dma_start3A_397 = arith.constant 0 : i32
        %dma_start3A_398 = tpu.memref_slice %arg11[%dma_start3A_396, %dma_start3A_397] : memref<10240x128xf32, #tpu.memory_space<vmem_shared>> -> memref<10240x128xf32, #tpu.memory_space<vmem_shared>>
        tpu.enqueue_indirect_dma source(%arg10 : memref<80x128xf32, #tpu.memory_space<vmem>>) target(%dma_start3A_398 : memref<10240x128xf32, #tpu.memory_space<vmem_shared>>) offsets(%arg8 : memref<80xi32, #tpu.memory_space<vmem>>) semaphore(%run_scoped3A : memref<!tpu.dma_semaphore, #tpu.memory_space<semaphore_mem>>) {add = true}
        %dma_wait3A_399 = arith.constant 0 : i32
        %dma_wait3A_400 = arith.constant 0 : i32
        %dma_wait3A_401 = tpu.memref_slice %arg11[%dma_wait3A_399, %dma_wait3A_400] : memref<10240x128xf32, #tpu.memory_space<vmem_shared>> -> memref<10240x128xf32, #tpu.memory_space<vmem_shared>>
        tpu.wait_indirect_dma semaphore(%run_scoped3A : memref<!tpu.dma_semaphore, #tpu.memory_space<semaphore_mem>>) src(%arg10 : memref<80x128xf32, #tpu.memory_space<vmem>>) dst(%dma_wait3A_401 : memref<10240x128xf32, #tpu.memory_space<vmem_shared>>)
        tpu.yield
      }) : () -> ()
      %add3A_387 = arith.constant 2 : i32
      %add3A_388 = arith.addi %mul3A_332, %add3A_387 : i32
      %dma_wait3A_389 = arith.constant 0 : i32
      %dma_wait3A_390 = tpu.memref_slice %arg4[%add3A, %add3A_388, %dma_wait3A_389] : memref<32x125x80xi32, #tpu.memory_space<hbm>> -> memref<1x1x80xi32, #tpu.memory_space<hbm>>
      %dma_wait3A_391 = tpu.memref_squeeze %dma_wait3A_390 : memref<1x1x80xi32, #tpu.memory_space<hbm>> -> memref<80xi32, #tpu.memory_space<hbm>>
      %dma_wait3A_392 = arith.constant 0 : i32
      %dma_wait3A_393 = tpu.memref_slice %arg4[%add3A, %add3A_388, %dma_wait3A_392] : memref<32x125x80xi32, #tpu.memory_space<hbm>> -> memref<1x1x80xi32, #tpu.memory_space<hbm>>
      %dma_wait3A_394 = tpu.memref_squeeze %dma_wait3A_393 : memref<1x1x80xi32, #tpu.memory_space<hbm>> -> memref<80xi32, #tpu.memory_space<hbm>>
      tpu.wait_dma2 semaphore(%arg14 : memref<!tpu.dma_semaphore, #tpu.memory_space<semaphore_mem>>) src(%dma_wait3A_394 : memref<80xi32, #tpu.memory_space<hbm>>) dst(%arg7 : memref<80xi32, #tpu.memory_space<vmem>>)
      %scan3A_395 = arith.constant 0 : i32
      scf.yield %scan3A_395 : i32
    }
    %scan3A_176 = arith.constant 62 : i32
    %dma_wait3A_177 = arith.constant 124 : i32
    %dma_wait3A_178 = arith.constant 0 : i32
    %dma_wait3A_179 = tpu.memref_slice %arg6[%dma_wait3A_177, %dma_wait3A_178] : memref<125x80xi32, #tpu.memory_space<vmem>> -> memref<1x80xi32, #tpu.memory_space<vmem>>
    %dma_wait3A_180 = tpu.memref_squeeze %dma_wait3A_179 : memref<1x80xi32, #tpu.memory_space<vmem>> -> memref<80xi32, #tpu.memory_space<vmem>>
    %dma_wait3A_181 = arith.constant 0 : i32
    %dma_wait3A_182 = arith.constant 0 : i32
    %dma_wait3A_183 = tpu.memref_slice %arg2[%dma_wait3A_181, %dma_wait3A_182] : memref<10000x128xf32, #tpu.memory_space<hbm>> -> memref<10000x128xf32, #tpu.memory_space<hbm>>
    tpu.wait_indirect_dma semaphore(%arg12 : memref<!tpu.dma_semaphore, #tpu.memory_space<semaphore_mem>>) src(%dma_wait3A_183 : memref<10000x128xf32, #tpu.memory_space<hbm>>) dst(%arg9 : memref<80x128xf32, #tpu.memory_space<vmem>>)
    "tpu.region"() ({
      %run_scoped3A = tpu.sem_alloc : memref<!tpu.dma_semaphore, #tpu.memory_space<semaphore_mem>>
      %dma_start3A_329 = arith.constant 0 : i32
      %dma_start3A_330 = arith.constant 0 : i32
      %dma_start3A_331 = tpu.memref_slice %arg11[%dma_start3A_329, %dma_start3A_330] : memref<10240x128xf32, #tpu.memory_space<vmem_shared>> -> memref<10240x128xf32, #tpu.memory_space<vmem_shared>>
      tpu.enqueue_indirect_dma source(%arg9 : memref<80x128xf32, #tpu.memory_space<vmem>>) target(%dma_start3A_331 : memref<10240x128xf32, #tpu.memory_space<vmem_shared>>) offsets(%arg7 : memref<80xi32, #tpu.memory_space<vmem>>) semaphore(%run_scoped3A : memref<!tpu.dma_semaphore, #tpu.memory_space<semaphore_mem>>) {add = true}
      %dma_wait3A_332 = arith.constant 0 : i32
      %dma_wait3A_333 = arith.constant 0 : i32
      %dma_wait3A_334 = tpu.memref_slice %arg11[%dma_wait3A_332, %dma_wait3A_333] : memref<10240x128xf32, #tpu.memory_space<vmem_shared>> -> memref<10240x128xf32, #tpu.memory_space<vmem_shared>>
      tpu.wait_indirect_dma semaphore(%run_scoped3A : memref<!tpu.dma_semaphore, #tpu.memory_space<semaphore_mem>>) src(%arg9 : memref<80x128xf32, #tpu.memory_space<vmem>>) dst(%dma_wait3A_334 : memref<10240x128xf32, #tpu.memory_space<vmem_shared>>)
      tpu.yield
    }) : () -> ()
    %barrier3A_184 = arith.constant 0 : index
    tpu.barrier barrier_id(%barrier3A_184)
    %mul3A_185 = arith.constant 640 : i32
    %mul3A_186 = arith.muli %arg1, %mul3A_185 : i32
    %add3A_187 = arith.constant 0 : i32
    %add3A_188 = arith.addi %mul3A_186, %add3A_187 : i32
    %dma_start3A_189 = arith.constant 0 : i32
    %dma_start3A_190 = tpu.memref_slice %arg5[%arg0, %add3A_188, %dma_start3A_189] : memref<2x10240x128xf32, #tpu.memory_space<hbm>> -> memref<1x80x128xf32, #tpu.memory_space<hbm>>
    %dma_start3A_191 = tpu.memref_squeeze %dma_start3A_190 : memref<1x80x128xf32, #tpu.memory_space<hbm>> -> memref<80x128xf32, #tpu.memory_space<hbm>>
    %dma_start3A_192 = arith.constant 0 : i32
    %dma_start3A_193 = tpu.memref_slice %arg11[%add3A_188, %dma_start3A_192] : memref<10240x128xf32, #tpu.memory_space<vmem_shared>> -> memref<80x128xf32, #tpu.memory_space<vmem_shared>>
    tpu.enqueue_dma source(%dma_start3A_193 : memref<80x128xf32, #tpu.memory_space<vmem_shared>>) target(%dma_start3A_191 : memref<80x128xf32, #tpu.memory_space<hbm>>) target_semaphore(%arg12 : memref<!tpu.dma_semaphore, #tpu.memory_space<semaphore_mem>>)
    %mul3A_194 = arith.constant 640 : i32
    %mul3A_195 = arith.muli %arg1, %mul3A_194 : i32
    %add3A_196 = arith.constant 80 : i32
    %add3A_197 = arith.addi %mul3A_195, %add3A_196 : i32
    %dma_start3A_198 = arith.constant 0 : i32
    %dma_start3A_199 = tpu.memref_slice %arg5[%arg0, %add3A_197, %dma_start3A_198] : memref<2x10240x128xf32, #tpu.memory_space<hbm>> -> memref<1x80x128xf32, #tpu.memory_space<hbm>>
    %dma_start3A_200 = tpu.memref_squeeze %dma_start3A_199 : memref<1x80x128xf32, #tpu.memory_space<hbm>> -> memref<80x128xf32, #tpu.memory_space<hbm>>
    %dma_start3A_201 = arith.constant 0 : i32
    %dma_start3A_202 = tpu.memref_slice %arg11[%add3A_197, %dma_start3A_201] : memref<10240x128xf32, #tpu.memory_space<vmem_shared>> -> memref<80x128xf32, #tpu.memory_space<vmem_shared>>
    tpu.enqueue_dma source(%dma_start3A_202 : memref<80x128xf32, #tpu.memory_space<vmem_shared>>) target(%dma_start3A_200 : memref<80x128xf32, #tpu.memory_space<hbm>>) target_semaphore(%arg12 : memref<!tpu.dma_semaphore, #tpu.memory_space<semaphore_mem>>)
    %mul3A_203 = arith.constant 640 : i32
    %mul3A_204 = arith.muli %arg1, %mul3A_203 : i32
    %add3A_205 = arith.constant 160 : i32
    %add3A_206 = arith.addi %mul3A_204, %add3A_205 : i32
    %dma_start3A_207 = arith.constant 0 : i32
    %dma_start3A_208 = tpu.memref_slice %arg5[%arg0, %add3A_206, %dma_start3A_207] : memref<2x10240x128xf32, #tpu.memory_space<hbm>> -> memref<1x80x128xf32, #tpu.memory_space<hbm>>
    %dma_start3A_209 = tpu.memref_squeeze %dma_start3A_208 : memref<1x80x128xf32, #tpu.memory_space<hbm>> -> memref<80x128xf32, #tpu.memory_space<hbm>>
    %dma_start3A_210 = arith.constant 0 : i32
    %dma_start3A_211 = tpu.memref_slice %arg11[%add3A_206, %dma_start3A_210] : memref<10240x128xf32, #tpu.memory_space<vmem_shared>> -> memref<80x128xf32, #tpu.memory_space<vmem_shared>>
    tpu.enqueue_dma source(%dma_start3A_211 : memref<80x128xf32, #tpu.memory_space<vmem_shared>>) target(%dma_start3A_209 : memref<80x128xf32, #tpu.memory_space<hbm>>) target_semaphore(%arg12 : memref<!tpu.dma_semaphore, #tpu.memory_space<semaphore_mem>>)
    %mul3A_212 = arith.constant 640 : i32
    %mul3A_213 = arith.muli %arg1, %mul3A_212 : i32
    %add3A_214 = arith.constant 240 : i32
    %add3A_215 = arith.addi %mul3A_213, %add3A_214 : i32
    %dma_start3A_216 = arith.constant 0 : i32
    %dma_start3A_217 = tpu.memref_slice %arg5[%arg0, %add3A_215, %dma_start3A_216] : memref<2x10240x128xf32, #tpu.memory_space<hbm>> -> memref<1x80x128xf32, #tpu.memory_space<hbm>>
    %dma_start3A_218 = tpu.memref_squeeze %dma_start3A_217 : memref<1x80x128xf32, #tpu.memory_space<hbm>> -> memref<80x128xf32, #tpu.memory_space<hbm>>
    %dma_start3A_219 = arith.constant 0 : i32
    %dma_start3A_220 = tpu.memref_slice %arg11[%add3A_215, %dma_start3A_219] : memref<10240x128xf32, #tpu.memory_space<vmem_shared>> -> memref<80x128xf32, #tpu.memory_space<vmem_shared>>
    tpu.enqueue_dma source(%dma_start3A_220 : memref<80x128xf32, #tpu.memory_space<vmem_shared>>) target(%dma_start3A_218 : memref<80x128xf32, #tpu.memory_space<hbm>>) target_semaphore(%arg12 : memref<!tpu.dma_semaphore, #tpu.memory_space<semaphore_mem>>)
    %mul3A_221 = arith.constant 640 : i32
    %mul3A_222 = arith.muli %arg1, %mul3A_221 : i32
    %add3A_223 = arith.constant 320 : i32
    %add3A_224 = arith.addi %mul3A_222, %add3A_223 : i32
    %dma_start3A_225 = arith.constant 0 : i32
    %dma_start3A_226 = tpu.memref_slice %arg5[%arg0, %add3A_224, %dma_start3A_225] : memref<2x10240x128xf32, #tpu.memory_space<hbm>> -> memref<1x80x128xf32, #tpu.memory_space<hbm>>
    %dma_start3A_227 = tpu.memref_squeeze %dma_start3A_226 : memref<1x80x128xf32, #tpu.memory_space<hbm>> -> memref<80x128xf32, #tpu.memory_space<hbm>>
    %dma_start3A_228 = arith.constant 0 : i32
    %dma_start3A_229 = tpu.memref_slice %arg11[%add3A_224, %dma_start3A_228] : memref<10240x128xf32, #tpu.memory_space<vmem_shared>> -> memref<80x128xf32, #tpu.memory_space<vmem_shared>>
    tpu.enqueue_dma source(%dma_start3A_229 : memref<80x128xf32, #tpu.memory_space<vmem_shared>>) target(%dma_start3A_227 : memref<80x128xf32, #tpu.memory_space<hbm>>) target_semaphore(%arg12 : memref<!tpu.dma_semaphore, #tpu.memory_space<semaphore_mem>>)
    %mul3A_230 = arith.constant 640 : i32
    %mul3A_231 = arith.muli %arg1, %mul3A_230 : i32
    %add3A_232 = arith.constant 400 : i32
    %add3A_233 = arith.addi %mul3A_231, %add3A_232 : i32
    %dma_start3A_234 = arith.constant 0 : i32
    %dma_start3A_235 = tpu.memref_slice %arg5[%arg0, %add3A_233, %dma_start3A_234] : memref<2x10240x128xf32, #tpu.memory_space<hbm>> -> memref<1x80x128xf32, #tpu.memory_space<hbm>>
    %dma_start3A_236 = tpu.memref_squeeze %dma_start3A_235 : memref<1x80x128xf32, #tpu.memory_space<hbm>> -> memref<80x128xf32, #tpu.memory_space<hbm>>
    %dma_start3A_237 = arith.constant 0 : i32
    %dma_start3A_238 = tpu.memref_slice %arg11[%add3A_233, %dma_start3A_237] : memref<10240x128xf32, #tpu.memory_space<vmem_shared>> -> memref<80x128xf32, #tpu.memory_space<vmem_shared>>
    tpu.enqueue_dma source(%dma_start3A_238 : memref<80x128xf32, #tpu.memory_space<vmem_shared>>) target(%dma_start3A_236 : memref<80x128xf32, #tpu.memory_space<hbm>>) target_semaphore(%arg12 : memref<!tpu.dma_semaphore, #tpu.memory_space<semaphore_mem>>)
    %mul3A_239 = arith.constant 640 : i32
    %mul3A_240 = arith.muli %arg1, %mul3A_239 : i32
    %add3A_241 = arith.constant 480 : i32
    %add3A_242 = arith.addi %mul3A_240, %add3A_241 : i32
    %dma_start3A_243 = arith.constant 0 : i32
    %dma_start3A_244 = tpu.memref_slice %arg5[%arg0, %add3A_242, %dma_start3A_243] : memref<2x10240x128xf32, #tpu.memory_space<hbm>> -> memref<1x80x128xf32, #tpu.memory_space<hbm>>
    %dma_start3A_245 = tpu.memref_squeeze %dma_start3A_244 : memref<1x80x128xf32, #tpu.memory_space<hbm>> -> memref<80x128xf32, #tpu.memory_space<hbm>>
    %dma_start3A_246 = arith.constant 0 : i32
    %dma_start3A_247 = tpu.memref_slice %arg11[%add3A_242, %dma_start3A_246] : memref<10240x128xf32, #tpu.memory_space<vmem_shared>> -> memref<80x128xf32, #tpu.memory_space<vmem_shared>>
    tpu.enqueue_dma source(%dma_start3A_247 : memref<80x128xf32, #tpu.memory_space<vmem_shared>>) target(%dma_start3A_245 : memref<80x128xf32, #tpu.memory_space<hbm>>) target_semaphore(%arg12 : memref<!tpu.dma_semaphore, #tpu.memory_space<semaphore_mem>>)
    %mul3A_248 = arith.constant 640 : i32
    %mul3A_249 = arith.muli %arg1, %mul3A_248 : i32
    %add3A_250 = arith.constant 560 : i32
    %add3A_251 = arith.addi %mul3A_249, %add3A_250 : i32
    %dma_start3A_252 = arith.constant 0 : i32
    %dma_start3A_253 = tpu.memref_slice %arg5[%arg0, %add3A_251, %dma_start3A_252] : memref<2x10240x128xf32, #tpu.memory_space<hbm>> -> memref<1x80x128xf32, #tpu.memory_space<hbm>>
    %dma_start3A_254 = tpu.memref_squeeze %dma_start3A_253 : memref<1x80x128xf32, #tpu.memory_space<hbm>> -> memref<80x128xf32, #tpu.memory_space<hbm>>
    %dma_start3A_255 = arith.constant 0 : i32
    %dma_start3A_256 = tpu.memref_slice %arg11[%add3A_251, %dma_start3A_255] : memref<10240x128xf32, #tpu.memory_space<vmem_shared>> -> memref<80x128xf32, #tpu.memory_space<vmem_shared>>
    tpu.enqueue_dma source(%dma_start3A_256 : memref<80x128xf32, #tpu.memory_space<vmem_shared>>) target(%dma_start3A_254 : memref<80x128xf32, #tpu.memory_space<hbm>>) target_semaphore(%arg12 : memref<!tpu.dma_semaphore, #tpu.memory_space<semaphore_mem>>)
    %mul3A_257 = arith.constant 640 : i32
    %mul3A_258 = arith.muli %arg1, %mul3A_257 : i32
    %add3A_259 = arith.constant 0 : i32
    %add3A_260 = arith.addi %mul3A_258, %add3A_259 : i32
    %dma_wait3A_261 = arith.constant 0 : i32
    %dma_wait3A_262 = tpu.memref_slice %arg5[%arg0, %add3A_260, %dma_wait3A_261] : memref<2x10240x128xf32, #tpu.memory_space<hbm>> -> memref<1x80x128xf32, #tpu.memory_space<hbm>>
    %dma_wait3A_263 = tpu.memref_squeeze %dma_wait3A_262 : memref<1x80x128xf32, #tpu.memory_space<hbm>> -> memref<80x128xf32, #tpu.memory_space<hbm>>
    %dma_wait3A_264 = arith.constant 0 : i32
    %dma_wait3A_265 = tpu.memref_slice %arg11[%add3A_260, %dma_wait3A_264] : memref<10240x128xf32, #tpu.memory_space<vmem_shared>> -> memref<80x128xf32, #tpu.memory_space<vmem_shared>>
    tpu.wait_dma2 semaphore(%arg12 : memref<!tpu.dma_semaphore, #tpu.memory_space<semaphore_mem>>) src(%dma_wait3A_265 : memref<80x128xf32, #tpu.memory_space<vmem_shared>>) dst(%dma_wait3A_263 : memref<80x128xf32, #tpu.memory_space<hbm>>)
    %mul3A_266 = arith.constant 640 : i32
    %mul3A_267 = arith.muli %arg1, %mul3A_266 : i32
    %add3A_268 = arith.constant 80 : i32
    %add3A_269 = arith.addi %mul3A_267, %add3A_268 : i32
    %dma_wait3A_270 = arith.constant 0 : i32
    %dma_wait3A_271 = tpu.memref_slice %arg5[%arg0, %add3A_269, %dma_wait3A_270] : memref<2x10240x128xf32, #tpu.memory_space<hbm>> -> memref<1x80x128xf32, #tpu.memory_space<hbm>>
    %dma_wait3A_272 = tpu.memref_squeeze %dma_wait3A_271 : memref<1x80x128xf32, #tpu.memory_space<hbm>> -> memref<80x128xf32, #tpu.memory_space<hbm>>
    %dma_wait3A_273 = arith.constant 0 : i32
    %dma_wait3A_274 = tpu.memref_slice %arg11[%add3A_269, %dma_wait3A_273] : memref<10240x128xf32, #tpu.memory_space<vmem_shared>> -> memref<80x128xf32, #tpu.memory_space<vmem_shared>>
    tpu.wait_dma2 semaphore(%arg12 : memref<!tpu.dma_semaphore, #tpu.memory_space<semaphore_mem>>) src(%dma_wait3A_274 : memref<80x128xf32, #tpu.memory_space<vmem_shared>>) dst(%dma_wait3A_272 : memref<80x128xf32, #tpu.memory_space<hbm>>)
    %mul3A_275 = arith.constant 640 : i32
    %mul3A_276 = arith.muli %arg1, %mul3A_275 : i32
    %add3A_277 = arith.constant 160 : i32
    %add3A_278 = arith.addi %mul3A_276, %add3A_277 : i32
    %dma_wait3A_279 = arith.constant 0 : i32
    %dma_wait3A_280 = tpu.memref_slice %arg5[%arg0, %add3A_278, %dma_wait3A_279] : memref<2x10240x128xf32, #tpu.memory_space<hbm>> -> memref<1x80x128xf32, #tpu.memory_space<hbm>>
    %dma_wait3A_281 = tpu.memref_squeeze %dma_wait3A_280 : memref<1x80x128xf32, #tpu.memory_space<hbm>> -> memref<80x128xf32, #tpu.memory_space<hbm>>
    %dma_wait3A_282 = arith.constant 0 : i32
    %dma_wait3A_283 = tpu.memref_slice %arg11[%add3A_278, %dma_wait3A_282] : memref<10240x128xf32, #tpu.memory_space<vmem_shared>> -> memref<80x128xf32, #tpu.memory_space<vmem_shared>>
    tpu.wait_dma2 semaphore(%arg12 : memref<!tpu.dma_semaphore, #tpu.memory_space<semaphore_mem>>) src(%dma_wait3A_283 : memref<80x128xf32, #tpu.memory_space<vmem_shared>>) dst(%dma_wait3A_281 : memref<80x128xf32, #tpu.memory_space<hbm>>)
    %mul3A_284 = arith.constant 640 : i32
    %mul3A_285 = arith.muli %arg1, %mul3A_284 : i32
    %add3A_286 = arith.constant 240 : i32
    %add3A_287 = arith.addi %mul3A_285, %add3A_286 : i32
    %dma_wait3A_288 = arith.constant 0 : i32
    %dma_wait3A_289 = tpu.memref_slice %arg5[%arg0, %add3A_287, %dma_wait3A_288] : memref<2x10240x128xf32, #tpu.memory_space<hbm>> -> memref<1x80x128xf32, #tpu.memory_space<hbm>>
    %dma_wait3A_290 = tpu.memref_squeeze %dma_wait3A_289 : memref<1x80x128xf32, #tpu.memory_space<hbm>> -> memref<80x128xf32, #tpu.memory_space<hbm>>
    %dma_wait3A_291 = arith.constant 0 : i32
    %dma_wait3A_292 = tpu.memref_slice %arg11[%add3A_287, %dma_wait3A_291] : memref<10240x128xf32, #tpu.memory_space<vmem_shared>> -> memref<80x128xf32, #tpu.memory_space<vmem_shared>>
    tpu.wait_dma2 semaphore(%arg12 : memref<!tpu.dma_semaphore, #tpu.memory_space<semaphore_mem>>) src(%dma_wait3A_292 : memref<80x128xf32, #tpu.memory_space<vmem_shared>>) dst(%dma_wait3A_290 : memref<80x128xf32, #tpu.memory_space<hbm>>)
    %mul3A_293 = arith.constant 640 : i32
    %mul3A_294 = arith.muli %arg1, %mul3A_293 : i32
    %add3A_295 = arith.constant 320 : i32
    %add3A_296 = arith.addi %mul3A_294, %add3A_295 : i32
    %dma_wait3A_297 = arith.constant 0 : i32
    %dma_wait3A_298 = tpu.memref_slice %arg5[%arg0, %add3A_296, %dma_wait3A_297] : memref<2x10240x128xf32, #tpu.memory_space<hbm>> -> memref<1x80x128xf32, #tpu.memory_space<hbm>>
    %dma_wait3A_299 = tpu.memref_squeeze %dma_wait3A_298 : memref<1x80x128xf32, #tpu.memory_space<hbm>> -> memref<80x128xf32, #tpu.memory_space<hbm>>
    %dma_wait3A_300 = arith.constant 0 : i32
    %dma_wait3A_301 = tpu.memref_slice %arg11[%add3A_296, %dma_wait3A_300] : memref<10240x128xf32, #tpu.memory_space<vmem_shared>> -> memref<80x128xf32, #tpu.memory_space<vmem_shared>>
    tpu.wait_dma2 semaphore(%arg12 : memref<!tpu.dma_semaphore, #tpu.memory_space<semaphore_mem>>) src(%dma_wait3A_301 : memref<80x128xf32, #tpu.memory_space<vmem_shared>>) dst(%dma_wait3A_299 : memref<80x128xf32, #tpu.memory_space<hbm>>)
    %mul3A_302 = arith.constant 640 : i32
    %mul3A_303 = arith.muli %arg1, %mul3A_302 : i32
    %add3A_304 = arith.constant 400 : i32
    %add3A_305 = arith.addi %mul3A_303, %add3A_304 : i32
    %dma_wait3A_306 = arith.constant 0 : i32
    %dma_wait3A_307 = tpu.memref_slice %arg5[%arg0, %add3A_305, %dma_wait3A_306] : memref<2x10240x128xf32, #tpu.memory_space<hbm>> -> memref<1x80x128xf32, #tpu.memory_space<hbm>>
    %dma_wait3A_308 = tpu.memref_squeeze %dma_wait3A_307 : memref<1x80x128xf32, #tpu.memory_space<hbm>> -> memref<80x128xf32, #tpu.memory_space<hbm>>
    %dma_wait3A_309 = arith.constant 0 : i32
    %dma_wait3A_310 = tpu.memref_slice %arg11[%add3A_305, %dma_wait3A_309] : memref<10240x128xf32, #tpu.memory_space<vmem_shared>> -> memref<80x128xf32, #tpu.memory_space<vmem_shared>>
    tpu.wait_dma2 semaphore(%arg12 : memref<!tpu.dma_semaphore, #tpu.memory_space<semaphore_mem>>) src(%dma_wait3A_310 : memref<80x128xf32, #tpu.memory_space<vmem_shared>>) dst(%dma_wait3A_308 : memref<80x128xf32, #tpu.memory_space<hbm>>)
    %mul3A_311 = arith.constant 640 : i32
    %mul3A_312 = arith.muli %arg1, %mul3A_311 : i32
    %add3A_313 = arith.constant 480 : i32
    %add3A_314 = arith.addi %mul3A_312, %add3A_313 : i32
    %dma_wait3A_315 = arith.constant 0 : i32
    %dma_wait3A_316 = tpu.memref_slice %arg5[%arg0, %add3A_314, %dma_wait3A_315] : memref<2x10240x128xf32, #tpu.memory_space<hbm>> -> memref<1x80x128xf32, #tpu.memory_space<hbm>>
    %dma_wait3A_317 = tpu.memref_squeeze %dma_wait3A_316 : memref<1x80x128xf32, #tpu.memory_space<hbm>> -> memref<80x128xf32, #tpu.memory_space<hbm>>
    %dma_wait3A_318 = arith.constant 0 : i32
    %dma_wait3A_319 = tpu.memref_slice %arg11[%add3A_314, %dma_wait3A_318] : memref<10240x128xf32, #tpu.memory_space<vmem_shared>> -> memref<80x128xf32, #tpu.memory_space<vmem_shared>>
    tpu.wait_dma2 semaphore(%arg12 : memref<!tpu.dma_semaphore, #tpu.memory_space<semaphore_mem>>) src(%dma_wait3A_319 : memref<80x128xf32, #tpu.memory_space<vmem_shared>>) dst(%dma_wait3A_317 : memref<80x128xf32, #tpu.memory_space<hbm>>)
    %mul3A_320 = arith.constant 640 : i32
    %mul3A_321 = arith.muli %arg1, %mul3A_320 : i32
    %add3A_322 = arith.constant 560 : i32
    %add3A_323 = arith.addi %mul3A_321, %add3A_322 : i32
    %dma_wait3A_324 = arith.constant 0 : i32
    %dma_wait3A_325 = tpu.memref_slice %arg5[%arg0, %add3A_323, %dma_wait3A_324] : memref<2x10240x128xf32, #tpu.memory_space<hbm>> -> memref<1x80x128xf32, #tpu.memory_space<hbm>>
    %dma_wait3A_326 = tpu.memref_squeeze %dma_wait3A_325 : memref<1x80x128xf32, #tpu.memory_space<hbm>> -> memref<80x128xf32, #tpu.memory_space<hbm>>
    %dma_wait3A_327 = arith.constant 0 : i32
    %dma_wait3A_328 = tpu.memref_slice %arg11[%add3A_323, %dma_wait3A_327] : memref<10240x128xf32, #tpu.memory_space<vmem_shared>> -> memref<80x128xf32, #tpu.memory_space<vmem_shared>>
    tpu.wait_dma2 semaphore(%arg12 : memref<!tpu.dma_semaphore, #tpu.memory_space<semaphore_mem>>) src(%dma_wait3A_328 : memref<80x128xf32, #tpu.memory_space<vmem_shared>>) dst(%dma_wait3A_326 : memref<80x128xf32, #tpu.memory_space<hbm>>)
    return
  }
}

#map = affine_map<(d0, d1) -> (0, 0, 0)>
#map1 = affine_map<(d0, d1) -> (0)>
module attributes {stable_mosaic.version = 14 : i64} {
  func.func @_deg_kernel(%arg0: i32, %arg1: i32, %arg2: memref<32x125x80xi32, #tpu.memory_space<hbm>>, %arg3: memref<20480xf32, #tpu.memory_space<hbm>>, %arg4: memref<125x80xi32, #tpu.memory_space<vmem>>, %arg5: memref<80xf32, #tpu.memory_space<vmem>>, %arg6: memref<640xf32, #tpu.memory_space<vmem>>, %arg7: memref<10240xf32, #tpu.memory_space<vmem_shared>>, %arg8: memref<!tpu.dma_semaphore, #tpu.memory_space<semaphore_mem>>) attributes {dimension_semantics = [#tpu.dimension_semantics<core_parallel>, #tpu.dimension_semantics<subcore_parallel>], iteration_bounds = array<i64: 2, 16>, scalar_prefetch = 0 : i64, scratch_operands = 5 : i64, tpu.core_type = #tpu.core_type<sc_vector_subcore>, window_params = [{transform_indices = #map}, {transform_indices = #map1}]} {
    %mul3A = arith.constant 2 : i32
    %mul3A_0 = arith.muli %arg1, %mul3A : i32
    %add3A = arith.addi %mul3A_0, %arg0 : i32
    %dma_start3A = arith.constant 0 : i32
    %dma_start3A_1 = arith.constant 0 : i32
    %dma_start3A_2 = tpu.memref_slice %arg2[%add3A, %dma_start3A, %dma_start3A_1] : memref<32x125x80xi32, #tpu.memory_space<hbm>> -> memref<1x125x80xi32, #tpu.memory_space<hbm>>
    %dma_start3A_3 = tpu.memref_squeeze %dma_start3A_2 : memref<1x125x80xi32, #tpu.memory_space<hbm>> -> memref<125x80xi32, #tpu.memory_space<hbm>>
    %dma_start3A_4 = arith.constant 0 : i32
    %dma_start3A_5 = arith.constant 0 : i32
    %dma_start3A_6 = tpu.memref_slice %arg2[%add3A, %dma_start3A_4, %dma_start3A_5] : memref<32x125x80xi32, #tpu.memory_space<hbm>> -> memref<1x125x80xi32, #tpu.memory_space<hbm>>
    %dma_start3A_7 = tpu.memref_squeeze %dma_start3A_6 : memref<1x125x80xi32, #tpu.memory_space<hbm>> -> memref<125x80xi32, #tpu.memory_space<hbm>>
    tpu.enqueue_dma source(%dma_start3A_7 : memref<125x80xi32, #tpu.memory_space<hbm>>) target(%arg4 : memref<125x80xi32, #tpu.memory_space<vmem>>) target_semaphore(%arg8 : memref<!tpu.dma_semaphore, #tpu.memory_space<semaphore_mem>>)
    %scan3A = arith.constant 0 : i32
    %scan3A_8 = arith.constant 0 : i32
    %scan3A_9 = arith.constant 5 : i32
    %scan3A_10 = arith.addi %scan3A_8, %scan3A_9 : i32
    %scan3A_11 = arith.constant 1 : i32
    %scan3A_12 = scf.for %scan3A_45 = %scan3A_8 to %scan3A_10 step %scan3A_11 iter_args(%scan3A_46 = %scan3A) -> (i32)  : i32 {
      %broadcast_in_dim3A = arith.constant 1.000000e+00 : f32
      %broadcast_in_dim3A_47 = vector.broadcast %broadcast_in_dim3A : f32 to vector<16xf32>
      %mul3A_48 = arith.constant 16 : i32
      %mul3A_49 = arith.muli %scan3A_45, %mul3A_48 : i32
      %swap3A = arith.index_cast %mul3A_49 : i32 to index
      %swap3A_50 = tpu.vector_load %arg5[%swap3A] {strides = array<i32>} : memref<80xf32, #tpu.memory_space<vmem>>, vector<16xf32>,
      %swap3A_51 = vector.shape_cast %swap3A_50 : vector<16xf32> to vector<16xf32>
      %swap3A_52 = vector.shape_cast %broadcast_in_dim3A_47 : vector<16xf32> to vector<16xf32>
      tpu.vector_store %arg5[%swap3A], %swap3A_52 {strides = array<i32>} : memref<80xf32, #tpu.memory_space<vmem>>, vector<16xf32>,
      %scan3A_53 = arith.constant 0 : i32
      scf.yield %scan3A_53 : i32
    }
    %scan3A_13 = arith.constant 5 : i32
    %scan3A_14 = arith.constant 0 : i32
    %scan3A_15 = arith.constant 0 : i32
    %scan3A_16 = arith.constant 40 : i32
    %scan3A_17 = arith.addi %scan3A_15, %scan3A_16 : i32
    %scan3A_18 = arith.constant 1 : i32
    %scan3A_19 = scf.for %scan3A_45 = %scan3A_15 to %scan3A_17 step %scan3A_18 iter_args(%scan3A_46 = %scan3A_14) -> (i32)  : i32 {
      %broadcast_in_dim3A = arith.constant 0.000000e+00 : f32
      %broadcast_in_dim3A_47 = vector.broadcast %broadcast_in_dim3A : f32 to vector<16xf32>
      %mul3A_48 = arith.constant 16 : i32
      %mul3A_49 = arith.muli %scan3A_45, %mul3A_48 : i32
      %swap3A = arith.index_cast %mul3A_49 : i32 to index
      %swap3A_50 = tpu.vector_load %arg6[%swap3A] {strides = array<i32>} : memref<640xf32, #tpu.memory_space<vmem>>, vector<16xf32>,
      %swap3A_51 = vector.shape_cast %swap3A_50 : vector<16xf32> to vector<16xf32>
      %swap3A_52 = vector.shape_cast %broadcast_in_dim3A_47 : vector<16xf32> to vector<16xf32>
      tpu.vector_store %arg6[%swap3A], %swap3A_52 {strides = array<i32>} : memref<640xf32, #tpu.memory_space<vmem>>, vector<16xf32>,
      %scan3A_53 = arith.constant 0 : i32
      scf.yield %scan3A_53 : i32
    }
    %scan3A_20 = arith.constant 40 : i32
    %mul3A_21 = arith.constant 640 : i32
    %mul3A_22 = arith.muli %arg1, %mul3A_21 : i32
    "tpu.region"() ({
      %run_scoped3A = tpu.sem_alloc : memref<!tpu.dma_semaphore, #tpu.memory_space<semaphore_mem>>
      %dma_start3A_45 = tpu.memref_slice %arg7[%mul3A_22] : memref<10240xf32, #tpu.memory_space<vmem_shared>> -> memref<640xf32, #tpu.memory_space<vmem_shared>>
      %dma_start3A_46 = tpu.memref_slice %arg7[%mul3A_22] : memref<10240xf32, #tpu.memory_space<vmem_shared>> -> memref<640xf32, #tpu.memory_space<vmem_shared>>
      tpu.enqueue_dma source(%arg6 : memref<640xf32, #tpu.memory_space<vmem>>) target(%dma_start3A_46 : memref<640xf32, #tpu.memory_space<vmem_shared>>) target_semaphore(%run_scoped3A : memref<!tpu.dma_semaphore, #tpu.memory_space<semaphore_mem>>)
      %dma_wait3A_47 = tpu.memref_slice %arg7[%mul3A_22] : memref<10240xf32, #tpu.memory_space<vmem_shared>> -> memref<640xf32, #tpu.memory_space<vmem_shared>>
      %dma_wait3A_48 = tpu.memref_slice %arg7[%mul3A_22] : memref<10240xf32, #tpu.memory_space<vmem_shared>> -> memref<640xf32, #tpu.memory_space<vmem_shared>>
      tpu.wait_dma2 semaphore(%run_scoped3A : memref<!tpu.dma_semaphore, #tpu.memory_space<semaphore_mem>>) src(%arg6 : memref<640xf32, #tpu.memory_space<vmem>>) dst(%dma_wait3A_48 : memref<640xf32, #tpu.memory_space<vmem_shared>>)
      tpu.yield
    }) : () -> ()
    %dma_wait3A = arith.constant 0 : i32
    %dma_wait3A_23 = arith.constant 0 : i32
    %dma_wait3A_24 = tpu.memref_slice %arg2[%add3A, %dma_wait3A, %dma_wait3A_23] : memref<32x125x80xi32, #tpu.memory_space<hbm>> -> memref<1x125x80xi32, #tpu.memory_space<hbm>>
    %dma_wait3A_25 = tpu.memref_squeeze %dma_wait3A_24 : memref<1x125x80xi32, #tpu.memory_space<hbm>> -> memref<125x80xi32, #tpu.memory_space<hbm>>
    %dma_wait3A_26 = arith.constant 0 : i32
    %dma_wait3A_27 = arith.constant 0 : i32
    %dma_wait3A_28 = tpu.memref_slice %arg2[%add3A, %dma_wait3A_26, %dma_wait3A_27] : memref<32x125x80xi32, #tpu.memory_space<hbm>> -> memref<1x125x80xi32, #tpu.memory_space<hbm>>
    %dma_wait3A_29 = tpu.memref_squeeze %dma_wait3A_28 : memref<1x125x80xi32, #tpu.memory_space<hbm>> -> memref<125x80xi32, #tpu.memory_space<hbm>>
    tpu.wait_dma2 semaphore(%arg8 : memref<!tpu.dma_semaphore, #tpu.memory_space<semaphore_mem>>) src(%dma_wait3A_29 : memref<125x80xi32, #tpu.memory_space<hbm>>) dst(%arg4 : memref<125x80xi32, #tpu.memory_space<vmem>>)
    %barrier3A = arith.constant 0 : index
    tpu.barrier barrier_id(%barrier3A)
    %scan3A_30 = arith.constant 0 : i32
    %scan3A_31 = arith.constant 0 : i32
    %scan3A_32 = arith.constant 5 : i32
    %scan3A_33 = arith.addi %scan3A_31, %scan3A_32 : i32
    %scan3A_34 = arith.constant 1 : i32
    %scan3A_35 = scf.for %scan3A_45 = %scan3A_31 to %scan3A_33 step %scan3A_34 iter_args(%scan3A_46 = %scan3A_30) -> (i32)  : i32 {
      %mul3A_47 = arith.constant 25 : i32
      %mul3A_48 = arith.muli %mul3A_47, %scan3A_45 : i32
      %add3A_49 = arith.constant 0 : i32
      %add3A_50 = arith.addi %mul3A_48, %add3A_49 : i32
      %dma_start3A_51 = arith.constant 0 : i32
      %dma_start3A_52 = tpu.memref_slice %arg4[%add3A_50, %dma_start3A_51] : memref<125x80xi32, #tpu.memory_space<vmem>> -> memref<1x80xi32, #tpu.memory_space<vmem>>
      %dma_start3A_53 = tpu.memref_squeeze %dma_start3A_52 : memref<1x80xi32, #tpu.memory_space<vmem>> -> memref<80xi32, #tpu.memory_space<vmem>>
      %dma_start3A_54 = arith.constant 0 : i32
      %dma_start3A_55 = tpu.memref_slice %arg7[%dma_start3A_54] : memref<10240xf32, #tpu.memory_space<vmem_shared>> -> memref<10240xf32, #tpu.memory_space<vmem_shared>>
      tpu.enqueue_indirect_dma source(%arg5 : memref<80xf32, #tpu.memory_space<vmem>>) target(%dma_start3A_55 : memref<10240xf32, #tpu.memory_space<vmem_shared>>) offsets(%dma_start3A_53 : memref<80xi32, #tpu.memory_space<vmem>>) semaphore(%arg8 : memref<!tpu.dma_semaphore, #tpu.memory_space<semaphore_mem>>) {add = true}
      %add3A_56 = arith.constant 1 : i32
      %add3A_57 = arith.addi %mul3A_48, %add3A_56 : i32
      %dma_start3A_58 = arith.constant 0 : i32
      %dma_start3A_59 = tpu.memref_slice %arg4[%add3A_57, %dma_start3A_58] : memref<125x80xi32, #tpu.memory_space<vmem>> -> memref<1x80xi32, #tpu.memory_space<vmem>>
      %dma_start3A_60 = tpu.memref_squeeze %dma_start3A_59 : memref<1x80xi32, #tpu.memory_space<vmem>> -> memref<80xi32, #tpu.memory_space<vmem>>
      %dma_start3A_61 = arith.constant 0 : i32
      %dma_start3A_62 = tpu.memref_slice %arg7[%dma_start3A_61] : memref<10240xf32, #tpu.memory_space<vmem_shared>> -> memref<10240xf32, #tpu.memory_space<vmem_shared>>
      tpu.enqueue_indirect_dma source(%arg5 : memref<80xf32, #tpu.memory_space<vmem>>) target(%dma_start3A_62 : memref<10240xf32, #tpu.memory_space<vmem_shared>>) offsets(%dma_start3A_60 : memref<80xi32, #tpu.memory_space<vmem>>) semaphore(%arg8 : memref<!tpu.dma_semaphore, #tpu.memory_space<semaphore_mem>>) {add = true}
      %add3A_63 = arith.constant 2 : i32
      %add3A_64 = arith.addi %mul3A_48, %add3A_63 : i32
      %dma_start3A_65 = arith.constant 0 : i32
      %dma_start3A_66 = tpu.memref_slice %arg4[%add3A_64, %dma_start3A_65] : memref<125x80xi32, #tpu.memory_space<vmem>> -> memref<1x80xi32, #tpu.memory_space<vmem>>
      %dma_start3A_67 = tpu.memref_squeeze %dma_start3A_66 : memref<1x80xi32, #tpu.memory_space<vmem>> -> memref<80xi32, #tpu.memory_space<vmem>>
      %dma_start3A_68 = arith.constant 0 : i32
      %dma_start3A_69 = tpu.memref_slice %arg7[%dma_start3A_68] : memref<10240xf32, #tpu.memory_space<vmem_shared>> -> memref<10240xf32, #tpu.memory_space<vmem_shared>>
      tpu.enqueue_indirect_dma source(%arg5 : memref<80xf32, #tpu.memory_space<vmem>>) target(%dma_start3A_69 : memref<10240xf32, #tpu.memory_space<vmem_shared>>) offsets(%dma_start3A_67 : memref<80xi32, #tpu.memory_space<vmem>>) semaphore(%arg8 : memref<!tpu.dma_semaphore, #tpu.memory_space<semaphore_mem>>) {add = true}
      %add3A_70 = arith.constant 3 : i32
      %add3A_71 = arith.addi %mul3A_48, %add3A_70 : i32
      %dma_start3A_72 = arith.constant 0 : i32
      %dma_start3A_73 = tpu.memref_slice %arg4[%add3A_71, %dma_start3A_72] : memref<125x80xi32, #tpu.memory_space<vmem>> -> memref<1x80xi32, #tpu.memory_space<vmem>>
      %dma_start3A_74 = tpu.memref_squeeze %dma_start3A_73 : memref<1x80xi32, #tpu.memory_space<vmem>> -> memref<80xi32, #tpu.memory_space<vmem>>
      %dma_start3A_75 = arith.constant 0 : i32
      %dma_start3A_76 = tpu.memref_slice %arg7[%dma_start3A_75] : memref<10240xf32, #tpu.memory_space<vmem_shared>> -> memref<10240xf32, #tpu.memory_space<vmem_shared>>
      tpu.enqueue_indirect_dma source(%arg5 : memref<80xf32, #tpu.memory_space<vmem>>) target(%dma_start3A_76 : memref<10240xf32, #tpu.memory_space<vmem_shared>>) offsets(%dma_start3A_74 : memref<80xi32, #tpu.memory_space<vmem>>) semaphore(%arg8 : memref<!tpu.dma_semaphore, #tpu.memory_space<semaphore_mem>>) {add = true}
      %add3A_77 = arith.constant 4 : i32
      %add3A_78 = arith.addi %mul3A_48, %add3A_77 : i32
      %dma_start3A_79 = arith.constant 0 : i32
      %dma_start3A_80 = tpu.memref_slice %arg4[%add3A_78, %dma_start3A_79] : memref<125x80xi32, #tpu.memory_space<vmem>> -> memref<1x80xi32, #tpu.memory_space<vmem>>
      %dma_start3A_81 = tpu.memref_squeeze %dma_start3A_80 : memref<1x80xi32, #tpu.memory_space<vmem>> -> memref<80xi32, #tpu.memory_space<vmem>>
      %dma_start3A_82 = arith.constant 0 : i32
      %dma_start3A_83 = tpu.memref_slice %arg7[%dma_start3A_82] : memref<10240xf32, #tpu.memory_space<vmem_shared>> -> memref<10240xf32, #tpu.memory_space<vmem_shared>>
      tpu.enqueue_indirect_dma source(%arg5 : memref<80xf32, #tpu.memory_space<vmem>>) target(%dma_start3A_83 : memref<10240xf32, #tpu.memory_space<vmem_shared>>) offsets(%dma_start3A_81 : memref<80xi32, #tpu.memory_space<vmem>>) semaphore(%arg8 : memref<!tpu.dma_semaphore, #tpu.memory_space<semaphore_mem>>) {add = true}
      %add3A_84 = arith.constant 5 : i32
      %add3A_85 = arith.addi %mul3A_48, %add3A_84 : i32
      %dma_start3A_86 = arith.constant 0 : i32
      %dma_start3A_87 = tpu.memref_slice %arg4[%add3A_85, %dma_start3A_86] : memref<125x80xi32, #tpu.memory_space<vmem>> -> memref<1x80xi32, #tpu.memory_space<vmem>>
      %dma_start3A_88 = tpu.memref_squeeze %dma_start3A_87 : memref<1x80xi32, #tpu.memory_space<vmem>> -> memref<80xi32, #tpu.memory_space<vmem>>
      %dma_start3A_89 = arith.constant 0 : i32
      %dma_start3A_90 = tpu.memref_slice %arg7[%dma_start3A_89] : memref<10240xf32, #tpu.memory_space<vmem_shared>> -> memref<10240xf32, #tpu.memory_space<vmem_shared>>
      tpu.enqueue_indirect_dma source(%arg5 : memref<80xf32, #tpu.memory_space<vmem>>) target(%dma_start3A_90 : memref<10240xf32, #tpu.memory_space<vmem_shared>>) offsets(%dma_start3A_88 : memref<80xi32, #tpu.memory_space<vmem>>) semaphore(%arg8 : memref<!tpu.dma_semaphore, #tpu.memory_space<semaphore_mem>>) {add = true}
      %add3A_91 = arith.constant 6 : i32
      %add3A_92 = arith.addi %mul3A_48, %add3A_91 : i32
      %dma_start3A_93 = arith.constant 0 : i32
      %dma_start3A_94 = tpu.memref_slice %arg4[%add3A_92, %dma_start3A_93] : memref<125x80xi32, #tpu.memory_space<vmem>> -> memref<1x80xi32, #tpu.memory_space<vmem>>
      %dma_start3A_95 = tpu.memref_squeeze %dma_start3A_94 : memref<1x80xi32, #tpu.memory_space<vmem>> -> memref<80xi32, #tpu.memory_space<vmem>>
      %dma_start3A_96 = arith.constant 0 : i32
      %dma_start3A_97 = tpu.memref_slice %arg7[%dma_start3A_96] : memref<10240xf32, #tpu.memory_space<vmem_shared>> -> memref<10240xf32, #tpu.memory_space<vmem_shared>>
      tpu.enqueue_indirect_dma source(%arg5 : memref<80xf32, #tpu.memory_space<vmem>>) target(%dma_start3A_97 : memref<10240xf32, #tpu.memory_space<vmem_shared>>) offsets(%dma_start3A_95 : memref<80xi32, #tpu.memory_space<vmem>>) semaphore(%arg8 : memref<!tpu.dma_semaphore, #tpu.memory_space<semaphore_mem>>) {add = true}
      %add3A_98 = arith.constant 7 : i32
      %add3A_99 = arith.addi %mul3A_48, %add3A_98 : i32
      %dma_start3A_100 = arith.constant 0 : i32
      %dma_start3A_101 = tpu.memref_slice %arg4[%add3A_99, %dma_start3A_100] : memref<125x80xi32, #tpu.memory_space<vmem>> -> memref<1x80xi32, #tpu.memory_space<vmem>>
      %dma_start3A_102 = tpu.memref_squeeze %dma_start3A_101 : memref<1x80xi32, #tpu.memory_space<vmem>> -> memref<80xi32, #tpu.memory_space<vmem>>
      %dma_start3A_103 = arith.constant 0 : i32
      %dma_start3A_104 = tpu.memref_slice %arg7[%dma_start3A_103] : memref<10240xf32, #tpu.memory_space<vmem_shared>> -> memref<10240xf32, #tpu.memory_space<vmem_shared>>
      tpu.enqueue_indirect_dma source(%arg5 : memref<80xf32, #tpu.memory_space<vmem>>) target(%dma_start3A_104 : memref<10240xf32, #tpu.memory_space<vmem_shared>>) offsets(%dma_start3A_102 : memref<80xi32, #tpu.memory_space<vmem>>) semaphore(%arg8 : memref<!tpu.dma_semaphore, #tpu.memory_space<semaphore_mem>>) {add = true}
      %add3A_105 = arith.constant 8 : i32
      %add3A_106 = arith.addi %mul3A_48, %add3A_105 : i32
      %dma_start3A_107 = arith.constant 0 : i32
      %dma_start3A_108 = tpu.memref_slice %arg4[%add3A_106, %dma_start3A_107] : memref<125x80xi32, #tpu.memory_space<vmem>> -> memref<1x80xi32, #tpu.memory_space<vmem>>
      %dma_start3A_109 = tpu.memref_squeeze %dma_start3A_108 : memref<1x80xi32, #tpu.memory_space<vmem>> -> memref<80xi32, #tpu.memory_space<vmem>>
      %dma_start3A_110 = arith.constant 0 : i32
      %dma_start3A_111 = tpu.memref_slice %arg7[%dma_start3A_110] : memref<10240xf32, #tpu.memory_space<vmem_shared>> -> memref<10240xf32, #tpu.memory_space<vmem_shared>>
      tpu.enqueue_indirect_dma source(%arg5 : memref<80xf32, #tpu.memory_space<vmem>>) target(%dma_start3A_111 : memref<10240xf32, #tpu.memory_space<vmem_shared>>) offsets(%dma_start3A_109 : memref<80xi32, #tpu.memory_space<vmem>>) semaphore(%arg8 : memref<!tpu.dma_semaphore, #tpu.memory_space<semaphore_mem>>) {add = true}
      %add3A_112 = arith.constant 9 : i32
      %add3A_113 = arith.addi %mul3A_48, %add3A_112 : i32
      %dma_start3A_114 = arith.constant 0 : i32
      %dma_start3A_115 = tpu.memref_slice %arg4[%add3A_113, %dma_start3A_114] : memref<125x80xi32, #tpu.memory_space<vmem>> -> memref<1x80xi32, #tpu.memory_space<vmem>>
      %dma_start3A_116 = tpu.memref_squeeze %dma_start3A_115 : memref<1x80xi32, #tpu.memory_space<vmem>> -> memref<80xi32, #tpu.memory_space<vmem>>
      %dma_start3A_117 = arith.constant 0 : i32
      %dma_start3A_118 = tpu.memref_slice %arg7[%dma_start3A_117] : memref<10240xf32, #tpu.memory_space<vmem_shared>> -> memref<10240xf32, #tpu.memory_space<vmem_shared>>
      tpu.enqueue_indirect_dma source(%arg5 : memref<80xf32, #tpu.memory_space<vmem>>) target(%dma_start3A_118 : memref<10240xf32, #tpu.memory_space<vmem_shared>>) offsets(%dma_start3A_116 : memref<80xi32, #tpu.memory_space<vmem>>) semaphore(%arg8 : memref<!tpu.dma_semaphore, #tpu.memory_space<semaphore_mem>>) {add = true}
      %add3A_119 = arith.constant 10 : i32
      %add3A_120 = arith.addi %mul3A_48, %add3A_119 : i32
      %dma_start3A_121 = arith.constant 0 : i32
      %dma_start3A_122 = tpu.memref_slice %arg4[%add3A_120, %dma_start3A_121] : memref<125x80xi32, #tpu.memory_space<vmem>> -> memref<1x80xi32, #tpu.memory_space<vmem>>
      %dma_start3A_123 = tpu.memref_squeeze %dma_start3A_122 : memref<1x80xi32, #tpu.memory_space<vmem>> -> memref<80xi32, #tpu.memory_space<vmem>>
      %dma_start3A_124 = arith.constant 0 : i32
      %dma_start3A_125 = tpu.memref_slice %arg7[%dma_start3A_124] : memref<10240xf32, #tpu.memory_space<vmem_shared>> -> memref<10240xf32, #tpu.memory_space<vmem_shared>>
      tpu.enqueue_indirect_dma source(%arg5 : memref<80xf32, #tpu.memory_space<vmem>>) target(%dma_start3A_125 : memref<10240xf32, #tpu.memory_space<vmem_shared>>) offsets(%dma_start3A_123 : memref<80xi32, #tpu.memory_space<vmem>>) semaphore(%arg8 : memref<!tpu.dma_semaphore, #tpu.memory_space<semaphore_mem>>) {add = true}
      %add3A_126 = arith.constant 11 : i32
      %add3A_127 = arith.addi %mul3A_48, %add3A_126 : i32
      %dma_start3A_128 = arith.constant 0 : i32
      %dma_start3A_129 = tpu.memref_slice %arg4[%add3A_127, %dma_start3A_128] : memref<125x80xi32, #tpu.memory_space<vmem>> -> memref<1x80xi32, #tpu.memory_space<vmem>>
      %dma_start3A_130 = tpu.memref_squeeze %dma_start3A_129 : memref<1x80xi32, #tpu.memory_space<vmem>> -> memref<80xi32, #tpu.memory_space<vmem>>
      %dma_start3A_131 = arith.constant 0 : i32
      %dma_start3A_132 = tpu.memref_slice %arg7[%dma_start3A_131] : memref<10240xf32, #tpu.memory_space<vmem_shared>> -> memref<10240xf32, #tpu.memory_space<vmem_shared>>
      tpu.enqueue_indirect_dma source(%arg5 : memref<80xf32, #tpu.memory_space<vmem>>) target(%dma_start3A_132 : memref<10240xf32, #tpu.memory_space<vmem_shared>>) offsets(%dma_start3A_130 : memref<80xi32, #tpu.memory_space<vmem>>) semaphore(%arg8 : memref<!tpu.dma_semaphore, #tpu.memory_space<semaphore_mem>>) {add = true}
      %add3A_133 = arith.constant 12 : i32
      %add3A_134 = arith.addi %mul3A_48, %add3A_133 : i32
      %dma_start3A_135 = arith.constant 0 : i32
      %dma_start3A_136 = tpu.memref_slice %arg4[%add3A_134, %dma_start3A_135] : memref<125x80xi32, #tpu.memory_space<vmem>> -> memref<1x80xi32, #tpu.memory_space<vmem>>
      %dma_start3A_137 = tpu.memref_squeeze %dma_start3A_136 : memref<1x80xi32, #tpu.memory_space<vmem>> -> memref<80xi32, #tpu.memory_space<vmem>>
      %dma_start3A_138 = arith.constant 0 : i32
      %dma_start3A_139 = tpu.memref_slice %arg7[%dma_start3A_138] : memref<10240xf32, #tpu.memory_space<vmem_shared>> -> memref<10240xf32, #tpu.memory_space<vmem_shared>>
      tpu.enqueue_indirect_dma source(%arg5 : memref<80xf32, #tpu.memory_space<vmem>>) target(%dma_start3A_139 : memref<10240xf32, #tpu.memory_space<vmem_shared>>) offsets(%dma_start3A_137 : memref<80xi32, #tpu.memory_space<vmem>>) semaphore(%arg8 : memref<!tpu.dma_semaphore, #tpu.memory_space<semaphore_mem>>) {add = true}
      %add3A_140 = arith.constant 13 : i32
      %add3A_141 = arith.addi %mul3A_48, %add3A_140 : i32
      %dma_start3A_142 = arith.constant 0 : i32
      %dma_start3A_143 = tpu.memref_slice %arg4[%add3A_141, %dma_start3A_142] : memref<125x80xi32, #tpu.memory_space<vmem>> -> memref<1x80xi32, #tpu.memory_space<vmem>>
      %dma_start3A_144 = tpu.memref_squeeze %dma_start3A_143 : memref<1x80xi32, #tpu.memory_space<vmem>> -> memref<80xi32, #tpu.memory_space<vmem>>
      %dma_start3A_145 = arith.constant 0 : i32
      %dma_start3A_146 = tpu.memref_slice %arg7[%dma_start3A_145] : memref<10240xf32, #tpu.memory_space<vmem_shared>> -> memref<10240xf32, #tpu.memory_space<vmem_shared>>
      tpu.enqueue_indirect_dma source(%arg5 : memref<80xf32, #tpu.memory_space<vmem>>) target(%dma_start3A_146 : memref<10240xf32, #tpu.memory_space<vmem_shared>>) offsets(%dma_start3A_144 : memref<80xi32, #tpu.memory_space<vmem>>) semaphore(%arg8 : memref<!tpu.dma_semaphore, #tpu.memory_space<semaphore_mem>>) {add = true}
      %add3A_147 = arith.constant 14 : i32
      %add3A_148 = arith.addi %mul3A_48, %add3A_147 : i32
      %dma_start3A_149 = arith.constant 0 : i32
      %dma_start3A_150 = tpu.memref_slice %arg4[%add3A_148, %dma_start3A_149] : memref<125x80xi32, #tpu.memory_space<vmem>> -> memref<1x80xi32, #tpu.memory_space<vmem>>
      %dma_start3A_151 = tpu.memref_squeeze %dma_start3A_150 : memref<1x80xi32, #tpu.memory_space<vmem>> -> memref<80xi32, #tpu.memory_space<vmem>>
      %dma_start3A_152 = arith.constant 0 : i32
      %dma_start3A_153 = tpu.memref_slice %arg7[%dma_start3A_152] : memref<10240xf32, #tpu.memory_space<vmem_shared>> -> memref<10240xf32, #tpu.memory_space<vmem_shared>>
      tpu.enqueue_indirect_dma source(%arg5 : memref<80xf32, #tpu.memory_space<vmem>>) target(%dma_start3A_153 : memref<10240xf32, #tpu.memory_space<vmem_shared>>) offsets(%dma_start3A_151 : memref<80xi32, #tpu.memory_space<vmem>>) semaphore(%arg8 : memref<!tpu.dma_semaphore, #tpu.memory_space<semaphore_mem>>) {add = true}
      %add3A_154 = arith.constant 15 : i32
      %add3A_155 = arith.addi %mul3A_48, %add3A_154 : i32
      %dma_start3A_156 = arith.constant 0 : i32
      %dma_start3A_157 = tpu.memref_slice %arg4[%add3A_155, %dma_start3A_156] : memref<125x80xi32, #tpu.memory_space<vmem>> -> memref<1x80xi32, #tpu.memory_space<vmem>>
      %dma_start3A_158 = tpu.memref_squeeze %dma_start3A_157 : memref<1x80xi32, #tpu.memory_space<vmem>> -> memref<80xi32, #tpu.memory_space<vmem>>
      %dma_start3A_159 = arith.constant 0 : i32
      %dma_start3A_160 = tpu.memref_slice %arg7[%dma_start3A_159] : memref<10240xf32, #tpu.memory_space<vmem_shared>> -> memref<10240xf32, #tpu.memory_space<vmem_shared>>
      tpu.enqueue_indirect_dma source(%arg5 : memref<80xf32, #tpu.memory_space<vmem>>) target(%dma_start3A_160 : memref<10240xf32, #tpu.memory_space<vmem_shared>>) offsets(%dma_start3A_158 : memref<80xi32, #tpu.memory_space<vmem>>) semaphore(%arg8 : memref<!tpu.dma_semaphore, #tpu.memory_space<semaphore_mem>>) {add = true}
      %add3A_161 = arith.constant 16 : i32
      %add3A_162 = arith.addi %mul3A_48, %add3A_161 : i32
      %dma_start3A_163 = arith.constant 0 : i32
      %dma_start3A_164 = tpu.memref_slice %arg4[%add3A_162, %dma_start3A_163] : memref<125x80xi32, #tpu.memory_space<vmem>> -> memref<1x80xi32, #tpu.memory_space<vmem>>
      %dma_start3A_165 = tpu.memref_squeeze %dma_start3A_164 : memref<1x80xi32, #tpu.memory_space<vmem>> -> memref<80xi32, #tpu.memory_space<vmem>>
      %dma_start3A_166 = arith.constant 0 : i32
      %dma_start3A_167 = tpu.memref_slice %arg7[%dma_start3A_166] : memref<10240xf32, #tpu.memory_space<vmem_shared>> -> memref<10240xf32, #tpu.memory_space<vmem_shared>>
      tpu.enqueue_indirect_dma source(%arg5 : memref<80xf32, #tpu.memory_space<vmem>>) target(%dma_start3A_167 : memref<10240xf32, #tpu.memory_space<vmem_shared>>) offsets(%dma_start3A_165 : memref<80xi32, #tpu.memory_space<vmem>>) semaphore(%arg8 : memref<!tpu.dma_semaphore, #tpu.memory_space<semaphore_mem>>) {add = true}
      %add3A_168 = arith.constant 17 : i32
      %add3A_169 = arith.addi %mul3A_48, %add3A_168 : i32
      %dma_start3A_170 = arith.constant 0 : i32
      %dma_start3A_171 = tpu.memref_slice %arg4[%add3A_169, %dma_start3A_170] : memref<125x80xi32, #tpu.memory_space<vmem>> -> memref<1x80xi32, #tpu.memory_space<vmem>>
      %dma_start3A_172 = tpu.memref_squeeze %dma_start3A_171 : memref<1x80xi32, #tpu.memory_space<vmem>> -> memref<80xi32, #tpu.memory_space<vmem>>
      %dma_start3A_173 = arith.constant 0 : i32
      %dma_start3A_174 = tpu.memref_slice %arg7[%dma_start3A_173] : memref<10240xf32, #tpu.memory_space<vmem_shared>> -> memref<10240xf32, #tpu.memory_space<vmem_shared>>
      tpu.enqueue_indirect_dma source(%arg5 : memref<80xf32, #tpu.memory_space<vmem>>) target(%dma_start3A_174 : memref<10240xf32, #tpu.memory_space<vmem_shared>>) offsets(%dma_start3A_172 : memref<80xi32, #tpu.memory_space<vmem>>) semaphore(%arg8 : memref<!tpu.dma_semaphore, #tpu.memory_space<semaphore_mem>>) {add = true}
      %add3A_175 = arith.constant 18 : i32
      %add3A_176 = arith.addi %mul3A_48, %add3A_175 : i32
      %dma_start3A_177 = arith.constant 0 : i32
      %dma_start3A_178 = tpu.memref_slice %arg4[%add3A_176, %dma_start3A_177] : memref<125x80xi32, #tpu.memory_space<vmem>> -> memref<1x80xi32, #tpu.memory_space<vmem>>
      %dma_start3A_179 = tpu.memref_squeeze %dma_start3A_178 : memref<1x80xi32, #tpu.memory_space<vmem>> -> memref<80xi32, #tpu.memory_space<vmem>>
      %dma_start3A_180 = arith.constant 0 : i32
      %dma_start3A_181 = tpu.memref_slice %arg7[%dma_start3A_180] : memref<10240xf32, #tpu.memory_space<vmem_shared>> -> memref<10240xf32, #tpu.memory_space<vmem_shared>>
      tpu.enqueue_indirect_dma source(%arg5 : memref<80xf32, #tpu.memory_space<vmem>>) target(%dma_start3A_181 : memref<10240xf32, #tpu.memory_space<vmem_shared>>) offsets(%dma_start3A_179 : memref<80xi32, #tpu.memory_space<vmem>>) semaphore(%arg8 : memref<!tpu.dma_semaphore, #tpu.memory_space<semaphore_mem>>) {add = true}
      %add3A_182 = arith.constant 19 : i32
      %add3A_183 = arith.addi %mul3A_48, %add3A_182 : i32
      %dma_start3A_184 = arith.constant 0 : i32
      %dma_start3A_185 = tpu.memref_slice %arg4[%add3A_183, %dma_start3A_184] : memref<125x80xi32, #tpu.memory_space<vmem>> -> memref<1x80xi32, #tpu.memory_space<vmem>>
      %dma_start3A_186 = tpu.memref_squeeze %dma_start3A_185 : memref<1x80xi32, #tpu.memory_space<vmem>> -> memref<80xi32, #tpu.memory_space<vmem>>
      %dma_start3A_187 = arith.constant 0 : i32
      %dma_start3A_188 = tpu.memref_slice %arg7[%dma_start3A_187] : memref<10240xf32, #tpu.memory_space<vmem_shared>> -> memref<10240xf32, #tpu.memory_space<vmem_shared>>
      tpu.enqueue_indirect_dma source(%arg5 : memref<80xf32, #tpu.memory_space<vmem>>) target(%dma_start3A_188 : memref<10240xf32, #tpu.memory_space<vmem_shared>>) offsets(%dma_start3A_186 : memref<80xi32, #tpu.memory_space<vmem>>) semaphore(%arg8 : memref<!tpu.dma_semaphore, #tpu.memory_space<semaphore_mem>>) {add = true}
      %add3A_189 = arith.constant 20 : i32
      %add3A_190 = arith.addi %mul3A_48, %add3A_189 : i32
      %dma_start3A_191 = arith.constant 0 : i32
      %dma_start3A_192 = tpu.memref_slice %arg4[%add3A_190, %dma_start3A_191] : memref<125x80xi32, #tpu.memory_space<vmem>> -> memref<1x80xi32, #tpu.memory_space<vmem>>
      %dma_start3A_193 = tpu.memref_squeeze %dma_start3A_192 : memref<1x80xi32, #tpu.memory_space<vmem>> -> memref<80xi32, #tpu.memory_space<vmem>>
      %dma_start3A_194 = arith.constant 0 : i32
      %dma_start3A_195 = tpu.memref_slice %arg7[%dma_start3A_194] : memref<10240xf32, #tpu.memory_space<vmem_shared>> -> memref<10240xf32, #tpu.memory_space<vmem_shared>>
      tpu.enqueue_indirect_dma source(%arg5 : memref<80xf32, #tpu.memory_space<vmem>>) target(%dma_start3A_195 : memref<10240xf32, #tpu.memory_space<vmem_shared>>) offsets(%dma_start3A_193 : memref<80xi32, #tpu.memory_space<vmem>>) semaphore(%arg8 : memref<!tpu.dma_semaphore, #tpu.memory_space<semaphore_mem>>) {add = true}
      %add3A_196 = arith.constant 21 : i32
      %add3A_197 = arith.addi %mul3A_48, %add3A_196 : i32
      %dma_start3A_198 = arith.constant 0 : i32
      %dma_start3A_199 = tpu.memref_slice %arg4[%add3A_197, %dma_start3A_198] : memref<125x80xi32, #tpu.memory_space<vmem>> -> memref<1x80xi32, #tpu.memory_space<vmem>>
      %dma_start3A_200 = tpu.memref_squeeze %dma_start3A_199 : memref<1x80xi32, #tpu.memory_space<vmem>> -> memref<80xi32, #tpu.memory_space<vmem>>
      %dma_start3A_201 = arith.constant 0 : i32
      %dma_start3A_202 = tpu.memref_slice %arg7[%dma_start3A_201] : memref<10240xf32, #tpu.memory_space<vmem_shared>> -> memref<10240xf32, #tpu.memory_space<vmem_shared>>
      tpu.enqueue_indirect_dma source(%arg5 : memref<80xf32, #tpu.memory_space<vmem>>) target(%dma_start3A_202 : memref<10240xf32, #tpu.memory_space<vmem_shared>>) offsets(%dma_start3A_200 : memref<80xi32, #tpu.memory_space<vmem>>) semaphore(%arg8 : memref<!tpu.dma_semaphore, #tpu.memory_space<semaphore_mem>>) {add = true}
      %add3A_203 = arith.constant 22 : i32
      %add3A_204 = arith.addi %mul3A_48, %add3A_203 : i32
      %dma_start3A_205 = arith.constant 0 : i32
      %dma_start3A_206 = tpu.memref_slice %arg4[%add3A_204, %dma_start3A_205] : memref<125x80xi32, #tpu.memory_space<vmem>> -> memref<1x80xi32, #tpu.memory_space<vmem>>
      %dma_start3A_207 = tpu.memref_squeeze %dma_start3A_206 : memref<1x80xi32, #tpu.memory_space<vmem>> -> memref<80xi32, #tpu.memory_space<vmem>>
      %dma_start3A_208 = arith.constant 0 : i32
      %dma_start3A_209 = tpu.memref_slice %arg7[%dma_start3A_208] : memref<10240xf32, #tpu.memory_space<vmem_shared>> -> memref<10240xf32, #tpu.memory_space<vmem_shared>>
      tpu.enqueue_indirect_dma source(%arg5 : memref<80xf32, #tpu.memory_space<vmem>>) target(%dma_start3A_209 : memref<10240xf32, #tpu.memory_space<vmem_shared>>) offsets(%dma_start3A_207 : memref<80xi32, #tpu.memory_space<vmem>>) semaphore(%arg8 : memref<!tpu.dma_semaphore, #tpu.memory_space<semaphore_mem>>) {add = true}
      %add3A_210 = arith.constant 23 : i32
      %add3A_211 = arith.addi %mul3A_48, %add3A_210 : i32
      %dma_start3A_212 = arith.constant 0 : i32
      %dma_start3A_213 = tpu.memref_slice %arg4[%add3A_211, %dma_start3A_212] : memref<125x80xi32, #tpu.memory_space<vmem>> -> memref<1x80xi32, #tpu.memory_space<vmem>>
      %dma_start3A_214 = tpu.memref_squeeze %dma_start3A_213 : memref<1x80xi32, #tpu.memory_space<vmem>> -> memref<80xi32, #tpu.memory_space<vmem>>
      %dma_start3A_215 = arith.constant 0 : i32
      %dma_start3A_216 = tpu.memref_slice %arg7[%dma_start3A_215] : memref<10240xf32, #tpu.memory_space<vmem_shared>> -> memref<10240xf32, #tpu.memory_space<vmem_shared>>
      tpu.enqueue_indirect_dma source(%arg5 : memref<80xf32, #tpu.memory_space<vmem>>) target(%dma_start3A_216 : memref<10240xf32, #tpu.memory_space<vmem_shared>>) offsets(%dma_start3A_214 : memref<80xi32, #tpu.memory_space<vmem>>) semaphore(%arg8 : memref<!tpu.dma_semaphore, #tpu.memory_space<semaphore_mem>>) {add = true}
      %add3A_217 = arith.constant 24 : i32
      %add3A_218 = arith.addi %mul3A_48, %add3A_217 : i32
      %dma_start3A_219 = arith.constant 0 : i32
      %dma_start3A_220 = tpu.memref_slice %arg4[%add3A_218, %dma_start3A_219] : memref<125x80xi32, #tpu.memory_space<vmem>> -> memref<1x80xi32, #tpu.memory_space<vmem>>
      %dma_start3A_221 = tpu.memref_squeeze %dma_start3A_220 : memref<1x80xi32, #tpu.memory_space<vmem>> -> memref<80xi32, #tpu.memory_space<vmem>>
      %dma_start3A_222 = arith.constant 0 : i32
      %dma_start3A_223 = tpu.memref_slice %arg7[%dma_start3A_222] : memref<10240xf32, #tpu.memory_space<vmem_shared>> -> memref<10240xf32, #tpu.memory_space<vmem_shared>>
      tpu.enqueue_indirect_dma source(%arg5 : memref<80xf32, #tpu.memory_space<vmem>>) target(%dma_start3A_223 : memref<10240xf32, #tpu.memory_space<vmem_shared>>) offsets(%dma_start3A_221 : memref<80xi32, #tpu.memory_space<vmem>>) semaphore(%arg8 : memref<!tpu.dma_semaphore, #tpu.memory_space<semaphore_mem>>) {add = true}
      %add3A_224 = arith.constant 0 : i32
      %add3A_225 = arith.addi %mul3A_48, %add3A_224 : i32
      %dma_wait3A_226 = arith.constant 0 : i32
      %dma_wait3A_227 = tpu.memref_slice %arg4[%add3A_225, %dma_wait3A_226] : memref<125x80xi32, #tpu.memory_space<vmem>> -> memref<1x80xi32, #tpu.memory_space<vmem>>
      %dma_wait3A_228 = tpu.memref_squeeze %dma_wait3A_227 : memref<1x80xi32, #tpu.memory_space<vmem>> -> memref<80xi32, #tpu.memory_space<vmem>>
      %dma_wait3A_229 = arith.constant 0 : i32
      %dma_wait3A_230 = tpu.memref_slice %arg7[%dma_wait3A_229] : memref<10240xf32, #tpu.memory_space<vmem_shared>> -> memref<10240xf32, #tpu.memory_space<vmem_shared>>
      tpu.wait_indirect_dma semaphore(%arg8 : memref<!tpu.dma_semaphore, #tpu.memory_space<semaphore_mem>>) src(%arg5 : memref<80xf32, #tpu.memory_space<vmem>>) dst(%dma_wait3A_230 : memref<10240xf32, #tpu.memory_space<vmem_shared>>)
      %add3A_231 = arith.constant 1 : i32
      %add3A_232 = arith.addi %mul3A_48, %add3A_231 : i32
      %dma_wait3A_233 = arith.constant 0 : i32
      %dma_wait3A_234 = tpu.memref_slice %arg4[%add3A_232, %dma_wait3A_233] : memref<125x80xi32, #tpu.memory_space<vmem>> -> memref<1x80xi32, #tpu.memory_space<vmem>>
      %dma_wait3A_235 = tpu.memref_squeeze %dma_wait3A_234 : memref<1x80xi32, #tpu.memory_space<vmem>> -> memref<80xi32, #tpu.memory_space<vmem>>
      %dma_wait3A_236 = arith.constant 0 : i32
      %dma_wait3A_237 = tpu.memref_slice %arg7[%dma_wait3A_236] : memref<10240xf32, #tpu.memory_space<vmem_shared>> -> memref<10240xf32, #tpu.memory_space<vmem_shared>>
      tpu.wait_indirect_dma semaphore(%arg8 : memref<!tpu.dma_semaphore, #tpu.memory_space<semaphore_mem>>) src(%arg5 : memref<80xf32, #tpu.memory_space<vmem>>) dst(%dma_wait3A_237 : memref<10240xf32, #tpu.memory_space<vmem_shared>>)
      %add3A_238 = arith.constant 2 : i32
      %add3A_239 = arith.addi %mul3A_48, %add3A_238 : i32
      %dma_wait3A_240 = arith.constant 0 : i32
      %dma_wait3A_241 = tpu.memref_slice %arg4[%add3A_239, %dma_wait3A_240] : memref<125x80xi32, #tpu.memory_space<vmem>> -> memref<1x80xi32, #tpu.memory_space<vmem>>
      %dma_wait3A_242 = tpu.memref_squeeze %dma_wait3A_241 : memref<1x80xi32, #tpu.memory_space<vmem>> -> memref<80xi32, #tpu.memory_space<vmem>>
      %dma_wait3A_243 = arith.constant 0 : i32
      %dma_wait3A_244 = tpu.memref_slice %arg7[%dma_wait3A_243] : memref<10240xf32, #tpu.memory_space<vmem_shared>> -> memref<10240xf32, #tpu.memory_space<vmem_shared>>
      tpu.wait_indirect_dma semaphore(%arg8 : memref<!tpu.dma_semaphore, #tpu.memory_space<semaphore_mem>>) src(%arg5 : memref<80xf32, #tpu.memory_space<vmem>>) dst(%dma_wait3A_244 : memref<10240xf32, #tpu.memory_space<vmem_shared>>)
      %add3A_245 = arith.constant 3 : i32
      %add3A_246 = arith.addi %mul3A_48, %add3A_245 : i32
      %dma_wait3A_247 = arith.constant 0 : i32
      %dma_wait3A_248 = tpu.memref_slice %arg4[%add3A_246, %dma_wait3A_247] : memref<125x80xi32, #tpu.memory_space<vmem>> -> memref<1x80xi32, #tpu.memory_space<vmem>>
      %dma_wait3A_249 = tpu.memref_squeeze %dma_wait3A_248 : memref<1x80xi32, #tpu.memory_space<vmem>> -> memref<80xi32, #tpu.memory_space<vmem>>
      %dma_wait3A_250 = arith.constant 0 : i32
      %dma_wait3A_251 = tpu.memref_slice %arg7[%dma_wait3A_250] : memref<10240xf32, #tpu.memory_space<vmem_shared>> -> memref<10240xf32, #tpu.memory_space<vmem_shared>>
      tpu.wait_indirect_dma semaphore(%arg8 : memref<!tpu.dma_semaphore, #tpu.memory_space<semaphore_mem>>) src(%arg5 : memref<80xf32, #tpu.memory_space<vmem>>) dst(%dma_wait3A_251 : memref<10240xf32, #tpu.memory_space<vmem_shared>>)
      %add3A_252 = arith.constant 4 : i32
      %add3A_253 = arith.addi %mul3A_48, %add3A_252 : i32
      %dma_wait3A_254 = arith.constant 0 : i32
      %dma_wait3A_255 = tpu.memref_slice %arg4[%add3A_253, %dma_wait3A_254] : memref<125x80xi32, #tpu.memory_space<vmem>> -> memref<1x80xi32, #tpu.memory_space<vmem>>
      %dma_wait3A_256 = tpu.memref_squeeze %dma_wait3A_255 : memref<1x80xi32, #tpu.memory_space<vmem>> -> memref<80xi32, #tpu.memory_space<vmem>>
      %dma_wait3A_257 = arith.constant 0 : i32
      %dma_wait3A_258 = tpu.memref_slice %arg7[%dma_wait3A_257] : memref<10240xf32, #tpu.memory_space<vmem_shared>> -> memref<10240xf32, #tpu.memory_space<vmem_shared>>
      tpu.wait_indirect_dma semaphore(%arg8 : memref<!tpu.dma_semaphore, #tpu.memory_space<semaphore_mem>>) src(%arg5 : memref<80xf32, #tpu.memory_space<vmem>>) dst(%dma_wait3A_258 : memref<10240xf32, #tpu.memory_space<vmem_shared>>)
      %add3A_259 = arith.constant 5 : i32
      %add3A_260 = arith.addi %mul3A_48, %add3A_259 : i32
      %dma_wait3A_261 = arith.constant 0 : i32
      %dma_wait3A_262 = tpu.memref_slice %arg4[%add3A_260, %dma_wait3A_261] : memref<125x80xi32, #tpu.memory_space<vmem>> -> memref<1x80xi32, #tpu.memory_space<vmem>>
      %dma_wait3A_263 = tpu.memref_squeeze %dma_wait3A_262 : memref<1x80xi32, #tpu.memory_space<vmem>> -> memref<80xi32, #tpu.memory_space<vmem>>
      %dma_wait3A_264 = arith.constant 0 : i32
      %dma_wait3A_265 = tpu.memref_slice %arg7[%dma_wait3A_264] : memref<10240xf32, #tpu.memory_space<vmem_shared>> -> memref<10240xf32, #tpu.memory_space<vmem_shared>>
      tpu.wait_indirect_dma semaphore(%arg8 : memref<!tpu.dma_semaphore, #tpu.memory_space<semaphore_mem>>) src(%arg5 : memref<80xf32, #tpu.memory_space<vmem>>) dst(%dma_wait3A_265 : memref<10240xf32, #tpu.memory_space<vmem_shared>>)
      %add3A_266 = arith.constant 6 : i32
      %add3A_267 = arith.addi %mul3A_48, %add3A_266 : i32
      %dma_wait3A_268 = arith.constant 0 : i32
      %dma_wait3A_269 = tpu.memref_slice %arg4[%add3A_267, %dma_wait3A_268] : memref<125x80xi32, #tpu.memory_space<vmem>> -> memref<1x80xi32, #tpu.memory_space<vmem>>
      %dma_wait3A_270 = tpu.memref_squeeze %dma_wait3A_269 : memref<1x80xi32, #tpu.memory_space<vmem>> -> memref<80xi32, #tpu.memory_space<vmem>>
      %dma_wait3A_271 = arith.constant 0 : i32
      %dma_wait3A_272 = tpu.memref_slice %arg7[%dma_wait3A_271] : memref<10240xf32, #tpu.memory_space<vmem_shared>> -> memref<10240xf32, #tpu.memory_space<vmem_shared>>
      tpu.wait_indirect_dma semaphore(%arg8 : memref<!tpu.dma_semaphore, #tpu.memory_space<semaphore_mem>>) src(%arg5 : memref<80xf32, #tpu.memory_space<vmem>>) dst(%dma_wait3A_272 : memref<10240xf32, #tpu.memory_space<vmem_shared>>)
      %add3A_273 = arith.constant 7 : i32
      %add3A_274 = arith.addi %mul3A_48, %add3A_273 : i32
      %dma_wait3A_275 = arith.constant 0 : i32
      %dma_wait3A_276 = tpu.memref_slice %arg4[%add3A_274, %dma_wait3A_275] : memref<125x80xi32, #tpu.memory_space<vmem>> -> memref<1x80xi32, #tpu.memory_space<vmem>>
      %dma_wait3A_277 = tpu.memref_squeeze %dma_wait3A_276 : memref<1x80xi32, #tpu.memory_space<vmem>> -> memref<80xi32, #tpu.memory_space<vmem>>
      %dma_wait3A_278 = arith.constant 0 : i32
      %dma_wait3A_279 = tpu.memref_slice %arg7[%dma_wait3A_278] : memref<10240xf32, #tpu.memory_space<vmem_shared>> -> memref<10240xf32, #tpu.memory_space<vmem_shared>>
      tpu.wait_indirect_dma semaphore(%arg8 : memref<!tpu.dma_semaphore, #tpu.memory_space<semaphore_mem>>) src(%arg5 : memref<80xf32, #tpu.memory_space<vmem>>) dst(%dma_wait3A_279 : memref<10240xf32, #tpu.memory_space<vmem_shared>>)
      %add3A_280 = arith.constant 8 : i32
      %add3A_281 = arith.addi %mul3A_48, %add3A_280 : i32
      %dma_wait3A_282 = arith.constant 0 : i32
      %dma_wait3A_283 = tpu.memref_slice %arg4[%add3A_281, %dma_wait3A_282] : memref<125x80xi32, #tpu.memory_space<vmem>> -> memref<1x80xi32, #tpu.memory_space<vmem>>
      %dma_wait3A_284 = tpu.memref_squeeze %dma_wait3A_283 : memref<1x80xi32, #tpu.memory_space<vmem>> -> memref<80xi32, #tpu.memory_space<vmem>>
      %dma_wait3A_285 = arith.constant 0 : i32
      %dma_wait3A_286 = tpu.memref_slice %arg7[%dma_wait3A_285] : memref<10240xf32, #tpu.memory_space<vmem_shared>> -> memref<10240xf32, #tpu.memory_space<vmem_shared>>
      tpu.wait_indirect_dma semaphore(%arg8 : memref<!tpu.dma_semaphore, #tpu.memory_space<semaphore_mem>>) src(%arg5 : memref<80xf32, #tpu.memory_space<vmem>>) dst(%dma_wait3A_286 : memref<10240xf32, #tpu.memory_space<vmem_shared>>)
      %add3A_287 = arith.constant 9 : i32
      %add3A_288 = arith.addi %mul3A_48, %add3A_287 : i32
      %dma_wait3A_289 = arith.constant 0 : i32
      %dma_wait3A_290 = tpu.memref_slice %arg4[%add3A_288, %dma_wait3A_289] : memref<125x80xi32, #tpu.memory_space<vmem>> -> memref<1x80xi32, #tpu.memory_space<vmem>>
      %dma_wait3A_291 = tpu.memref_squeeze %dma_wait3A_290 : memref<1x80xi32, #tpu.memory_space<vmem>> -> memref<80xi32, #tpu.memory_space<vmem>>
      %dma_wait3A_292 = arith.constant 0 : i32
      %dma_wait3A_293 = tpu.memref_slice %arg7[%dma_wait3A_292] : memref<10240xf32, #tpu.memory_space<vmem_shared>> -> memref<10240xf32, #tpu.memory_space<vmem_shared>>
      tpu.wait_indirect_dma semaphore(%arg8 : memref<!tpu.dma_semaphore, #tpu.memory_space<semaphore_mem>>) src(%arg5 : memref<80xf32, #tpu.memory_space<vmem>>) dst(%dma_wait3A_293 : memref<10240xf32, #tpu.memory_space<vmem_shared>>)
      %add3A_294 = arith.constant 10 : i32
      %add3A_295 = arith.addi %mul3A_48, %add3A_294 : i32
      %dma_wait3A_296 = arith.constant 0 : i32
      %dma_wait3A_297 = tpu.memref_slice %arg4[%add3A_295, %dma_wait3A_296] : memref<125x80xi32, #tpu.memory_space<vmem>> -> memref<1x80xi32, #tpu.memory_space<vmem>>
      %dma_wait3A_298 = tpu.memref_squeeze %dma_wait3A_297 : memref<1x80xi32, #tpu.memory_space<vmem>> -> memref<80xi32, #tpu.memory_space<vmem>>
      %dma_wait3A_299 = arith.constant 0 : i32
      %dma_wait3A_300 = tpu.memref_slice %arg7[%dma_wait3A_299] : memref<10240xf32, #tpu.memory_space<vmem_shared>> -> memref<10240xf32, #tpu.memory_space<vmem_shared>>
      tpu.wait_indirect_dma semaphore(%arg8 : memref<!tpu.dma_semaphore, #tpu.memory_space<semaphore_mem>>) src(%arg5 : memref<80xf32, #tpu.memory_space<vmem>>) dst(%dma_wait3A_300 : memref<10240xf32, #tpu.memory_space<vmem_shared>>)
      %add3A_301 = arith.constant 11 : i32
      %add3A_302 = arith.addi %mul3A_48, %add3A_301 : i32
      %dma_wait3A_303 = arith.constant 0 : i32
      %dma_wait3A_304 = tpu.memref_slice %arg4[%add3A_302, %dma_wait3A_303] : memref<125x80xi32, #tpu.memory_space<vmem>> -> memref<1x80xi32, #tpu.memory_space<vmem>>
      %dma_wait3A_305 = tpu.memref_squeeze %dma_wait3A_304 : memref<1x80xi32, #tpu.memory_space<vmem>> -> memref<80xi32, #tpu.memory_space<vmem>>
      %dma_wait3A_306 = arith.constant 0 : i32
      %dma_wait3A_307 = tpu.memref_slice %arg7[%dma_wait3A_306] : memref<10240xf32, #tpu.memory_space<vmem_shared>> -> memref<10240xf32, #tpu.memory_space<vmem_shared>>
      tpu.wait_indirect_dma semaphore(%arg8 : memref<!tpu.dma_semaphore, #tpu.memory_space<semaphore_mem>>) src(%arg5 : memref<80xf32, #tpu.memory_space<vmem>>) dst(%dma_wait3A_307 : memref<10240xf32, #tpu.memory_space<vmem_shared>>)
      %add3A_308 = arith.constant 12 : i32
      %add3A_309 = arith.addi %mul3A_48, %add3A_308 : i32
      %dma_wait3A_310 = arith.constant 0 : i32
      %dma_wait3A_311 = tpu.memref_slice %arg4[%add3A_309, %dma_wait3A_310] : memref<125x80xi32, #tpu.memory_space<vmem>> -> memref<1x80xi32, #tpu.memory_space<vmem>>
      %dma_wait3A_312 = tpu.memref_squeeze %dma_wait3A_311 : memref<1x80xi32, #tpu.memory_space<vmem>> -> memref<80xi32, #tpu.memory_space<vmem>>
      %dma_wait3A_313 = arith.constant 0 : i32
      %dma_wait3A_314 = tpu.memref_slice %arg7[%dma_wait3A_313] : memref<10240xf32, #tpu.memory_space<vmem_shared>> -> memref<10240xf32, #tpu.memory_space<vmem_shared>>
      tpu.wait_indirect_dma semaphore(%arg8 : memref<!tpu.dma_semaphore, #tpu.memory_space<semaphore_mem>>) src(%arg5 : memref<80xf32, #tpu.memory_space<vmem>>) dst(%dma_wait3A_314 : memref<10240xf32, #tpu.memory_space<vmem_shared>>)
      %add3A_315 = arith.constant 13 : i32
      %add3A_316 = arith.addi %mul3A_48, %add3A_315 : i32
      %dma_wait3A_317 = arith.constant 0 : i32
      %dma_wait3A_318 = tpu.memref_slice %arg4[%add3A_316, %dma_wait3A_317] : memref<125x80xi32, #tpu.memory_space<vmem>> -> memref<1x80xi32, #tpu.memory_space<vmem>>
      %dma_wait3A_319 = tpu.memref_squeeze %dma_wait3A_318 : memref<1x80xi32, #tpu.memory_space<vmem>> -> memref<80xi32, #tpu.memory_space<vmem>>
      %dma_wait3A_320 = arith.constant 0 : i32
      %dma_wait3A_321 = tpu.memref_slice %arg7[%dma_wait3A_320] : memref<10240xf32, #tpu.memory_space<vmem_shared>> -> memref<10240xf32, #tpu.memory_space<vmem_shared>>
      tpu.wait_indirect_dma semaphore(%arg8 : memref<!tpu.dma_semaphore, #tpu.memory_space<semaphore_mem>>) src(%arg5 : memref<80xf32, #tpu.memory_space<vmem>>) dst(%dma_wait3A_321 : memref<10240xf32, #tpu.memory_space<vmem_shared>>)
      %add3A_322 = arith.constant 14 : i32
      %add3A_323 = arith.addi %mul3A_48, %add3A_322 : i32
      %dma_wait3A_324 = arith.constant 0 : i32
      %dma_wait3A_325 = tpu.memref_slice %arg4[%add3A_323, %dma_wait3A_324] : memref<125x80xi32, #tpu.memory_space<vmem>> -> memref<1x80xi32, #tpu.memory_space<vmem>>
      %dma_wait3A_326 = tpu.memref_squeeze %dma_wait3A_325 : memref<1x80xi32, #tpu.memory_space<vmem>> -> memref<80xi32, #tpu.memory_space<vmem>>
      %dma_wait3A_327 = arith.constant 0 : i32
      %dma_wait3A_328 = tpu.memref_slice %arg7[%dma_wait3A_327] : memref<10240xf32, #tpu.memory_space<vmem_shared>> -> memref<10240xf32, #tpu.memory_space<vmem_shared>>
      tpu.wait_indirect_dma semaphore(%arg8 : memref<!tpu.dma_semaphore, #tpu.memory_space<semaphore_mem>>) src(%arg5 : memref<80xf32, #tpu.memory_space<vmem>>) dst(%dma_wait3A_328 : memref<10240xf32, #tpu.memory_space<vmem_shared>>)
      %add3A_329 = arith.constant 15 : i32
      %add3A_330 = arith.addi %mul3A_48, %add3A_329 : i32
      %dma_wait3A_331 = arith.constant 0 : i32
      %dma_wait3A_332 = tpu.memref_slice %arg4[%add3A_330, %dma_wait3A_331] : memref<125x80xi32, #tpu.memory_space<vmem>> -> memref<1x80xi32, #tpu.memory_space<vmem>>
      %dma_wait3A_333 = tpu.memref_squeeze %dma_wait3A_332 : memref<1x80xi32, #tpu.memory_space<vmem>> -> memref<80xi32, #tpu.memory_space<vmem>>
      %dma_wait3A_334 = arith.constant 0 : i32
      %dma_wait3A_335 = tpu.memref_slice %arg7[%dma_wait3A_334] : memref<10240xf32, #tpu.memory_space<vmem_shared>> -> memref<10240xf32, #tpu.memory_space<vmem_shared>>
      tpu.wait_indirect_dma semaphore(%arg8 : memref<!tpu.dma_semaphore, #tpu.memory_space<semaphore_mem>>) src(%arg5 : memref<80xf32, #tpu.memory_space<vmem>>) dst(%dma_wait3A_335 : memref<10240xf32, #tpu.memory_space<vmem_shared>>)
      %add3A_336 = arith.constant 16 : i32
      %add3A_337 = arith.addi %mul3A_48, %add3A_336 : i32
      %dma_wait3A_338 = arith.constant 0 : i32
      %dma_wait3A_339 = tpu.memref_slice %arg4[%add3A_337, %dma_wait3A_338] : memref<125x80xi32, #tpu.memory_space<vmem>> -> memref<1x80xi32, #tpu.memory_space<vmem>>
      %dma_wait3A_340 = tpu.memref_squeeze %dma_wait3A_339 : memref<1x80xi32, #tpu.memory_space<vmem>> -> memref<80xi32, #tpu.memory_space<vmem>>
      %dma_wait3A_341 = arith.constant 0 : i32
      %dma_wait3A_342 = tpu.memref_slice %arg7[%dma_wait3A_341] : memref<10240xf32, #tpu.memory_space<vmem_shared>> -> memref<10240xf32, #tpu.memory_space<vmem_shared>>
      tpu.wait_indirect_dma semaphore(%arg8 : memref<!tpu.dma_semaphore, #tpu.memory_space<semaphore_mem>>) src(%arg5 : memref<80xf32, #tpu.memory_space<vmem>>) dst(%dma_wait3A_342 : memref<10240xf32, #tpu.memory_space<vmem_shared>>)
      %add3A_343 = arith.constant 17 : i32
      %add3A_344 = arith.addi %mul3A_48, %add3A_343 : i32
      %dma_wait3A_345 = arith.constant 0 : i32
      %dma_wait3A_346 = tpu.memref_slice %arg4[%add3A_344, %dma_wait3A_345] : memref<125x80xi32, #tpu.memory_space<vmem>> -> memref<1x80xi32, #tpu.memory_space<vmem>>
      %dma_wait3A_347 = tpu.memref_squeeze %dma_wait3A_346 : memref<1x80xi32, #tpu.memory_space<vmem>> -> memref<80xi32, #tpu.memory_space<vmem>>
      %dma_wait3A_348 = arith.constant 0 : i32
      %dma_wait3A_349 = tpu.memref_slice %arg7[%dma_wait3A_348] : memref<10240xf32, #tpu.memory_space<vmem_shared>> -> memref<10240xf32, #tpu.memory_space<vmem_shared>>
      tpu.wait_indirect_dma semaphore(%arg8 : memref<!tpu.dma_semaphore, #tpu.memory_space<semaphore_mem>>) src(%arg5 : memref<80xf32, #tpu.memory_space<vmem>>) dst(%dma_wait3A_349 : memref<10240xf32, #tpu.memory_space<vmem_shared>>)
      %add3A_350 = arith.constant 18 : i32
      %add3A_351 = arith.addi %mul3A_48, %add3A_350 : i32
      %dma_wait3A_352 = arith.constant 0 : i32
      %dma_wait3A_353 = tpu.memref_slice %arg4[%add3A_351, %dma_wait3A_352] : memref<125x80xi32, #tpu.memory_space<vmem>> -> memref<1x80xi32, #tpu.memory_space<vmem>>
      %dma_wait3A_354 = tpu.memref_squeeze %dma_wait3A_353 : memref<1x80xi32, #tpu.memory_space<vmem>> -> memref<80xi32, #tpu.memory_space<vmem>>
      %dma_wait3A_355 = arith.constant 0 : i32
      %dma_wait3A_356 = tpu.memref_slice %arg7[%dma_wait3A_355] : memref<10240xf32, #tpu.memory_space<vmem_shared>> -> memref<10240xf32, #tpu.memory_space<vmem_shared>>
      tpu.wait_indirect_dma semaphore(%arg8 : memref<!tpu.dma_semaphore, #tpu.memory_space<semaphore_mem>>) src(%arg5 : memref<80xf32, #tpu.memory_space<vmem>>) dst(%dma_wait3A_356 : memref<10240xf32, #tpu.memory_space<vmem_shared>>)
      %add3A_357 = arith.constant 19 : i32
      %add3A_358 = arith.addi %mul3A_48, %add3A_357 : i32
      %dma_wait3A_359 = arith.constant 0 : i32
      %dma_wait3A_360 = tpu.memref_slice %arg4[%add3A_358, %dma_wait3A_359] : memref<125x80xi32, #tpu.memory_space<vmem>> -> memref<1x80xi32, #tpu.memory_space<vmem>>
      %dma_wait3A_361 = tpu.memref_squeeze %dma_wait3A_360 : memref<1x80xi32, #tpu.memory_space<vmem>> -> memref<80xi32, #tpu.memory_space<vmem>>
      %dma_wait3A_362 = arith.constant 0 : i32
      %dma_wait3A_363 = tpu.memref_slice %arg7[%dma_wait3A_362] : memref<10240xf32, #tpu.memory_space<vmem_shared>> -> memref<10240xf32, #tpu.memory_space<vmem_shared>>
      tpu.wait_indirect_dma semaphore(%arg8 : memref<!tpu.dma_semaphore, #tpu.memory_space<semaphore_mem>>) src(%arg5 : memref<80xf32, #tpu.memory_space<vmem>>) dst(%dma_wait3A_363 : memref<10240xf32, #tpu.memory_space<vmem_shared>>)
      %add3A_364 = arith.constant 20 : i32
      %add3A_365 = arith.addi %mul3A_48, %add3A_364 : i32
      %dma_wait3A_366 = arith.constant 0 : i32
      %dma_wait3A_367 = tpu.memref_slice %arg4[%add3A_365, %dma_wait3A_366] : memref<125x80xi32, #tpu.memory_space<vmem>> -> memref<1x80xi32, #tpu.memory_space<vmem>>
      %dma_wait3A_368 = tpu.memref_squeeze %dma_wait3A_367 : memref<1x80xi32, #tpu.memory_space<vmem>> -> memref<80xi32, #tpu.memory_space<vmem>>
      %dma_wait3A_369 = arith.constant 0 : i32
      %dma_wait3A_370 = tpu.memref_slice %arg7[%dma_wait3A_369] : memref<10240xf32, #tpu.memory_space<vmem_shared>> -> memref<10240xf32, #tpu.memory_space<vmem_shared>>
      tpu.wait_indirect_dma semaphore(%arg8 : memref<!tpu.dma_semaphore, #tpu.memory_space<semaphore_mem>>) src(%arg5 : memref<80xf32, #tpu.memory_space<vmem>>) dst(%dma_wait3A_370 : memref<10240xf32, #tpu.memory_space<vmem_shared>>)
      %add3A_371 = arith.constant 21 : i32
      %add3A_372 = arith.addi %mul3A_48, %add3A_371 : i32
      %dma_wait3A_373 = arith.constant 0 : i32
      %dma_wait3A_374 = tpu.memref_slice %arg4[%add3A_372, %dma_wait3A_373] : memref<125x80xi32, #tpu.memory_space<vmem>> -> memref<1x80xi32, #tpu.memory_space<vmem>>
      %dma_wait3A_375 = tpu.memref_squeeze %dma_wait3A_374 : memref<1x80xi32, #tpu.memory_space<vmem>> -> memref<80xi32, #tpu.memory_space<vmem>>
      %dma_wait3A_376 = arith.constant 0 : i32
      %dma_wait3A_377 = tpu.memref_slice %arg7[%dma_wait3A_376] : memref<10240xf32, #tpu.memory_space<vmem_shared>> -> memref<10240xf32, #tpu.memory_space<vmem_shared>>
      tpu.wait_indirect_dma semaphore(%arg8 : memref<!tpu.dma_semaphore, #tpu.memory_space<semaphore_mem>>) src(%arg5 : memref<80xf32, #tpu.memory_space<vmem>>) dst(%dma_wait3A_377 : memref<10240xf32, #tpu.memory_space<vmem_shared>>)
      %add3A_378 = arith.constant 22 : i32
      %add3A_379 = arith.addi %mul3A_48, %add3A_378 : i32
      %dma_wait3A_380 = arith.constant 0 : i32
      %dma_wait3A_381 = tpu.memref_slice %arg4[%add3A_379, %dma_wait3A_380] : memref<125x80xi32, #tpu.memory_space<vmem>> -> memref<1x80xi32, #tpu.memory_space<vmem>>
      %dma_wait3A_382 = tpu.memref_squeeze %dma_wait3A_381 : memref<1x80xi32, #tpu.memory_space<vmem>> -> memref<80xi32, #tpu.memory_space<vmem>>
      %dma_wait3A_383 = arith.constant 0 : i32
      %dma_wait3A_384 = tpu.memref_slice %arg7[%dma_wait3A_383] : memref<10240xf32, #tpu.memory_space<vmem_shared>> -> memref<10240xf32, #tpu.memory_space<vmem_shared>>
      tpu.wait_indirect_dma semaphore(%arg8 : memref<!tpu.dma_semaphore, #tpu.memory_space<semaphore_mem>>) src(%arg5 : memref<80xf32, #tpu.memory_space<vmem>>) dst(%dma_wait3A_384 : memref<10240xf32, #tpu.memory_space<vmem_shared>>)
      %add3A_385 = arith.constant 23 : i32
      %add3A_386 = arith.addi %mul3A_48, %add3A_385 : i32
      %dma_wait3A_387 = arith.constant 0 : i32
      %dma_wait3A_388 = tpu.memref_slice %arg4[%add3A_386, %dma_wait3A_387] : memref<125x80xi32, #tpu.memory_space<vmem>> -> memref<1x80xi32, #tpu.memory_space<vmem>>
      %dma_wait3A_389 = tpu.memref_squeeze %dma_wait3A_388 : memref<1x80xi32, #tpu.memory_space<vmem>> -> memref<80xi32, #tpu.memory_space<vmem>>
      %dma_wait3A_390 = arith.constant 0 : i32
      %dma_wait3A_391 = tpu.memref_slice %arg7[%dma_wait3A_390] : memref<10240xf32, #tpu.memory_space<vmem_shared>> -> memref<10240xf32, #tpu.memory_space<vmem_shared>>
      tpu.wait_indirect_dma semaphore(%arg8 : memref<!tpu.dma_semaphore, #tpu.memory_space<semaphore_mem>>) src(%arg5 : memref<80xf32, #tpu.memory_space<vmem>>) dst(%dma_wait3A_391 : memref<10240xf32, #tpu.memory_space<vmem_shared>>)
      %add3A_392 = arith.constant 24 : i32
      %add3A_393 = arith.addi %mul3A_48, %add3A_392 : i32
      %dma_wait3A_394 = arith.constant 0 : i32
      %dma_wait3A_395 = tpu.memref_slice %arg4[%add3A_393, %dma_wait3A_394] : memref<125x80xi32, #tpu.memory_space<vmem>> -> memref<1x80xi32, #tpu.memory_space<vmem>>
      %dma_wait3A_396 = tpu.memref_squeeze %dma_wait3A_395 : memref<1x80xi32, #tpu.memory_space<vmem>> -> memref<80xi32, #tpu.memory_space<vmem>>
      %dma_wait3A_397 = arith.constant 0 : i32
      %dma_wait3A_398 = tpu.memref_slice %arg7[%dma_wait3A_397] : memref<10240xf32, #tpu.memory_space<vmem_shared>> -> memref<10240xf32, #tpu.memory_space<vmem_shared>>
      tpu.wait_indirect_dma semaphore(%arg8 : memref<!tpu.dma_semaphore, #tpu.memory_space<semaphore_mem>>) src(%arg5 : memref<80xf32, #tpu.memory_space<vmem>>) dst(%dma_wait3A_398 : memref<10240xf32, #tpu.memory_space<vmem_shared>>)
      %scan3A_399 = arith.constant 0 : i32
      scf.yield %scan3A_399 : i32
    }
    %scan3A_36 = arith.constant 5 : i32
    %barrier3A_37 = arith.constant 0 : index
    tpu.barrier barrier_id(%barrier3A_37)
    %mul3A_38 = arith.constant 640 : i32
    %mul3A_39 = arith.muli %arg1, %mul3A_38 : i32
    %mul3A_40 = arith.constant 10240 : i32
    %mul3A_41 = arith.muli %arg0, %mul3A_40 : i32
    %mul3A_42 = arith.constant 640 : i32
    %mul3A_43 = arith.muli %arg1, %mul3A_42 : i32
    %add3A_44 = arith.addi %mul3A_41, %mul3A_43 : i32
    "tpu.region"() ({
      %run_scoped3A = tpu.sem_alloc : memref<!tpu.dma_semaphore, #tpu.memory_space<semaphore_mem>>
      %dma_start3A_45 = tpu.memref_slice %arg3[%add3A_44] : memref<20480xf32, #tpu.memory_space<hbm>> -> memref<640xf32, #tpu.memory_space<hbm>>
      %dma_start3A_46 = tpu.memref_slice %arg7[%mul3A_39] : memref<10240xf32, #tpu.memory_space<vmem_shared>> -> memref<640xf32, #tpu.memory_space<vmem_shared>>
      tpu.enqueue_dma source(%dma_start3A_46 : memref<640xf32, #tpu.memory_space<vmem_shared>>) target(%dma_start3A_45 : memref<640xf32, #tpu.memory_space<hbm>>) target_semaphore(%run_scoped3A : memref<!tpu.dma_semaphore, #tpu.memory_space<semaphore_mem>>)
      %dma_wait3A_47 = tpu.memref_slice %arg3[%add3A_44] : memref<20480xf32, #tpu.memory_space<hbm>> -> memref<640xf32, #tpu.memory_space<hbm>>
      %dma_wait3A_48 = tpu.memref_slice %arg7[%mul3A_39] : memref<10240xf32, #tpu.memory_space<vmem_shared>> -> memref<640xf32, #tpu.memory_space<vmem_shared>>
      tpu.wait_dma2 semaphore(%run_scoped3A : memref<!tpu.dma_semaphore, #tpu.memory_space<semaphore_mem>>) src(%dma_wait3A_48 : memref<640xf32, #tpu.memory_space<vmem_shared>>) dst(%dma_wait3A_47 : memref<640xf32, #tpu.memory_space<hbm>>)
      tpu.yield
    }) : () -> ()
    return
  }
}

#map = affine_map<(d0, d1) -> (0, 0)>
#map1 = affine_map<(d0, d1) -> (0, 0, 0)>
module attributes {stable_mosaic.version = 14 : i64} {
  func.func @_scatter_kernel(%arg0: i32, %arg1: i32, %arg2: memref<10000x128xf32, #tpu.memory_space<hbm>>, %arg3: memref<32x125x80xi32, #tpu.memory_space<hbm>>, %arg4: memref<32x125x80xi32, #tpu.memory_space<hbm>>, %arg5: memref<2x10240x128xf32, #tpu.memory_space<hbm>>, %arg6: memref<125x80xi32, #tpu.memory_space<vmem>>, %arg7: memref<80xi32, #tpu.memory_space<vmem>>, %arg8: memref<80xi32, #tpu.memory_space<vmem>>, %arg9: memref<80x128xf32, #tpu.memory_space<vmem>>, %arg10: memref<80x128xf32, #tpu.memory_space<vmem>>, %arg11: memref<10240x128xf32, #tpu.memory_space<vmem_shared>>, %arg12: memref<!tpu.dma_semaphore, #tpu.memory_space<semaphore_mem>>, %arg13: memref<!tpu.dma_semaphore, #tpu.memory_space<semaphore_mem>>, %arg14: memref<!tpu.dma_semaphore, #tpu.memory_space<semaphore_mem>>, %arg15: memref<!tpu.dma_semaphore, #tpu.memory_space<semaphore_mem>>) attributes {dimension_semantics = [#tpu.dimension_semantics<core_parallel>, #tpu.dimension_semantics<subcore_parallel>], iteration_bounds = array<i64: 2, 16>, scalar_prefetch = 0 : i64, scratch_operands = 10 : i64, tpu.core_type = #tpu.core_type<sc_vector_subcore>, window_params = [{transform_indices = #map}, {transform_indices = #map1}, {transform_indices = #map1}, {transform_indices = #map1}]} {
    %mul3A = arith.constant 2 : i32
    %mul3A_0 = arith.muli %arg1, %mul3A : i32
    %add3A = arith.addi %mul3A_0, %arg0 : i32
    %dma_start3A = arith.constant 0 : i32
    %dma_start3A_1 = arith.constant 0 : i32
    %dma_start3A_2 = tpu.memref_slice %arg3[%add3A, %dma_start3A, %dma_start3A_1] : memref<32x125x80xi32, #tpu.memory_space<hbm>> -> memref<1x125x80xi32, #tpu.memory_space<hbm>>
    %dma_start3A_3 = tpu.memref_squeeze %dma_start3A_2 : memref<1x125x80xi32, #tpu.memory_space<hbm>> -> memref<125x80xi32, #tpu.memory_space<hbm>>
    %dma_start3A_4 = arith.constant 0 : i32
    %dma_start3A_5 = arith.constant 0 : i32
    %dma_start3A_6 = tpu.memref_slice %arg3[%add3A, %dma_start3A_4, %dma_start3A_5] : memref<32x125x80xi32, #tpu.memory_space<hbm>> -> memref<1x125x80xi32, #tpu.memory_space<hbm>>
    %dma_start3A_7 = tpu.memref_squeeze %dma_start3A_6 : memref<1x125x80xi32, #tpu.memory_space<hbm>> -> memref<125x80xi32, #tpu.memory_space<hbm>>
    tpu.enqueue_dma source(%dma_start3A_7 : memref<125x80xi32, #tpu.memory_space<hbm>>) target(%arg6 : memref<125x80xi32, #tpu.memory_space<vmem>>) target_semaphore(%arg14 : memref<!tpu.dma_semaphore, #tpu.memory_space<semaphore_mem>>)
    %dma_start3A_8 = arith.constant 0 : i32
    %dma_start3A_9 = arith.constant 0 : i32
    %dma_start3A_10 = tpu.memref_slice %arg4[%add3A, %dma_start3A_8, %dma_start3A_9] : memref<32x125x80xi32, #tpu.memory_space<hbm>> -> memref<1x1x80xi32, #tpu.memory_space<hbm>>
    %dma_start3A_11 = tpu.memref_squeeze %dma_start3A_10 : memref<1x1x80xi32, #tpu.memory_space<hbm>> -> memref<80xi32, #tpu.memory_space<hbm>>
    %dma_start3A_12 = arith.constant 0 : i32
    %dma_start3A_13 = tpu.memref_slice %arg4[%add3A, %dma_start3A_8, %dma_start3A_12] : memref<32x125x80xi32, #tpu.memory_space<hbm>> -> memref<1x1x80xi32, #tpu.memory_space<hbm>>
    %dma_start3A_14 = tpu.memref_squeeze %dma_start3A_13 : memref<1x1x80xi32, #tpu.memory_space<hbm>> -> memref<80xi32, #tpu.memory_space<hbm>>
    tpu.enqueue_dma source(%dma_start3A_14 : memref<80xi32, #tpu.memory_space<hbm>>) target(%arg7 : memref<80xi32, #tpu.memory_space<vmem>>) target_semaphore(%arg15 : memref<!tpu.dma_semaphore, #tpu.memory_space<semaphore_mem>>)
    %scan3A = arith.constant 0 : i32
    %scan3A_15 = arith.constant 0 : i32
    %scan3A_16 = arith.constant 640 : i32
    %scan3A_17 = arith.addi %scan3A_15, %scan3A_16 : i32
    %scan3A_18 = arith.constant 1 : i32
    %scan3A_19 = scf.for %scan3A_329 = %scan3A_15 to %scan3A_17 step %scan3A_18 iter_args(%scan3A_330 = %scan3A) -> (i32)  : i32 {
      %jit3A = arith.constant 8 : i32
      %div3A = arith.divsi %scan3A_329, %jit3A : i32
      %sign3A = arith.constant 0 : i32
      %sign3A_331 = arith.cmpi sgt, %scan3A_329, %sign3A : i32
      %sign3A_332 = arith.extui %sign3A_331 : i1 to i32
      %sign3A_333 = arith.constant 0 : i32
      %sign3A_334 = arith.cmpi slt, %scan3A_329, %sign3A_333 : i32
      %sign3A_335 = arith.extui %sign3A_334 : i1 to i32
      %sign3A_336 = arith.subi %sign3A_332, %sign3A_335 : i32
      %sign3A_337 = arith.constant 0 : i32
      %sign3A_338 = arith.cmpi sgt, %jit3A, %sign3A_337 : i32
      %sign3A_339 = arith.extui %sign3A_338 : i1 to i32
      %sign3A_340 = arith.constant 0 : i32
      %sign3A_341 = arith.cmpi slt, %jit3A, %sign3A_340 : i32
      %sign3A_342 = arith.extui %sign3A_341 : i1 to i32
      %sign3A_343 = arith.subi %sign3A_339, %sign3A_342 : i32
      %ne3A = arith.cmpi ne, %sign3A_336, %sign3A_343 : i32
      %rem3A = arith.remsi %scan3A_329, %jit3A : i32
      %ne3A_344 = arith.constant 0 : i32
      %ne3A_345 = arith.cmpi ne, %rem3A, %ne3A_344 : i32
      %and3A = arith.andi %ne3A, %ne3A_345 : i1
      %sub3A = arith.constant 1 : i32
      %sub3A_346 = arith.subi %div3A, %sub3A : i32
      %select_n3A = arith.select %and3A, %sub3A_346, %div3A : i32
      %jit3A_347 = arith.constant 8 : i32
      %eq3A = arith.constant 0 : i32
      %eq3A_348 = arith.cmpi eq, %jit3A_347, %eq3A : i32
      %jit3A_349 = arith.constant 1 : i32
      %select_n3A_350 = arith.select %eq3A_348, %jit3A_349, %jit3A_347 : i32
      %rem3A_351 = arith.remsi %scan3A_329, %select_n3A_350 : i32
      %ne3A_352 = arith.constant 0 : i32
      %ne3A_353 = arith.cmpi ne, %rem3A_351, %ne3A_352 : i32
      %lt3A = arith.constant 0 : i32
      %lt3A_354 = arith.cmpi slt, %rem3A_351, %lt3A : i32
      %lt3A_355 = arith.constant 0 : i32
      %lt3A_356 = arith.cmpi slt, %select_n3A_350, %lt3A_355 : i32
      %ne3A_357 = arith.xori %lt3A_354, %lt3A_356 : i1
      %and3A_358 = arith.andi %ne3A_357, %ne3A_353 : i1
      %add3A_359 = arith.addi %rem3A_351, %select_n3A_350 : i32
      %select_n3A_360 = arith.select %and3A_358, %add3A_359, %rem3A_351 : i32
      %mul3A_361 = arith.constant 16 : i32
      %mul3A_362 = arith.muli %select_n3A_360, %mul3A_361 : i32
      %broadcast_in_dim3A = arith.constant 0.000000e+00 : f32
      %broadcast_in_dim3A_363 = vector.broadcast %broadcast_in_dim3A : f32 to vector<16xf32>
      %swap3A = arith.index_cast %select_n3A : i32 to index
      %swap3A_364 = arith.index_cast %mul3A_362 : i32 to index
      %swap3A_365 = tpu.vector_load %arg9[%swap3A, %swap3A_364] {strides = array<i32>} : memref<80x128xf32, #tpu.memory_space<vmem>>, vector<1x16xf32>,
      %swap3A_366 = vector.shape_cast %swap3A_365 : vector<1x16xf32> to vector<16xf32>
      %swap3A_367 = vector.shape_cast %broadcast_in_dim3A_363 : vector<16xf32> to vector<1x16xf32>
      tpu.vector_store %arg9[%swap3A, %swap3A_364], %swap3A_367 {strides = array<i32>} : memref<80x128xf32, #tpu.memory_space<vmem>>, vector<1x16xf32>,
      %scan3A_368 = arith.constant 0 : i32
      scf.yield %scan3A_368 : i32
    }
    %scan3A_20 = arith.constant 640 : i32
    %mul3A_21 = arith.constant 640 : i32
    %mul3A_22 = arith.muli %arg1, %mul3A_21 : i32
    %add3A_23 = arith.constant 0 : i32
    %add3A_24 = arith.addi %mul3A_22, %add3A_23 : i32
    %dma_start3A_25 = arith.constant 0 : i32
    %dma_start3A_26 = tpu.memref_slice %arg11[%add3A_24, %dma_start3A_25] : memref<10240x128xf32, #tpu.memory_space<vmem_shared>> -> memref<80x128xf32, #tpu.memory_space<vmem_shared>>
    %dma_start3A_27 = arith.constant 0 : i32
    %dma_start3A_28 = tpu.memref_slice %arg11[%add3A_24, %dma_start3A_27] : memref<10240x128xf32, #tpu.memory_space<vmem_shared>> -> memref<80x128xf32, #tpu.memory_space<vmem_shared>>
    tpu.enqueue_dma source(%arg9 : memref<80x128xf32, #tpu.memory_space<vmem>>) target(%dma_start3A_28 : memref<80x128xf32, #tpu.memory_space<vmem_shared>>) target_semaphore(%arg13 : memref<!tpu.dma_semaphore, #tpu.memory_space<semaphore_mem>>)
    %mul3A_29 = arith.constant 640 : i32
    %mul3A_30 = arith.muli %arg1, %mul3A_29 : i32
    %add3A_31 = arith.constant 80 : i32
    %add3A_32 = arith.addi %mul3A_30, %add3A_31 : i32
    %dma_start3A_33 = arith.constant 0 : i32
    %dma_start3A_34 = tpu.memref_slice %arg11[%add3A_32, %dma_start3A_33] : memref<10240x128xf32, #tpu.memory_space<vmem_shared>> -> memref<80x128xf32, #tpu.memory_space<vmem_shared>>
    %dma_start3A_35 = arith.constant 0 : i32
    %dma_start3A_36 = tpu.memref_slice %arg11[%add3A_32, %dma_start3A_35] : memref<10240x128xf32, #tpu.memory_space<vmem_shared>> -> memref<80x128xf32, #tpu.memory_space<vmem_shared>>
    tpu.enqueue_dma source(%arg9 : memref<80x128xf32, #tpu.memory_space<vmem>>) target(%dma_start3A_36 : memref<80x128xf32, #tpu.memory_space<vmem_shared>>) target_semaphore(%arg13 : memref<!tpu.dma_semaphore, #tpu.memory_space<semaphore_mem>>)
    %mul3A_37 = arith.constant 640 : i32
    %mul3A_38 = arith.muli %arg1, %mul3A_37 : i32
    %add3A_39 = arith.constant 160 : i32
    %add3A_40 = arith.addi %mul3A_38, %add3A_39 : i32
    %dma_start3A_41 = arith.constant 0 : i32
    %dma_start3A_42 = tpu.memref_slice %arg11[%add3A_40, %dma_start3A_41] : memref<10240x128xf32, #tpu.memory_space<vmem_shared>> -> memref<80x128xf32, #tpu.memory_space<vmem_shared>>
    %dma_start3A_43 = arith.constant 0 : i32
    %dma_start3A_44 = tpu.memref_slice %arg11[%add3A_40, %dma_start3A_43] : memref<10240x128xf32, #tpu.memory_space<vmem_shared>> -> memref<80x128xf32, #tpu.memory_space<vmem_shared>>
    tpu.enqueue_dma source(%arg9 : memref<80x128xf32, #tpu.memory_space<vmem>>) target(%dma_start3A_44 : memref<80x128xf32, #tpu.memory_space<vmem_shared>>) target_semaphore(%arg13 : memref<!tpu.dma_semaphore, #tpu.memory_space<semaphore_mem>>)
    %mul3A_45 = arith.constant 640 : i32
    %mul3A_46 = arith.muli %arg1, %mul3A_45 : i32
    %add3A_47 = arith.constant 240 : i32
    %add3A_48 = arith.addi %mul3A_46, %add3A_47 : i32
    %dma_start3A_49 = arith.constant 0 : i32
    %dma_start3A_50 = tpu.memref_slice %arg11[%add3A_48, %dma_start3A_49] : memref<10240x128xf32, #tpu.memory_space<vmem_shared>> -> memref<80x128xf32, #tpu.memory_space<vmem_shared>>
    %dma_start3A_51 = arith.constant 0 : i32
    %dma_start3A_52 = tpu.memref_slice %arg11[%add3A_48, %dma_start3A_51] : memref<10240x128xf32, #tpu.memory_space<vmem_shared>> -> memref<80x128xf32, #tpu.memory_space<vmem_shared>>
    tpu.enqueue_dma source(%arg9 : memref<80x128xf32, #tpu.memory_space<vmem>>) target(%dma_start3A_52 : memref<80x128xf32, #tpu.memory_space<vmem_shared>>) target_semaphore(%arg13 : memref<!tpu.dma_semaphore, #tpu.memory_space<semaphore_mem>>)
    %mul3A_53 = arith.constant 640 : i32
    %mul3A_54 = arith.muli %arg1, %mul3A_53 : i32
    %add3A_55 = arith.constant 320 : i32
    %add3A_56 = arith.addi %mul3A_54, %add3A_55 : i32
    %dma_start3A_57 = arith.constant 0 : i32
    %dma_start3A_58 = tpu.memref_slice %arg11[%add3A_56, %dma_start3A_57] : memref<10240x128xf32, #tpu.memory_space<vmem_shared>> -> memref<80x128xf32, #tpu.memory_space<vmem_shared>>
    %dma_start3A_59 = arith.constant 0 : i32
    %dma_start3A_60 = tpu.memref_slice %arg11[%add3A_56, %dma_start3A_59] : memref<10240x128xf32, #tpu.memory_space<vmem_shared>> -> memref<80x128xf32, #tpu.memory_space<vmem_shared>>
    tpu.enqueue_dma source(%arg9 : memref<80x128xf32, #tpu.memory_space<vmem>>) target(%dma_start3A_60 : memref<80x128xf32, #tpu.memory_space<vmem_shared>>) target_semaphore(%arg13 : memref<!tpu.dma_semaphore, #tpu.memory_space<semaphore_mem>>)
    %mul3A_61 = arith.constant 640 : i32
    %mul3A_62 = arith.muli %arg1, %mul3A_61 : i32
    %add3A_63 = arith.constant 400 : i32
    %add3A_64 = arith.addi %mul3A_62, %add3A_63 : i32
    %dma_start3A_65 = arith.constant 0 : i32
    %dma_start3A_66 = tpu.memref_slice %arg11[%add3A_64, %dma_start3A_65] : memref<10240x128xf32, #tpu.memory_space<vmem_shared>> -> memref<80x128xf32, #tpu.memory_space<vmem_shared>>
    %dma_start3A_67 = arith.constant 0 : i32
    %dma_start3A_68 = tpu.memref_slice %arg11[%add3A_64, %dma_start3A_67] : memref<10240x128xf32, #tpu.memory_space<vmem_shared>> -> memref<80x128xf32, #tpu.memory_space<vmem_shared>>
    tpu.enqueue_dma source(%arg9 : memref<80x128xf32, #tpu.memory_space<vmem>>) target(%dma_start3A_68 : memref<80x128xf32, #tpu.memory_space<vmem_shared>>) target_semaphore(%arg13 : memref<!tpu.dma_semaphore, #tpu.memory_space<semaphore_mem>>)
    %mul3A_69 = arith.constant 640 : i32
    %mul3A_70 = arith.muli %arg1, %mul3A_69 : i32
    %add3A_71 = arith.constant 480 : i32
    %add3A_72 = arith.addi %mul3A_70, %add3A_71 : i32
    %dma_start3A_73 = arith.constant 0 : i32
    %dma_start3A_74 = tpu.memref_slice %arg11[%add3A_72, %dma_start3A_73] : memref<10240x128xf32, #tpu.memory_space<vmem_shared>> -> memref<80x128xf32, #tpu.memory_space<vmem_shared>>
    %dma_start3A_75 = arith.constant 0 : i32
    %dma_start3A_76 = tpu.memref_slice %arg11[%add3A_72, %dma_start3A_75] : memref<10240x128xf32, #tpu.memory_space<vmem_shared>> -> memref<80x128xf32, #tpu.memory_space<vmem_shared>>
    tpu.enqueue_dma source(%arg9 : memref<80x128xf32, #tpu.memory_space<vmem>>) target(%dma_start3A_76 : memref<80x128xf32, #tpu.memory_space<vmem_shared>>) target_semaphore(%arg13 : memref<!tpu.dma_semaphore, #tpu.memory_space<semaphore_mem>>)
    %mul3A_77 = arith.constant 640 : i32
    %mul3A_78 = arith.muli %arg1, %mul3A_77 : i32
    %add3A_79 = arith.constant 560 : i32
    %add3A_80 = arith.addi %mul3A_78, %add3A_79 : i32
    %dma_start3A_81 = arith.constant 0 : i32
    %dma_start3A_82 = tpu.memref_slice %arg11[%add3A_80, %dma_start3A_81] : memref<10240x128xf32, #tpu.memory_space<vmem_shared>> -> memref<80x128xf32, #tpu.memory_space<vmem_shared>>
    %dma_start3A_83 = arith.constant 0 : i32
    %dma_start3A_84 = tpu.memref_slice %arg11[%add3A_80, %dma_start3A_83] : memref<10240x128xf32, #tpu.memory_space<vmem_shared>> -> memref<80x128xf32, #tpu.memory_space<vmem_shared>>
    tpu.enqueue_dma source(%arg9 : memref<80x128xf32, #tpu.memory_space<vmem>>) target(%dma_start3A_84 : memref<80x128xf32, #tpu.memory_space<vmem_shared>>) target_semaphore(%arg13 : memref<!tpu.dma_semaphore, #tpu.memory_space<semaphore_mem>>)
    %mul3A_85 = arith.constant 640 : i32
    %mul3A_86 = arith.muli %arg1, %mul3A_85 : i32
    %add3A_87 = arith.constant 0 : i32
    %add3A_88 = arith.addi %mul3A_86, %add3A_87 : i32
    %dma_wait3A = arith.constant 0 : i32
    %dma_wait3A_89 = tpu.memref_slice %arg11[%add3A_88, %dma_wait3A] : memref<10240x128xf32, #tpu.memory_space<vmem_shared>> -> memref<80x128xf32, #tpu.memory_space<vmem_shared>>
    %dma_wait3A_90 = arith.constant 0 : i32
    %dma_wait3A_91 = tpu.memref_slice %arg11[%add3A_88, %dma_wait3A_90] : memref<10240x128xf32, #tpu.memory_space<vmem_shared>> -> memref<80x128xf32, #tpu.memory_space<vmem_shared>>
    tpu.wait_dma2 semaphore(%arg13 : memref<!tpu.dma_semaphore, #tpu.memory_space<semaphore_mem>>) src(%arg9 : memref<80x128xf32, #tpu.memory_space<vmem>>) dst(%dma_wait3A_91 : memref<80x128xf32, #tpu.memory_space<vmem_shared>>)
    %mul3A_92 = arith.constant 640 : i32
    %mul3A_93 = arith.muli %arg1, %mul3A_92 : i32
    %add3A_94 = arith.constant 80 : i32
    %add3A_95 = arith.addi %mul3A_93, %add3A_94 : i32
    %dma_wait3A_96 = arith.constant 0 : i32
    %dma_wait3A_97 = tpu.memref_slice %arg11[%add3A_95, %dma_wait3A_96] : memref<10240x128xf32, #tpu.memory_space<vmem_shared>> -> memref<80x128xf32, #tpu.memory_space<vmem_shared>>
    %dma_wait3A_98 = arith.constant 0 : i32
    %dma_wait3A_99 = tpu.memref_slice %arg11[%add3A_95, %dma_wait3A_98] : memref<10240x128xf32, #tpu.memory_space<vmem_shared>> -> memref<80x128xf32, #tpu.memory_space<vmem_shared>>
    tpu.wait_dma2 semaphore(%arg13 : memref<!tpu.dma_semaphore, #tpu.memory_space<semaphore_mem>>) src(%arg9 : memref<80x128xf32, #tpu.memory_space<vmem>>) dst(%dma_wait3A_99 : memref<80x128xf32, #tpu.memory_space<vmem_shared>>)
    %mul3A_100 = arith.constant 640 : i32
    %mul3A_101 = arith.muli %arg1, %mul3A_100 : i32
    %add3A_102 = arith.constant 160 : i32
    %add3A_103 = arith.addi %mul3A_101, %add3A_102 : i32
    %dma_wait3A_104 = arith.constant 0 : i32
    %dma_wait3A_105 = tpu.memref_slice %arg11[%add3A_103, %dma_wait3A_104] : memref<10240x128xf32, #tpu.memory_space<vmem_shared>> -> memref<80x128xf32, #tpu.memory_space<vmem_shared>>
    %dma_wait3A_106 = arith.constant 0 : i32
    %dma_wait3A_107 = tpu.memref_slice %arg11[%add3A_103, %dma_wait3A_106] : memref<10240x128xf32, #tpu.memory_space<vmem_shared>> -> memref<80x128xf32, #tpu.memory_space<vmem_shared>>
    tpu.wait_dma2 semaphore(%arg13 : memref<!tpu.dma_semaphore, #tpu.memory_space<semaphore_mem>>) src(%arg9 : memref<80x128xf32, #tpu.memory_space<vmem>>) dst(%dma_wait3A_107 : memref<80x128xf32, #tpu.memory_space<vmem_shared>>)
    %mul3A_108 = arith.constant 640 : i32
    %mul3A_109 = arith.muli %arg1, %mul3A_108 : i32
    %add3A_110 = arith.constant 240 : i32
    %add3A_111 = arith.addi %mul3A_109, %add3A_110 : i32
    %dma_wait3A_112 = arith.constant 0 : i32
    %dma_wait3A_113 = tpu.memref_slice %arg11[%add3A_111, %dma_wait3A_112] : memref<10240x128xf32, #tpu.memory_space<vmem_shared>> -> memref<80x128xf32, #tpu.memory_space<vmem_shared>>
    %dma_wait3A_114 = arith.constant 0 : i32
    %dma_wait3A_115 = tpu.memref_slice %arg11[%add3A_111, %dma_wait3A_114] : memref<10240x128xf32, #tpu.memory_space<vmem_shared>> -> memref<80x128xf32, #tpu.memory_space<vmem_shared>>
    tpu.wait_dma2 semaphore(%arg13 : memref<!tpu.dma_semaphore, #tpu.memory_space<semaphore_mem>>) src(%arg9 : memref<80x128xf32, #tpu.memory_space<vmem>>) dst(%dma_wait3A_115 : memref<80x128xf32, #tpu.memory_space<vmem_shared>>)
    %mul3A_116 = arith.constant 640 : i32
    %mul3A_117 = arith.muli %arg1, %mul3A_116 : i32
    %add3A_118 = arith.constant 320 : i32
    %add3A_119 = arith.addi %mul3A_117, %add3A_118 : i32
    %dma_wait3A_120 = arith.constant 0 : i32
    %dma_wait3A_121 = tpu.memref_slice %arg11[%add3A_119, %dma_wait3A_120] : memref<10240x128xf32, #tpu.memory_space<vmem_shared>> -> memref<80x128xf32, #tpu.memory_space<vmem_shared>>
    %dma_wait3A_122 = arith.constant 0 : i32
    %dma_wait3A_123 = tpu.memref_slice %arg11[%add3A_119, %dma_wait3A_122] : memref<10240x128xf32, #tpu.memory_space<vmem_shared>> -> memref<80x128xf32, #tpu.memory_space<vmem_shared>>
    tpu.wait_dma2 semaphore(%arg13 : memref<!tpu.dma_semaphore, #tpu.memory_space<semaphore_mem>>) src(%arg9 : memref<80x128xf32, #tpu.memory_space<vmem>>) dst(%dma_wait3A_123 : memref<80x128xf32, #tpu.memory_space<vmem_shared>>)
    %mul3A_124 = arith.constant 640 : i32
    %mul3A_125 = arith.muli %arg1, %mul3A_124 : i32
    %add3A_126 = arith.constant 400 : i32
    %add3A_127 = arith.addi %mul3A_125, %add3A_126 : i32
    %dma_wait3A_128 = arith.constant 0 : i32
    %dma_wait3A_129 = tpu.memref_slice %arg11[%add3A_127, %dma_wait3A_128] : memref<10240x128xf32, #tpu.memory_space<vmem_shared>> -> memref<80x128xf32, #tpu.memory_space<vmem_shared>>
    %dma_wait3A_130 = arith.constant 0 : i32
    %dma_wait3A_131 = tpu.memref_slice %arg11[%add3A_127, %dma_wait3A_130] : memref<10240x128xf32, #tpu.memory_space<vmem_shared>> -> memref<80x128xf32, #tpu.memory_space<vmem_shared>>
    tpu.wait_dma2 semaphore(%arg13 : memref<!tpu.dma_semaphore, #tpu.memory_space<semaphore_mem>>) src(%arg9 : memref<80x128xf32, #tpu.memory_space<vmem>>) dst(%dma_wait3A_131 : memref<80x128xf32, #tpu.memory_space<vmem_shared>>)
    %mul3A_132 = arith.constant 640 : i32
    %mul3A_133 = arith.muli %arg1, %mul3A_132 : i32
    %add3A_134 = arith.constant 480 : i32
    %add3A_135 = arith.addi %mul3A_133, %add3A_134 : i32
    %dma_wait3A_136 = arith.constant 0 : i32
    %dma_wait3A_137 = tpu.memref_slice %arg11[%add3A_135, %dma_wait3A_136] : memref<10240x128xf32, #tpu.memory_space<vmem_shared>> -> memref<80x128xf32, #tpu.memory_space<vmem_shared>>
    %dma_wait3A_138 = arith.constant 0 : i32
    %dma_wait3A_139 = tpu.memref_slice %arg11[%add3A_135, %dma_wait3A_138] : memref<10240x128xf32, #tpu.memory_space<vmem_shared>> -> memref<80x128xf32, #tpu.memory_space<vmem_shared>>
    tpu.wait_dma2 semaphore(%arg13 : memref<!tpu.dma_semaphore, #tpu.memory_space<semaphore_mem>>) src(%arg9 : memref<80x128xf32, #tpu.memory_space<vmem>>) dst(%dma_wait3A_139 : memref<80x128xf32, #tpu.memory_space<vmem_shared>>)
    %mul3A_140 = arith.constant 640 : i32
    %mul3A_141 = arith.muli %arg1, %mul3A_140 : i32
    %add3A_142 = arith.constant 560 : i32
    %add3A_143 = arith.addi %mul3A_141, %add3A_142 : i32
    %dma_wait3A_144 = arith.constant 0 : i32
    %dma_wait3A_145 = tpu.memref_slice %arg11[%add3A_143, %dma_wait3A_144] : memref<10240x128xf32, #tpu.memory_space<vmem_shared>> -> memref<80x128xf32, #tpu.memory_space<vmem_shared>>
    %dma_wait3A_146 = arith.constant 0 : i32
    %dma_wait3A_147 = tpu.memref_slice %arg11[%add3A_143, %dma_wait3A_146] : memref<10240x128xf32, #tpu.memory_space<vmem_shared>> -> memref<80x128xf32, #tpu.memory_space<vmem_shared>>
    tpu.wait_dma2 semaphore(%arg13 : memref<!tpu.dma_semaphore, #tpu.memory_space<semaphore_mem>>) src(%arg9 : memref<80x128xf32, #tpu.memory_space<vmem>>) dst(%dma_wait3A_147 : memref<80x128xf32, #tpu.memory_space<vmem_shared>>)
    %dma_wait3A_148 = arith.constant 0 : i32
    %dma_wait3A_149 = arith.constant 0 : i32
    %dma_wait3A_150 = tpu.memref_slice %arg3[%add3A, %dma_wait3A_148, %dma_wait3A_149] : memref<32x125x80xi32, #tpu.memory_space<hbm>> -> memref<1x125x80xi32, #tpu.memory_space<hbm>>
    %dma_wait3A_151 = tpu.memref_squeeze %dma_wait3A_150 : memref<1x125x80xi32, #tpu.memory_space<hbm>> -> memref<125x80xi32, #tpu.memory_space<hbm>>
    %dma_wait3A_152 = arith.constant 0 : i32
    %dma_wait3A_153 = arith.constant 0 : i32
    %dma_wait3A_154 = tpu.memref_slice %arg3[%add3A, %dma_wait3A_152, %dma_wait3A_153] : memref<32x125x80xi32, #tpu.memory_space<hbm>> -> memref<1x125x80xi32, #tpu.memory_space<hbm>>
    %dma_wait3A_155 = tpu.memref_squeeze %dma_wait3A_154 : memref<1x125x80xi32, #tpu.memory_space<hbm>> -> memref<125x80xi32, #tpu.memory_space<hbm>>
    tpu.wait_dma2 semaphore(%arg14 : memref<!tpu.dma_semaphore, #tpu.memory_space<semaphore_mem>>) src(%dma_wait3A_155 : memref<125x80xi32, #tpu.memory_space<hbm>>) dst(%arg6 : memref<125x80xi32, #tpu.memory_space<vmem>>)
    %dma_wait3A_156 = arith.constant 0 : i32
    %dma_wait3A_157 = arith.constant 0 : i32
    %dma_wait3A_158 = tpu.memref_slice %arg4[%add3A, %dma_wait3A_156, %dma_wait3A_157] : memref<32x125x80xi32, #tpu.memory_space<hbm>> -> memref<1x1x80xi32, #tpu.memory_space<hbm>>
    %dma_wait3A_159 = tpu.memref_squeeze %dma_wait3A_158 : memref<1x1x80xi32, #tpu.memory_space<hbm>> -> memref<80xi32, #tpu.memory_space<hbm>>
    %dma_wait3A_160 = arith.constant 0 : i32
    %dma_wait3A_161 = tpu.memref_slice %arg4[%add3A, %dma_wait3A_156, %dma_wait3A_160] : memref<32x125x80xi32, #tpu.memory_space<hbm>> -> memref<1x1x80xi32, #tpu.memory_space<hbm>>
    %dma_wait3A_162 = tpu.memref_squeeze %dma_wait3A_161 : memref<1x1x80xi32, #tpu.memory_space<hbm>> -> memref<80xi32, #tpu.memory_space<hbm>>
    tpu.wait_dma2 semaphore(%arg15 : memref<!tpu.dma_semaphore, #tpu.memory_space<semaphore_mem>>) src(%dma_wait3A_162 : memref<80xi32, #tpu.memory_space<hbm>>) dst(%arg7 : memref<80xi32, #tpu.memory_space<vmem>>)
    %dma_start3A_163 = arith.constant 0 : i32
    %dma_start3A_164 = arith.constant 0 : i32
    %dma_start3A_165 = tpu.memref_slice %arg6[%dma_start3A_163, %dma_start3A_164] : memref<125x80xi32, #tpu.memory_space<vmem>> -> memref<1x80xi32, #tpu.memory_space<vmem>>
    %dma_start3A_166 = tpu.memref_squeeze %dma_start3A_165 : memref<1x80xi32, #tpu.memory_space<vmem>> -> memref<80xi32, #tpu.memory_space<vmem>>
    %dma_start3A_167 = arith.constant 0 : i32
    %dma_start3A_168 = arith.constant 0 : i32
    %dma_start3A_169 = tpu.memref_slice %arg2[%dma_start3A_167, %dma_start3A_168] : memref<10000x128xf32, #tpu.memory_space<hbm>> -> memref<10000x128xf32, #tpu.memory_space<hbm>>
    tpu.enqueue_indirect_dma source(%dma_start3A_169 : memref<10000x128xf32, #tpu.memory_space<hbm>>) target(%arg9 : memref<80x128xf32, #tpu.memory_space<vmem>>) offsets(%dma_start3A_166 : memref<80xi32, #tpu.memory_space<vmem>>) semaphore(%arg12 : memref<!tpu.dma_semaphore, #tpu.memory_space<semaphore_mem>>)
    %barrier3A = arith.constant 0 : index
    tpu.barrier barrier_id(%barrier3A)
    %scan3A_170 = arith.constant 0 : i32
    %scan3A_171 = arith.constant 0 : i32
    %scan3A_172 = arith.constant 62 : i32
    %scan3A_173 = arith.addi %scan3A_171, %scan3A_172 : i32
    %scan3A_174 = arith.constant 1 : i32
    %scan3A_175 = scf.for %scan3A_329 = %scan3A_171 to %scan3A_173 step %scan3A_174 iter_args(%scan3A_330 = %scan3A_170) -> (i32)  : i32 {
      %mul3A_331 = arith.constant 2 : i32
      %mul3A_332 = arith.muli %mul3A_331, %scan3A_329 : i32
      %add3A_333 = arith.constant 1 : i32
      %add3A_334 = arith.addi %mul3A_332, %add3A_333 : i32
      %dma_start3A_335 = arith.constant 0 : i32
      %dma_start3A_336 = tpu.memref_slice %arg6[%add3A_334, %dma_start3A_335] : memref<125x80xi32, #tpu.memory_space<vmem>> -> memref<1x80xi32, #tpu.memory_space<vmem>>
      %dma_start3A_337 = tpu.memref_squeeze %dma_start3A_336 : memref<1x80xi32, #tpu.memory_space<vmem>> -> memref<80xi32, #tpu.memory_space<vmem>>
      %dma_start3A_338 = arith.constant 0 : i32
      %dma_start3A_339 = arith.constant 0 : i32
      %dma_start3A_340 = tpu.memref_slice %arg2[%dma_start3A_338, %dma_start3A_339] : memref<10000x128xf32, #tpu.memory_space<hbm>> -> memref<10000x128xf32, #tpu.memory_space<hbm>>
      tpu.enqueue_indirect_dma source(%dma_start3A_340 : memref<10000x128xf32, #tpu.memory_space<hbm>>) target(%arg10 : memref<80x128xf32, #tpu.memory_space<vmem>>) offsets(%dma_start3A_337 : memref<80xi32, #tpu.memory_space<vmem>>) semaphore(%arg13 : memref<!tpu.dma_semaphore, #tpu.memory_space<semaphore_mem>>)
      %add3A_341 = arith.constant 1 : i32
      %add3A_342 = arith.addi %mul3A_332, %add3A_341 : i32
      %dma_start3A_343 = arith.constant 0 : i32
      %dma_start3A_344 = tpu.memref_slice %arg4[%add3A, %add3A_342, %dma_start3A_343] : memref<32x125x80xi32, #tpu.memory_space<hbm>> -> memref<1x1x80xi32, #tpu.memory_space<hbm>>
      %dma_start3A_345 = tpu.memref_squeeze %dma_start3A_344 : memref<1x1x80xi32, #tpu.memory_space<hbm>> -> memref<80xi32, #tpu.memory_space<hbm>>
      %dma_start3A_346 = arith.constant 0 : i32
      %dma_start3A_347 = tpu.memref_slice %arg4[%add3A, %add3A_342, %dma_start3A_346] : memref<32x125x80xi32, #tpu.memory_space<hbm>> -> memref<1x1x80xi32, #tpu.memory_space<hbm>>
      %dma_start3A_348 = tpu.memref_squeeze %dma_start3A_347 : memref<1x1x80xi32, #tpu.memory_space<hbm>> -> memref<80xi32, #tpu.memory_space<hbm>>
      tpu.enqueue_dma source(%dma_start3A_348 : memref<80xi32, #tpu.memory_space<hbm>>) target(%arg8 : memref<80xi32, #tpu.memory_space<vmem>>) target_semaphore(%arg15 : memref<!tpu.dma_semaphore, #tpu.memory_space<semaphore_mem>>)
      %dma_wait3A_349 = arith.constant 0 : i32
      %dma_wait3A_350 = tpu.memref_slice %arg6[%mul3A_332, %dma_wait3A_349] : memref<125x80xi32, #tpu.memory_space<vmem>> -> memref<1x80xi32, #tpu.memory_space<vmem>>
      %dma_wait3A_351 = tpu.memref_squeeze %dma_wait3A_350 : memref<1x80xi32, #tpu.memory_space<vmem>> -> memref<80xi32, #tpu.memory_space<vmem>>
      %dma_wait3A_352 = arith.constant 0 : i32
      %dma_wait3A_353 = arith.constant 0 : i32
      %dma_wait3A_354 = tpu.memref_slice %arg2[%dma_wait3A_352, %dma_wait3A_353] : memref<10000x128xf32, #tpu.memory_space<hbm>> -> memref<10000x128xf32, #tpu.memory_space<hbm>>
      tpu.wait_indirect_dma semaphore(%arg12 : memref<!tpu.dma_semaphore, #tpu.memory_space<semaphore_mem>>) src(%dma_wait3A_354 : memref<10000x128xf32, #tpu.memory_space<hbm>>) dst(%arg9 : memref<80x128xf32, #tpu.memory_space<vmem>>)
      "tpu.region"() ({
        %run_scoped3A = tpu.sem_alloc : memref<!tpu.dma_semaphore, #tpu.memory_space<semaphore_mem>>
        %dma_start3A_396 = arith.constant 0 : i32
        %dma_start3A_397 = arith.constant 0 : i32
        %dma_start3A_398 = tpu.memref_slice %arg11[%dma_start3A_396, %dma_start3A_397] : memref<10240x128xf32, #tpu.memory_space<vmem_shared>> -> memref<10240x128xf32, #tpu.memory_space<vmem_shared>>
        tpu.enqueue_indirect_dma source(%arg9 : memref<80x128xf32, #tpu.memory_space<vmem>>) target(%dma_start3A_398 : memref<10240x128xf32, #tpu.memory_space<vmem_shared>>) offsets(%arg7 : memref<80xi32, #tpu.memory_space<vmem>>) semaphore(%run_scoped3A : memref<!tpu.dma_semaphore, #tpu.memory_space<semaphore_mem>>) {add = true}
        %dma_wait3A_399 = arith.constant 0 : i32
        %dma_wait3A_400 = arith.constant 0 : i32
        %dma_wait3A_401 = tpu.memref_slice %arg11[%dma_wait3A_399, %dma_wait3A_400] : memref<10240x128xf32, #tpu.memory_space<vmem_shared>> -> memref<10240x128xf32, #tpu.memory_space<vmem_shared>>
        tpu.wait_indirect_dma semaphore(%run_scoped3A : memref<!tpu.dma_semaphore, #tpu.memory_space<semaphore_mem>>) src(%arg9 : memref<80x128xf32, #tpu.memory_space<vmem>>) dst(%dma_wait3A_401 : memref<10240x128xf32, #tpu.memory_space<vmem_shared>>)
        tpu.yield
      }) : () -> ()
      %add3A_355 = arith.constant 2 : i32
      %add3A_356 = arith.addi %mul3A_332, %add3A_355 : i32
      %dma_start3A_357 = arith.constant 0 : i32
      %dma_start3A_358 = tpu.memref_slice %arg6[%add3A_356, %dma_start3A_357] : memref<125x80xi32, #tpu.memory_space<vmem>> -> memref<1x80xi32, #tpu.memory_space<vmem>>
      %dma_start3A_359 = tpu.memref_squeeze %dma_start3A_358 : memref<1x80xi32, #tpu.memory_space<vmem>> -> memref<80xi32, #tpu.memory_space<vmem>>
      %dma_start3A_360 = arith.constant 0 : i32
      %dma_start3A_361 = arith.constant 0 : i32
      %dma_start3A_362 = tpu.memref_slice %arg2[%dma_start3A_360, %dma_start3A_361] : memref<10000x128xf32, #tpu.memory_space<hbm>> -> memref<10000x128xf32, #tpu.memory_space<hbm>>
      tpu.enqueue_indirect_dma source(%dma_start3A_362 : memref<10000x128xf32, #tpu.memory_space<hbm>>) target(%arg9 : memref<80x128xf32, #tpu.memory_space<vmem>>) offsets(%dma_start3A_359 : memref<80xi32, #tpu.memory_space<vmem>>) semaphore(%arg12 : memref<!tpu.dma_semaphore, #tpu.memory_space<semaphore_mem>>)
      %add3A_363 = arith.constant 2 : i32
      %add3A_364 = arith.addi %mul3A_332, %add3A_363 : i32
      %dma_start3A_365 = arith.constant 0 : i32
      %dma_start3A_366 = tpu.memref_slice %arg4[%add3A, %add3A_364, %dma_start3A_365] : memref<32x125x80xi32, #tpu.memory_space<hbm>> -> memref<1x1x80xi32, #tpu.memory_space<hbm>>
      %dma_start3A_367 = tpu.memref_squeeze %dma_start3A_366 : memref<1x1x80xi32, #tpu.memory_space<hbm>> -> memref<80xi32, #tpu.memory_space<hbm>>
      %dma_start3A_368 = arith.constant 0 : i32
      %dma_start3A_369 = tpu.memref_slice %arg4[%add3A, %add3A_364, %dma_start3A_368] : memref<32x125x80xi32, #tpu.memory_space<hbm>> -> memref<1x1x80xi32, #tpu.memory_space<hbm>>
      %dma_start3A_370 = tpu.memref_squeeze %dma_start3A_369 : memref<1x1x80xi32, #tpu.memory_space<hbm>> -> memref<80xi32, #tpu.memory_space<hbm>>
      tpu.enqueue_dma source(%dma_start3A_370 : memref<80xi32, #tpu.memory_space<hbm>>) target(%arg7 : memref<80xi32, #tpu.memory_space<vmem>>) target_semaphore(%arg14 : memref<!tpu.dma_semaphore, #tpu.memory_space<semaphore_mem>>)
      %add3A_371 = arith.constant 1 : i32
      %add3A_372 = arith.addi %mul3A_332, %add3A_371 : i32
      %dma_wait3A_373 = arith.constant 0 : i32
      %dma_wait3A_374 = tpu.memref_slice %arg6[%add3A_372, %dma_wait3A_373] : memref<125x80xi32, #tpu.memory_space<vmem>> -> memref<1x80xi32, #tpu.memory_space<vmem>>
      %dma_wait3A_375 = tpu.memref_squeeze %dma_wait3A_374 : memref<1x80xi32, #tpu.memory_space<vmem>> -> memref<80xi32, #tpu.memory_space<vmem>>
      %dma_wait3A_376 = arith.constant 0 : i32
      %dma_wait3A_377 = arith.constant 0 : i32
      %dma_wait3A_378 = tpu.memref_slice %arg2[%dma_wait3A_376, %dma_wait3A_377] : memref<10000x128xf32, #tpu.memory_space<hbm>> -> memref<10000x128xf32, #tpu.memory_space<hbm>>
      tpu.wait_indirect_dma semaphore(%arg13 : memref<!tpu.dma_semaphore, #tpu.memory_space<semaphore_mem>>) src(%dma_wait3A_378 : memref<10000x128xf32, #tpu.memory_space<hbm>>) dst(%arg10 : memref<80x128xf32, #tpu.memory_space<vmem>>)
      %add3A_379 = arith.constant 1 : i32
      %add3A_380 = arith.addi %mul3A_332, %add3A_379 : i32
      %dma_wait3A_381 = arith.constant 0 : i32
      %dma_wait3A_382 = tpu.memref_slice %arg4[%add3A, %add3A_380, %dma_wait3A_381] : memref<32x125x80xi32, #tpu.memory_space<hbm>> -> memref<1x1x80xi32, #tpu.memory_space<hbm>>
      %dma_wait3A_383 = tpu.memref_squeeze %dma_wait3A_382 : memref<1x1x80xi32, #tpu.memory_space<hbm>> -> memref<80xi32, #tpu.memory_space<hbm>>
      %dma_wait3A_384 = arith.constant 0 : i32
      %dma_wait3A_385 = tpu.memref_slice %arg4[%add3A, %add3A_380, %dma_wait3A_384] : memref<32x125x80xi32, #tpu.memory_space<hbm>> -> memref<1x1x80xi32, #tpu.memory_space<hbm>>
      %dma_wait3A_386 = tpu.memref_squeeze %dma_wait3A_385 : memref<1x1x80xi32, #tpu.memory_space<hbm>> -> memref<80xi32, #tpu.memory_space<hbm>>
      tpu.wait_dma2 semaphore(%arg15 : memref<!tpu.dma_semaphore, #tpu.memory_space<semaphore_mem>>) src(%dma_wait3A_386 : memref<80xi32, #tpu.memory_space<hbm>>) dst(%arg8 : memref<80xi32, #tpu.memory_space<vmem>>)
      "tpu.region"() ({
        %run_scoped3A = tpu.sem_alloc : memref<!tpu.dma_semaphore, #tpu.memory_space<semaphore_mem>>
        %dma_start3A_396 = arith.constant 0 : i32
        %dma_start3A_397 = arith.constant 0 : i32
        %dma_start3A_398 = tpu.memref_slice %arg11[%dma_start3A_396, %dma_start3A_397] : memref<10240x128xf32, #tpu.memory_space<vmem_shared>> -> memref<10240x128xf32, #tpu.memory_space<vmem_shared>>
        tpu.enqueue_indirect_dma source(%arg10 : memref<80x128xf32, #tpu.memory_space<vmem>>) target(%dma_start3A_398 : memref<10240x128xf32, #tpu.memory_space<vmem_shared>>) offsets(%arg8 : memref<80xi32, #tpu.memory_space<vmem>>) semaphore(%run_scoped3A : memref<!tpu.dma_semaphore, #tpu.memory_space<semaphore_mem>>) {add = true}
        %dma_wait3A_399 = arith.constant 0 : i32
        %dma_wait3A_400 = arith.constant 0 : i32
        %dma_wait3A_401 = tpu.memref_slice %arg11[%dma_wait3A_399, %dma_wait3A_400] : memref<10240x128xf32, #tpu.memory_space<vmem_shared>> -> memref<10240x128xf32, #tpu.memory_space<vmem_shared>>
        tpu.wait_indirect_dma semaphore(%run_scoped3A : memref<!tpu.dma_semaphore, #tpu.memory_space<semaphore_mem>>) src(%arg10 : memref<80x128xf32, #tpu.memory_space<vmem>>) dst(%dma_wait3A_401 : memref<10240x128xf32, #tpu.memory_space<vmem_shared>>)
        tpu.yield
      }) : () -> ()
      %add3A_387 = arith.constant 2 : i32
      %add3A_388 = arith.addi %mul3A_332, %add3A_387 : i32
      %dma_wait3A_389 = arith.constant 0 : i32
      %dma_wait3A_390 = tpu.memref_slice %arg4[%add3A, %add3A_388, %dma_wait3A_389] : memref<32x125x80xi32, #tpu.memory_space<hbm>> -> memref<1x1x80xi32, #tpu.memory_space<hbm>>
      %dma_wait3A_391 = tpu.memref_squeeze %dma_wait3A_390 : memref<1x1x80xi32, #tpu.memory_space<hbm>> -> memref<80xi32, #tpu.memory_space<hbm>>
      %dma_wait3A_392 = arith.constant 0 : i32
      %dma_wait3A_393 = tpu.memref_slice %arg4[%add3A, %add3A_388, %dma_wait3A_392] : memref<32x125x80xi32, #tpu.memory_space<hbm>> -> memref<1x1x80xi32, #tpu.memory_space<hbm>>
      %dma_wait3A_394 = tpu.memref_squeeze %dma_wait3A_393 : memref<1x1x80xi32, #tpu.memory_space<hbm>> -> memref<80xi32, #tpu.memory_space<hbm>>
      tpu.wait_dma2 semaphore(%arg14 : memref<!tpu.dma_semaphore, #tpu.memory_space<semaphore_mem>>) src(%dma_wait3A_394 : memref<80xi32, #tpu.memory_space<hbm>>) dst(%arg7 : memref<80xi32, #tpu.memory_space<vmem>>)
      %scan3A_395 = arith.constant 0 : i32
      scf.yield %scan3A_395 : i32
    }
    %scan3A_176 = arith.constant 62 : i32
    %dma_wait3A_177 = arith.constant 124 : i32
    %dma_wait3A_178 = arith.constant 0 : i32
    %dma_wait3A_179 = tpu.memref_slice %arg6[%dma_wait3A_177, %dma_wait3A_178] : memref<125x80xi32, #tpu.memory_space<vmem>> -> memref<1x80xi32, #tpu.memory_space<vmem>>
    %dma_wait3A_180 = tpu.memref_squeeze %dma_wait3A_179 : memref<1x80xi32, #tpu.memory_space<vmem>> -> memref<80xi32, #tpu.memory_space<vmem>>
    %dma_wait3A_181 = arith.constant 0 : i32
    %dma_wait3A_182 = arith.constant 0 : i32
    %dma_wait3A_183 = tpu.memref_slice %arg2[%dma_wait3A_181, %dma_wait3A_182] : memref<10000x128xf32, #tpu.memory_space<hbm>> -> memref<10000x128xf32, #tpu.memory_space<hbm>>
    tpu.wait_indirect_dma semaphore(%arg12 : memref<!tpu.dma_semaphore, #tpu.memory_space<semaphore_mem>>) src(%dma_wait3A_183 : memref<10000x128xf32, #tpu.memory_space<hbm>>) dst(%arg9 : memref<80x128xf32, #tpu.memory_space<vmem>>)
    "tpu.region"() ({
      %run_scoped3A = tpu.sem_alloc : memref<!tpu.dma_semaphore, #tpu.memory_space<semaphore_mem>>
      %dma_start3A_329 = arith.constant 0 : i32
      %dma_start3A_330 = arith.constant 0 : i32
      %dma_start3A_331 = tpu.memref_slice %arg11[%dma_start3A_329, %dma_start3A_330] : memref<10240x128xf32, #tpu.memory_space<vmem_shared>> -> memref<10240x128xf32, #tpu.memory_space<vmem_shared>>
      tpu.enqueue_indirect_dma source(%arg9 : memref<80x128xf32, #tpu.memory_space<vmem>>) target(%dma_start3A_331 : memref<10240x128xf32, #tpu.memory_space<vmem_shared>>) offsets(%arg7 : memref<80xi32, #tpu.memory_space<vmem>>) semaphore(%run_scoped3A : memref<!tpu.dma_semaphore, #tpu.memory_space<semaphore_mem>>) {add = true}
      %dma_wait3A_332 = arith.constant 0 : i32
      %dma_wait3A_333 = arith.constant 0 : i32
      %dma_wait3A_334 = tpu.memref_slice %arg11[%dma_wait3A_332, %dma_wait3A_333] : memref<10240x128xf32, #tpu.memory_space<vmem_shared>> -> memref<10240x128xf32, #tpu.memory_space<vmem_shared>>
      tpu.wait_indirect_dma semaphore(%run_scoped3A : memref<!tpu.dma_semaphore, #tpu.memory_space<semaphore_mem>>) src(%arg9 : memref<80x128xf32, #tpu.memory_space<vmem>>) dst(%dma_wait3A_334 : memref<10240x128xf32, #tpu.memory_space<vmem_shared>>)
      tpu.yield
    }) : () -> ()
    %barrier3A_184 = arith.constant 0 : index
    tpu.barrier barrier_id(%barrier3A_184)
    %mul3A_185 = arith.constant 640 : i32
    %mul3A_186 = arith.muli %arg1, %mul3A_185 : i32
    %add3A_187 = arith.constant 0 : i32
    %add3A_188 = arith.addi %mul3A_186, %add3A_187 : i32
    %dma_start3A_189 = arith.constant 0 : i32
    %dma_start3A_190 = tpu.memref_slice %arg5[%arg0, %add3A_188, %dma_start3A_189] : memref<2x10240x128xf32, #tpu.memory_space<hbm>> -> memref<1x80x128xf32, #tpu.memory_space<hbm>>
    %dma_start3A_191 = tpu.memref_squeeze %dma_start3A_190 : memref<1x80x128xf32, #tpu.memory_space<hbm>> -> memref<80x128xf32, #tpu.memory_space<hbm>>
    %dma_start3A_192 = arith.constant 0 : i32
    %dma_start3A_193 = tpu.memref_slice %arg11[%add3A_188, %dma_start3A_192] : memref<10240x128xf32, #tpu.memory_space<vmem_shared>> -> memref<80x128xf32, #tpu.memory_space<vmem_shared>>
    tpu.enqueue_dma source(%dma_start3A_193 : memref<80x128xf32, #tpu.memory_space<vmem_shared>>) target(%dma_start3A_191 : memref<80x128xf32, #tpu.memory_space<hbm>>) target_semaphore(%arg12 : memref<!tpu.dma_semaphore, #tpu.memory_space<semaphore_mem>>)
    %mul3A_194 = arith.constant 640 : i32
    %mul3A_195 = arith.muli %arg1, %mul3A_194 : i32
    %add3A_196 = arith.constant 80 : i32
    %add3A_197 = arith.addi %mul3A_195, %add3A_196 : i32
    %dma_start3A_198 = arith.constant 0 : i32
    %dma_start3A_199 = tpu.memref_slice %arg5[%arg0, %add3A_197, %dma_start3A_198] : memref<2x10240x128xf32, #tpu.memory_space<hbm>> -> memref<1x80x128xf32, #tpu.memory_space<hbm>>
    %dma_start3A_200 = tpu.memref_squeeze %dma_start3A_199 : memref<1x80x128xf32, #tpu.memory_space<hbm>> -> memref<80x128xf32, #tpu.memory_space<hbm>>
    %dma_start3A_201 = arith.constant 0 : i32
    %dma_start3A_202 = tpu.memref_slice %arg11[%add3A_197, %dma_start3A_201] : memref<10240x128xf32, #tpu.memory_space<vmem_shared>> -> memref<80x128xf32, #tpu.memory_space<vmem_shared>>
    tpu.enqueue_dma source(%dma_start3A_202 : memref<80x128xf32, #tpu.memory_space<vmem_shared>>) target(%dma_start3A_200 : memref<80x128xf32, #tpu.memory_space<hbm>>) target_semaphore(%arg12 : memref<!tpu.dma_semaphore, #tpu.memory_space<semaphore_mem>>)
    %mul3A_203 = arith.constant 640 : i32
    %mul3A_204 = arith.muli %arg1, %mul3A_203 : i32
    %add3A_205 = arith.constant 160 : i32
    %add3A_206 = arith.addi %mul3A_204, %add3A_205 : i32
    %dma_start3A_207 = arith.constant 0 : i32
    %dma_start3A_208 = tpu.memref_slice %arg5[%arg0, %add3A_206, %dma_start3A_207] : memref<2x10240x128xf32, #tpu.memory_space<hbm>> -> memref<1x80x128xf32, #tpu.memory_space<hbm>>
    %dma_start3A_209 = tpu.memref_squeeze %dma_start3A_208 : memref<1x80x128xf32, #tpu.memory_space<hbm>> -> memref<80x128xf32, #tpu.memory_space<hbm>>
    %dma_start3A_210 = arith.constant 0 : i32
    %dma_start3A_211 = tpu.memref_slice %arg11[%add3A_206, %dma_start3A_210] : memref<10240x128xf32, #tpu.memory_space<vmem_shared>> -> memref<80x128xf32, #tpu.memory_space<vmem_shared>>
    tpu.enqueue_dma source(%dma_start3A_211 : memref<80x128xf32, #tpu.memory_space<vmem_shared>>) target(%dma_start3A_209 : memref<80x128xf32, #tpu.memory_space<hbm>>) target_semaphore(%arg12 : memref<!tpu.dma_semaphore, #tpu.memory_space<semaphore_mem>>)
    %mul3A_212 = arith.constant 640 : i32
    %mul3A_213 = arith.muli %arg1, %mul3A_212 : i32
    %add3A_214 = arith.constant 240 : i32
    %add3A_215 = arith.addi %mul3A_213, %add3A_214 : i32
    %dma_start3A_216 = arith.constant 0 : i32
    %dma_start3A_217 = tpu.memref_slice %arg5[%arg0, %add3A_215, %dma_start3A_216] : memref<2x10240x128xf32, #tpu.memory_space<hbm>> -> memref<1x80x128xf32, #tpu.memory_space<hbm>>
    %dma_start3A_218 = tpu.memref_squeeze %dma_start3A_217 : memref<1x80x128xf32, #tpu.memory_space<hbm>> -> memref<80x128xf32, #tpu.memory_space<hbm>>
    %dma_start3A_219 = arith.constant 0 : i32
    %dma_start3A_220 = tpu.memref_slice %arg11[%add3A_215, %dma_start3A_219] : memref<10240x128xf32, #tpu.memory_space<vmem_shared>> -> memref<80x128xf32, #tpu.memory_space<vmem_shared>>
    tpu.enqueue_dma source(%dma_start3A_220 : memref<80x128xf32, #tpu.memory_space<vmem_shared>>) target(%dma_start3A_218 : memref<80x128xf32, #tpu.memory_space<hbm>>) target_semaphore(%arg12 : memref<!tpu.dma_semaphore, #tpu.memory_space<semaphore_mem>>)
    %mul3A_221 = arith.constant 640 : i32
    %mul3A_222 = arith.muli %arg1, %mul3A_221 : i32
    %add3A_223 = arith.constant 320 : i32
    %add3A_224 = arith.addi %mul3A_222, %add3A_223 : i32
    %dma_start3A_225 = arith.constant 0 : i32
    %dma_start3A_226 = tpu.memref_slice %arg5[%arg0, %add3A_224, %dma_start3A_225] : memref<2x10240x128xf32, #tpu.memory_space<hbm>> -> memref<1x80x128xf32, #tpu.memory_space<hbm>>
    %dma_start3A_227 = tpu.memref_squeeze %dma_start3A_226 : memref<1x80x128xf32, #tpu.memory_space<hbm>> -> memref<80x128xf32, #tpu.memory_space<hbm>>
    %dma_start3A_228 = arith.constant 0 : i32
    %dma_start3A_229 = tpu.memref_slice %arg11[%add3A_224, %dma_start3A_228] : memref<10240x128xf32, #tpu.memory_space<vmem_shared>> -> memref<80x128xf32, #tpu.memory_space<vmem_shared>>
    tpu.enqueue_dma source(%dma_start3A_229 : memref<80x128xf32, #tpu.memory_space<vmem_shared>>) target(%dma_start3A_227 : memref<80x128xf32, #tpu.memory_space<hbm>>) target_semaphore(%arg12 : memref<!tpu.dma_semaphore, #tpu.memory_space<semaphore_mem>>)
    %mul3A_230 = arith.constant 640 : i32
    %mul3A_231 = arith.muli %arg1, %mul3A_230 : i32
    %add3A_232 = arith.constant 400 : i32
    %add3A_233 = arith.addi %mul3A_231, %add3A_232 : i32
    %dma_start3A_234 = arith.constant 0 : i32
    %dma_start3A_235 = tpu.memref_slice %arg5[%arg0, %add3A_233, %dma_start3A_234] : memref<2x10240x128xf32, #tpu.memory_space<hbm>> -> memref<1x80x128xf32, #tpu.memory_space<hbm>>
    %dma_start3A_236 = tpu.memref_squeeze %dma_start3A_235 : memref<1x80x128xf32, #tpu.memory_space<hbm>> -> memref<80x128xf32, #tpu.memory_space<hbm>>
    %dma_start3A_237 = arith.constant 0 : i32
    %dma_start3A_238 = tpu.memref_slice %arg11[%add3A_233, %dma_start3A_237] : memref<10240x128xf32, #tpu.memory_space<vmem_shared>> -> memref<80x128xf32, #tpu.memory_space<vmem_shared>>
    tpu.enqueue_dma source(%dma_start3A_238 : memref<80x128xf32, #tpu.memory_space<vmem_shared>>) target(%dma_start3A_236 : memref<80x128xf32, #tpu.memory_space<hbm>>) target_semaphore(%arg12 : memref<!tpu.dma_semaphore, #tpu.memory_space<semaphore_mem>>)
    %mul3A_239 = arith.constant 640 : i32
    %mul3A_240 = arith.muli %arg1, %mul3A_239 : i32
    %add3A_241 = arith.constant 480 : i32
    %add3A_242 = arith.addi %mul3A_240, %add3A_241 : i32
    %dma_start3A_243 = arith.constant 0 : i32
    %dma_start3A_244 = tpu.memref_slice %arg5[%arg0, %add3A_242, %dma_start3A_243] : memref<2x10240x128xf32, #tpu.memory_space<hbm>> -> memref<1x80x128xf32, #tpu.memory_space<hbm>>
    %dma_start3A_245 = tpu.memref_squeeze %dma_start3A_244 : memref<1x80x128xf32, #tpu.memory_space<hbm>> -> memref<80x128xf32, #tpu.memory_space<hbm>>
    %dma_start3A_246 = arith.constant 0 : i32
    %dma_start3A_247 = tpu.memref_slice %arg11[%add3A_242, %dma_start3A_246] : memref<10240x128xf32, #tpu.memory_space<vmem_shared>> -> memref<80x128xf32, #tpu.memory_space<vmem_shared>>
    tpu.enqueue_dma source(%dma_start3A_247 : memref<80x128xf32, #tpu.memory_space<vmem_shared>>) target(%dma_start3A_245 : memref<80x128xf32, #tpu.memory_space<hbm>>) target_semaphore(%arg12 : memref<!tpu.dma_semaphore, #tpu.memory_space<semaphore_mem>>)
    %mul3A_248 = arith.constant 640 : i32
    %mul3A_249 = arith.muli %arg1, %mul3A_248 : i32
    %add3A_250 = arith.constant 560 : i32
    %add3A_251 = arith.addi %mul3A_249, %add3A_250 : i32
    %dma_start3A_252 = arith.constant 0 : i32
    %dma_start3A_253 = tpu.memref_slice %arg5[%arg0, %add3A_251, %dma_start3A_252] : memref<2x10240x128xf32, #tpu.memory_space<hbm>> -> memref<1x80x128xf32, #tpu.memory_space<hbm>>
    %dma_start3A_254 = tpu.memref_squeeze %dma_start3A_253 : memref<1x80x128xf32, #tpu.memory_space<hbm>> -> memref<80x128xf32, #tpu.memory_space<hbm>>
    %dma_start3A_255 = arith.constant 0 : i32
    %dma_start3A_256 = tpu.memref_slice %arg11[%add3A_251, %dma_start3A_255] : memref<10240x128xf32, #tpu.memory_space<vmem_shared>> -> memref<80x128xf32, #tpu.memory_space<vmem_shared>>
    tpu.enqueue_dma source(%dma_start3A_256 : memref<80x128xf32, #tpu.memory_space<vmem_shared>>) target(%dma_start3A_254 : memref<80x128xf32, #tpu.memory_space<hbm>>) target_semaphore(%arg12 : memref<!tpu.dma_semaphore, #tpu.memory_space<semaphore_mem>>)
    %mul3A_257 = arith.constant 640 : i32
    %mul3A_258 = arith.muli %arg1, %mul3A_257 : i32
    %add3A_259 = arith.constant 0 : i32
    %add3A_260 = arith.addi %mul3A_258, %add3A_259 : i32
    %dma_wait3A_261 = arith.constant 0 : i32
    %dma_wait3A_262 = tpu.memref_slice %arg5[%arg0, %add3A_260, %dma_wait3A_261] : memref<2x10240x128xf32, #tpu.memory_space<hbm>> -> memref<1x80x128xf32, #tpu.memory_space<hbm>>
    %dma_wait3A_263 = tpu.memref_squeeze %dma_wait3A_262 : memref<1x80x128xf32, #tpu.memory_space<hbm>> -> memref<80x128xf32, #tpu.memory_space<hbm>>
    %dma_wait3A_264 = arith.constant 0 : i32
    %dma_wait3A_265 = tpu.memref_slice %arg11[%add3A_260, %dma_wait3A_264] : memref<10240x128xf32, #tpu.memory_space<vmem_shared>> -> memref<80x128xf32, #tpu.memory_space<vmem_shared>>
    tpu.wait_dma2 semaphore(%arg12 : memref<!tpu.dma_semaphore, #tpu.memory_space<semaphore_mem>>) src(%dma_wait3A_265 : memref<80x128xf32, #tpu.memory_space<vmem_shared>>) dst(%dma_wait3A_263 : memref<80x128xf32, #tpu.memory_space<hbm>>)
    %mul3A_266 = arith.constant 640 : i32
    %mul3A_267 = arith.muli %arg1, %mul3A_266 : i32
    %add3A_268 = arith.constant 80 : i32
    %add3A_269 = arith.addi %mul3A_267, %add3A_268 : i32
    %dma_wait3A_270 = arith.constant 0 : i32
    %dma_wait3A_271 = tpu.memref_slice %arg5[%arg0, %add3A_269, %dma_wait3A_270] : memref<2x10240x128xf32, #tpu.memory_space<hbm>> -> memref<1x80x128xf32, #tpu.memory_space<hbm>>
    %dma_wait3A_272 = tpu.memref_squeeze %dma_wait3A_271 : memref<1x80x128xf32, #tpu.memory_space<hbm>> -> memref<80x128xf32, #tpu.memory_space<hbm>>
    %dma_wait3A_273 = arith.constant 0 : i32
    %dma_wait3A_274 = tpu.memref_slice %arg11[%add3A_269, %dma_wait3A_273] : memref<10240x128xf32, #tpu.memory_space<vmem_shared>> -> memref<80x128xf32, #tpu.memory_space<vmem_shared>>
    tpu.wait_dma2 semaphore(%arg12 : memref<!tpu.dma_semaphore, #tpu.memory_space<semaphore_mem>>) src(%dma_wait3A_274 : memref<80x128xf32, #tpu.memory_space<vmem_shared>>) dst(%dma_wait3A_272 : memref<80x128xf32, #tpu.memory_space<hbm>>)
    %mul3A_275 = arith.constant 640 : i32
    %mul3A_276 = arith.muli %arg1, %mul3A_275 : i32
    %add3A_277 = arith.constant 160 : i32
    %add3A_278 = arith.addi %mul3A_276, %add3A_277 : i32
    %dma_wait3A_279 = arith.constant 0 : i32
    %dma_wait3A_280 = tpu.memref_slice %arg5[%arg0, %add3A_278, %dma_wait3A_279] : memref<2x10240x128xf32, #tpu.memory_space<hbm>> -> memref<1x80x128xf32, #tpu.memory_space<hbm>>
    %dma_wait3A_281 = tpu.memref_squeeze %dma_wait3A_280 : memref<1x80x128xf32, #tpu.memory_space<hbm>> -> memref<80x128xf32, #tpu.memory_space<hbm>>
    %dma_wait3A_282 = arith.constant 0 : i32
    %dma_wait3A_283 = tpu.memref_slice %arg11[%add3A_278, %dma_wait3A_282] : memref<10240x128xf32, #tpu.memory_space<vmem_shared>> -> memref<80x128xf32, #tpu.memory_space<vmem_shared>>
    tpu.wait_dma2 semaphore(%arg12 : memref<!tpu.dma_semaphore, #tpu.memory_space<semaphore_mem>>) src(%dma_wait3A_283 : memref<80x128xf32, #tpu.memory_space<vmem_shared>>) dst(%dma_wait3A_281 : memref<80x128xf32, #tpu.memory_space<hbm>>)
    %mul3A_284 = arith.constant 640 : i32
    %mul3A_285 = arith.muli %arg1, %mul3A_284 : i32
    %add3A_286 = arith.constant 240 : i32
    %add3A_287 = arith.addi %mul3A_285, %add3A_286 : i32
    %dma_wait3A_288 = arith.constant 0 : i32
    %dma_wait3A_289 = tpu.memref_slice %arg5[%arg0, %add3A_287, %dma_wait3A_288] : memref<2x10240x128xf32, #tpu.memory_space<hbm>> -> memref<1x80x128xf32, #tpu.memory_space<hbm>>
    %dma_wait3A_290 = tpu.memref_squeeze %dma_wait3A_289 : memref<1x80x128xf32, #tpu.memory_space<hbm>> -> memref<80x128xf32, #tpu.memory_space<hbm>>
    %dma_wait3A_291 = arith.constant 0 : i32
    %dma_wait3A_292 = tpu.memref_slice %arg11[%add3A_287, %dma_wait3A_291] : memref<10240x128xf32, #tpu.memory_space<vmem_shared>> -> memref<80x128xf32, #tpu.memory_space<vmem_shared>>
    tpu.wait_dma2 semaphore(%arg12 : memref<!tpu.dma_semaphore, #tpu.memory_space<semaphore_mem>>) src(%dma_wait3A_292 : memref<80x128xf32, #tpu.memory_space<vmem_shared>>) dst(%dma_wait3A_290 : memref<80x128xf32, #tpu.memory_space<hbm>>)
    %mul3A_293 = arith.constant 640 : i32
    %mul3A_294 = arith.muli %arg1, %mul3A_293 : i32
    %add3A_295 = arith.constant 320 : i32
    %add3A_296 = arith.addi %mul3A_294, %add3A_295 : i32
    %dma_wait3A_297 = arith.constant 0 : i32
    %dma_wait3A_298 = tpu.memref_slice %arg5[%arg0, %add3A_296, %dma_wait3A_297] : memref<2x10240x128xf32, #tpu.memory_space<hbm>> -> memref<1x80x128xf32, #tpu.memory_space<hbm>>
    %dma_wait3A_299 = tpu.memref_squeeze %dma_wait3A_298 : memref<1x80x128xf32, #tpu.memory_space<hbm>> -> memref<80x128xf32, #tpu.memory_space<hbm>>
    %dma_wait3A_300 = arith.constant 0 : i32
    %dma_wait3A_301 = tpu.memref_slice %arg11[%add3A_296, %dma_wait3A_300] : memref<10240x128xf32, #tpu.memory_space<vmem_shared>> -> memref<80x128xf32, #tpu.memory_space<vmem_shared>>
    tpu.wait_dma2 semaphore(%arg12 : memref<!tpu.dma_semaphore, #tpu.memory_space<semaphore_mem>>) src(%dma_wait3A_301 : memref<80x128xf32, #tpu.memory_space<vmem_shared>>) dst(%dma_wait3A_299 : memref<80x128xf32, #tpu.memory_space<hbm>>)
    %mul3A_302 = arith.constant 640 : i32
    %mul3A_303 = arith.muli %arg1, %mul3A_302 : i32
    %add3A_304 = arith.constant 400 : i32
    %add3A_305 = arith.addi %mul3A_303, %add3A_304 : i32
    %dma_wait3A_306 = arith.constant 0 : i32
    %dma_wait3A_307 = tpu.memref_slice %arg5[%arg0, %add3A_305, %dma_wait3A_306] : memref<2x10240x128xf32, #tpu.memory_space<hbm>> -> memref<1x80x128xf32, #tpu.memory_space<hbm>>
    %dma_wait3A_308 = tpu.memref_squeeze %dma_wait3A_307 : memref<1x80x128xf32, #tpu.memory_space<hbm>> -> memref<80x128xf32, #tpu.memory_space<hbm>>
    %dma_wait3A_309 = arith.constant 0 : i32
    %dma_wait3A_310 = tpu.memref_slice %arg11[%add3A_305, %dma_wait3A_309] : memref<10240x128xf32, #tpu.memory_space<vmem_shared>> -> memref<80x128xf32, #tpu.memory_space<vmem_shared>>
    tpu.wait_dma2 semaphore(%arg12 : memref<!tpu.dma_semaphore, #tpu.memory_space<semaphore_mem>>) src(%dma_wait3A_310 : memref<80x128xf32, #tpu.memory_space<vmem_shared>>) dst(%dma_wait3A_308 : memref<80x128xf32, #tpu.memory_space<hbm>>)
    %mul3A_311 = arith.constant 640 : i32
    %mul3A_312 = arith.muli %arg1, %mul3A_311 : i32
    %add3A_313 = arith.constant 480 : i32
    %add3A_314 = arith.addi %mul3A_312, %add3A_313 : i32
    %dma_wait3A_315 = arith.constant 0 : i32
    %dma_wait3A_316 = tpu.memref_slice %arg5[%arg0, %add3A_314, %dma_wait3A_315] : memref<2x10240x128xf32, #tpu.memory_space<hbm>> -> memref<1x80x128xf32, #tpu.memory_space<hbm>>
    %dma_wait3A_317 = tpu.memref_squeeze %dma_wait3A_316 : memref<1x80x128xf32, #tpu.memory_space<hbm>> -> memref<80x128xf32, #tpu.memory_space<hbm>>
    %dma_wait3A_318 = arith.constant 0 : i32
    %dma_wait3A_319 = tpu.memref_slice %arg11[%add3A_314, %dma_wait3A_318] : memref<10240x128xf32, #tpu.memory_space<vmem_shared>> -> memref<80x128xf32, #tpu.memory_space<vmem_shared>>
    tpu.wait_dma2 semaphore(%arg12 : memref<!tpu.dma_semaphore, #tpu.memory_space<semaphore_mem>>) src(%dma_wait3A_319 : memref<80x128xf32, #tpu.memory_space<vmem_shared>>) dst(%dma_wait3A_317 : memref<80x128xf32, #tpu.memory_space<hbm>>)
    %mul3A_320 = arith.constant 640 : i32
    %mul3A_321 = arith.muli %arg1, %mul3A_320 : i32
    %add3A_322 = arith.constant 560 : i32
    %add3A_323 = arith.addi %mul3A_321, %add3A_322 : i32
    %dma_wait3A_324 = arith.constant 0 : i32
    %dma_wait3A_325 = tpu.memref_slice %arg5[%arg0, %add3A_323, %dma_wait3A_324] : memref<2x10240x128xf32, #tpu.memory_space<hbm>> -> memref<1x80x128xf32, #tpu.memory_space<hbm>>
    %dma_wait3A_326 = tpu.memref_squeeze %dma_wait3A_325 : memref<1x80x128xf32, #tpu.memory_space<hbm>> -> memref<80x128xf32, #tpu.memory_space<hbm>>
    %dma_wait3A_327 = arith.constant 0 : i32
    %dma_wait3A_328 = tpu.memref_slice %arg11[%add3A_323, %dma_wait3A_327] : memref<10240x128xf32, #tpu.memory_space<vmem_shared>> -> memref<80x128xf32, #tpu.memory_space<vmem_shared>>
    tpu.wait_dma2 semaphore(%arg12 : memref<!tpu.dma_semaphore, #tpu.memory_space<semaphore_mem>>) src(%dma_wait3A_328 : memref<80x128xf32, #tpu.memory_space<vmem_shared>>) dst(%dma_wait3A_326 : memref<80x128xf32, #tpu.memory_space<hbm>>)
    return
  }
}

module attributes {stable_mosaic.version = 14 : i64} {
  func.func @_tc1_body(%arg0: i32, %arg1: memref<2x8x128xf32, #tpu.memory_space<vmem>>, %arg2: memref<1024x128xf32, #tpu.memory_space<vmem>>, %arg3: memref<128x128xf32, #tpu.memory_space<vmem>>, %arg4: memref<1024x128xf32, #tpu.memory_space<vmem>>) attributes {dimension_semantics = [#tpu.dimension_semantics<arbitrary>], iteration_bounds = array<i64: 10>, scalar_prefetch = 0 : i64, scratch_operands = 0 : i64, tpu.core_type = #tpu.core_type<tc>, window_params = [{transform_indices = @transform_0, window_bounds = array<i64: 2, 8, 128>}, {transform_indices = @transform_1, window_bounds = array<i64: 1024, 128>}, {pipeline_mode = #tpu.pipeline_mode<synchronous>, transform_indices = @transform_2, window_bounds = array<i64: 128, 128>}, {transform_indices = @transform_3, window_bounds = array<i64: 1024, 128>}]} {
    %get3A = arith.constant 0 : index
    %get3A_0 = arith.constant 0 : index
    %get3A_1 = arith.constant 0 : index
    %get3A_2 = vector.load %arg1[%get3A, %get3A_0, %get3A_1] : memref<2x8x128xf32, #tpu.memory_space<vmem>>, vector<1x8x128xf32>
    %get3A_3 = vector.shape_cast %get3A_2 : vector<1x8x128xf32> to vector<8x128xf32>
    %get3A_4 = arith.constant 1 : index
    %get3A_5 = arith.constant 0 : index
    %get3A_6 = arith.constant 0 : index
    %get3A_7 = vector.load %arg1[%get3A_4, %get3A_5, %get3A_6] : memref<2x8x128xf32, #tpu.memory_space<vmem>>, vector<1x8x128xf32>
    %get3A_8 = vector.shape_cast %get3A_7 : vector<1x8x128xf32> to vector<8x128xf32>
    %add3A = arith.addf %get3A_3, %get3A_8 : vector<8x128xf32>
    %add3A_9 = arith.constant 1.000000e+00 : f32
    %add3A_10 = vector.broadcast %add3A_9 : f32 to vector<8x128xf32>
    %add3A_11 = arith.addf %add3A, %add3A_10 : vector<8x128xf32>
    %broadcast_in_dim3A = vector.shape_cast %add3A_11 : vector<8x128xf32> to vector<8x1x128xf32>
    %broadcast_in_dim3A_12 = vector.shape_cast %broadcast_in_dim3A : vector<8x1x128xf32> to vector<8x1x128xf32>
    %broadcast_in_dim3A_13 = vector.broadcast %broadcast_in_dim3A_12 : vector<8x1x128xf32> to vector<8x128x128xf32>
    %reshape3A = vector.shape_cast %broadcast_in_dim3A_13 : vector<8x128x128xf32> to vector<1024x128xf32>
    %iota3A = tpu.iota {dimensions = array<i32: 1>} : vector<1024x128xi32>
    %iota3A_14 = tpu.iota {dimensions = array<i32: 0>} : vector<1024x128xi32>
    %jit3A = arith.constant 128 : i32
    %eq3A = arith.constant 0 : i32
    %eq3A_15 = arith.cmpi eq, %jit3A, %eq3A : i32
    %jit3A_16 = arith.constant 1 : i32
    %select_n3A = arith.select %eq3A_15, %jit3A_16, %jit3A : i32
    %rem3A = vector.broadcast %select_n3A : i32 to vector<1024x128xi32>
    %rem3A_17 = arith.remsi %iota3A_14, %rem3A : vector<1024x128xi32>
    %ne3A = arith.constant 0 : i32
    %ne3A_18 = vector.broadcast %ne3A : i32 to vector<1024x128xi32>
    %ne3A_19 = arith.cmpi ne, %rem3A_17, %ne3A_18 : vector<1024x128xi32>
    %lt3A = arith.constant 0 : i32
    %lt3A_20 = vector.broadcast %lt3A : i32 to vector<1024x128xi32>
    %lt3A_21 = arith.cmpi slt, %rem3A_17, %lt3A_20 : vector<1024x128xi32>
    %lt3A_22 = arith.constant 0 : i32
    %lt3A_23 = arith.cmpi slt, %select_n3A, %lt3A_22 : i32
    %ne3A_24 = vector.broadcast %lt3A_23 : i1 to vector<1024x128xi1>
    %ne3A_25 = vector.broadcast %ne3A_24 : vector<1024x128xi1> to vector<1024x128xi1>
    %ne3A_26 = arith.xori %lt3A_21, %ne3A_25 : vector<1024x128xi1>
    %and3A = arith.andi %ne3A_26, %ne3A_19 : vector<1024x128xi1>
    %add3A_27 = vector.broadcast %select_n3A : i32 to vector<1024x128xi32>
    %add3A_28 = arith.addi %rem3A_17, %add3A_27 : vector<1024x128xi32>
    %select_n3A_29 = arith.select %and3A, %add3A_28, %rem3A_17 : vector<1024x128xi1>, vector<1024x128xi32>
    %eq3A_30 = arith.cmpi eq, %iota3A, %select_n3A_29 : vector<1024x128xi32>
    %jit3A_31 = arith.constant 0.000000e+00 : f32
    %broadcast_in_dim3A_32 = vector.broadcast %jit3A_31 : f32 to vector<1024x128xf32>
    %select_n3A_33 = arith.select %eq3A_30, %reshape3A, %broadcast_in_dim3A_32 : vector<1024x128xi1>, vector<1024x128xf32>
    %reduce_sum3A = arith.constant dense<0.000000e+00> : vector<1024xf32>
    %reduce_sum3A_34 = vector.multi_reduction <add>, %select_n3A_33, %reduce_sum3A [1] : vector<1024x128xf32> to vector<1024xf32>
    %broadcast_in_dim3A_35 = vector.shape_cast %reduce_sum3A_34 : vector<1024xf32> to vector<1024x1xf32>
    %rsqrt3A = math.rsqrt %broadcast_in_dim3A_35 : vector<1024x1xf32>
    %get3A_36 = arith.constant 0 : index
    %get3A_37 = arith.constant 0 : index
    %get3A_38 = vector.load %arg2[%get3A_36, %get3A_37] : memref<1024x128xf32, #tpu.memory_space<vmem>>, vector<1024x128xf32>
    %get3A_39 = arith.constant 0 : index
    %get3A_40 = arith.constant 0 : index
    %get3A_41 = vector.load %arg3[%get3A_39, %get3A_40] : memref<128x128xf32, #tpu.memory_space<vmem>>, vector<128x128xf32>
    %dot_general3A = arith.constant dense<0.000000e+00> : vector<1024x128xf32>
    %dot_general3A_42 = tpu.matmul %get3A_38, %get3A_41, %dot_general3A {dimension_numbers = #tpu.dot_dimension_numbers<[1], [0], [0], [1], [0, 0, 1, 1], [], []>, transpose_lhs_hint = false} : vector<1024x128xf32>, vector<128x128xf32>, vector<1024x128xf32> -> vector<1024x128xf32>
    %mul3A = vector.broadcast %rsqrt3A : vector<1024x1xf32> to vector<1024x128xf32>
    %mul3A_43 = arith.mulf %dot_general3A_42, %mul3A : vector<1024x128xf32>
    %swap3A = arith.constant 0 : index
    %swap3A_44 = arith.constant 0 : index
    %swap3A_45 = vector.load %arg4[%swap3A, %swap3A_44] : memref<1024x128xf32, #tpu.memory_space<vmem>>, vector<1024x128xf32>
    tpu.vector_store %arg4[%swap3A, %swap3A_44], %mul3A_43 {strides = array<i32>} : memref<1024x128xf32, #tpu.memory_space<vmem>>, vector<1024x128xf32>,
    return
  }
  func.func @transform_0(%arg0: i32) -> (i32, i32, i32) {
    %c0_i32 = arith.constant 0 : i32
    %c0_i32_0 = arith.constant 0 : i32
    %c0_i32_1 = arith.constant 0 : i32
    return %c0_i32, %arg0, %c0_i32_0 : i32, i32, i32
  }
  func.func @transform_1(%arg0: i32) -> (i32, i32) {
    %c0_i32 = arith.constant 0 : i32
    %c0_i32_0 = arith.constant 0 : i32
    return %arg0, %c0_i32 : i32, i32
  }
  func.func @transform_2(%arg0: i32) -> (i32, i32) {
    %c0_i32 = arith.constant 0 : i32
    %c0_i32_0 = arith.constant 0 : i32
    %c0_i32_1 = arith.constant 0 : i32
    return %c0_i32, %c0_i32_0 : i32, i32
  }
  func.func @transform_3(%arg0: i32) -> (i32, i32) {
    %c0_i32 = arith.constant 0 : i32
    %c0_i32_0 = arith.constant 0 : i32
    return %arg0, %c0_i32 : i32, i32
  }
}

module attributes {stable_mosaic.version = 14 : i64} {
  func.func @_tc2_body(%arg0: i32, %arg1: memref<2x8x128xf32, #tpu.memory_space<vmem>>, %arg2: memref<2x1024x128xf32, #tpu.memory_space<vmem>>, %arg3: memref<1024x128xf32, #tpu.memory_space<vmem>>, %arg4: memref<1x128xf32, #tpu.memory_space<vmem>>, %arg5: memref<128x128xf32, #tpu.memory_space<vmem>>, %arg6: memref<1024x128xf32, #tpu.memory_space<vmem>>) attributes {dimension_semantics = [#tpu.dimension_semantics<arbitrary>], iteration_bounds = array<i64: 10>, scalar_prefetch = 0 : i64, scratch_operands = 0 : i64, tpu.core_type = #tpu.core_type<tc>, window_params = [{transform_indices = @transform_0, window_bounds = array<i64: 2, 8, 128>}, {transform_indices = @transform_1, window_bounds = array<i64: 2, 1024, 128>}, {transform_indices = @transform_2, window_bounds = array<i64: 1024, 128>}, {pipeline_mode = #tpu.pipeline_mode<synchronous>, transform_indices = @transform_3, window_bounds = array<i64: 1, 128>}, {pipeline_mode = #tpu.pipeline_mode<synchronous>, transform_indices = @transform_4, window_bounds = array<i64: 128, 128>}, {transform_indices = @transform_5, window_bounds = array<i64: 1024, 128>}]} {
    %get3A = arith.constant 0 : index
    %get3A_0 = arith.constant 0 : index
    %get3A_1 = arith.constant 0 : index
    %get3A_2 = vector.load %arg1[%get3A, %get3A_0, %get3A_1] : memref<2x8x128xf32, #tpu.memory_space<vmem>>, vector<1x8x128xf32>
    %get3A_3 = vector.shape_cast %get3A_2 : vector<1x8x128xf32> to vector<8x128xf32>
    %get3A_4 = arith.constant 1 : index
    %get3A_5 = arith.constant 0 : index
    %get3A_6 = arith.constant 0 : index
    %get3A_7 = vector.load %arg1[%get3A_4, %get3A_5, %get3A_6] : memref<2x8x128xf32, #tpu.memory_space<vmem>>, vector<1x8x128xf32>
    %get3A_8 = vector.shape_cast %get3A_7 : vector<1x8x128xf32> to vector<8x128xf32>
    %add3A = arith.addf %get3A_3, %get3A_8 : vector<8x128xf32>
    %add3A_9 = arith.constant 1.000000e+00 : f32
    %add3A_10 = vector.broadcast %add3A_9 : f32 to vector<8x128xf32>
    %add3A_11 = arith.addf %add3A, %add3A_10 : vector<8x128xf32>
    %broadcast_in_dim3A = vector.shape_cast %add3A_11 : vector<8x128xf32> to vector<8x1x128xf32>
    %broadcast_in_dim3A_12 = vector.shape_cast %broadcast_in_dim3A : vector<8x1x128xf32> to vector<8x1x128xf32>
    %broadcast_in_dim3A_13 = vector.broadcast %broadcast_in_dim3A_12 : vector<8x1x128xf32> to vector<8x128x128xf32>
    %reshape3A = vector.shape_cast %broadcast_in_dim3A_13 : vector<8x128x128xf32> to vector<1024x128xf32>
    %iota3A = tpu.iota {dimensions = array<i32: 1>} : vector<1024x128xi32>
    %iota3A_14 = tpu.iota {dimensions = array<i32: 0>} : vector<1024x128xi32>
    %jit3A = arith.constant 128 : i32
    %eq3A = arith.constant 0 : i32
    %eq3A_15 = arith.cmpi eq, %jit3A, %eq3A : i32
    %jit3A_16 = arith.constant 1 : i32
    %select_n3A = arith.select %eq3A_15, %jit3A_16, %jit3A : i32
    %rem3A = vector.broadcast %select_n3A : i32 to vector<1024x128xi32>
    %rem3A_17 = arith.remsi %iota3A_14, %rem3A : vector<1024x128xi32>
    %ne3A = arith.constant 0 : i32
    %ne3A_18 = vector.broadcast %ne3A : i32 to vector<1024x128xi32>
    %ne3A_19 = arith.cmpi ne, %rem3A_17, %ne3A_18 : vector<1024x128xi32>
    %lt3A = arith.constant 0 : i32
    %lt3A_20 = vector.broadcast %lt3A : i32 to vector<1024x128xi32>
    %lt3A_21 = arith.cmpi slt, %rem3A_17, %lt3A_20 : vector<1024x128xi32>
    %lt3A_22 = arith.constant 0 : i32
    %lt3A_23 = arith.cmpi slt, %select_n3A, %lt3A_22 : i32
    %ne3A_24 = vector.broadcast %lt3A_23 : i1 to vector<1024x128xi1>
    %ne3A_25 = vector.broadcast %ne3A_24 : vector<1024x128xi1> to vector<1024x128xi1>
    %ne3A_26 = arith.xori %lt3A_21, %ne3A_25 : vector<1024x128xi1>
    %and3A = arith.andi %ne3A_26, %ne3A_19 : vector<1024x128xi1>
    %add3A_27 = vector.broadcast %select_n3A : i32 to vector<1024x128xi32>
    %add3A_28 = arith.addi %rem3A_17, %add3A_27 : vector<1024x128xi32>
    %select_n3A_29 = arith.select %and3A, %add3A_28, %rem3A_17 : vector<1024x128xi1>, vector<1024x128xi32>
    %eq3A_30 = arith.cmpi eq, %iota3A, %select_n3A_29 : vector<1024x128xi32>
    %jit3A_31 = arith.constant 0.000000e+00 : f32
    %broadcast_in_dim3A_32 = vector.broadcast %jit3A_31 : f32 to vector<1024x128xf32>
    %select_n3A_33 = arith.select %eq3A_30, %reshape3A, %broadcast_in_dim3A_32 : vector<1024x128xi1>, vector<1024x128xf32>
    %reduce_sum3A = arith.constant dense<0.000000e+00> : vector<1024xf32>
    %reduce_sum3A_34 = vector.multi_reduction <add>, %select_n3A_33, %reduce_sum3A [1] : vector<1024x128xf32> to vector<1024xf32>
    %broadcast_in_dim3A_35 = vector.shape_cast %reduce_sum3A_34 : vector<1024xf32> to vector<1024x1xf32>
    %rsqrt3A = math.rsqrt %broadcast_in_dim3A_35 : vector<1024x1xf32>
    %get3A_36 = arith.constant 0 : index
    %get3A_37 = arith.constant 0 : index
    %get3A_38 = arith.constant 0 : index
    %get3A_39 = vector.load %arg2[%get3A_36, %get3A_37, %get3A_38] : memref<2x1024x128xf32, #tpu.memory_space<vmem>>, vector<1x1024x128xf32>
    %get3A_40 = vector.shape_cast %get3A_39 : vector<1x1024x128xf32> to vector<1024x128xf32>
    %get3A_41 = arith.constant 1 : index
    %get3A_42 = arith.constant 0 : index
    %get3A_43 = arith.constant 0 : index
    %get3A_44 = vector.load %arg2[%get3A_41, %get3A_42, %get3A_43] : memref<2x1024x128xf32, #tpu.memory_space<vmem>>, vector<1x1024x128xf32>
    %get3A_45 = vector.shape_cast %get3A_44 : vector<1x1024x128xf32> to vector<1024x128xf32>
    %add3A_46 = arith.addf %get3A_40, %get3A_45 : vector<1024x128xf32>
    %get3A_47 = arith.constant 0 : index
    %get3A_48 = arith.constant 0 : index
    %get3A_49 = vector.load %arg3[%get3A_47, %get3A_48] : memref<1024x128xf32, #tpu.memory_space<vmem>>, vector<1024x128xf32>
    %add3A_50 = arith.addf %add3A_46, %get3A_49 : vector<1024x128xf32>
    %mul3A = vector.broadcast %rsqrt3A : vector<1024x1xf32> to vector<1024x128xf32>
    %mul3A_51 = arith.mulf %mul3A, %add3A_50 : vector<1024x128xf32>
    %get3A_52 = arith.constant 0 : index
    %get3A_53 = arith.constant 0 : index
    %get3A_54 = vector.load %arg4[%get3A_52, %get3A_53] : memref<1x128xf32, #tpu.memory_space<vmem>>, vector<1x128xf32>
    %add3A_55 = vector.broadcast %get3A_54 : vector<1x128xf32> to vector<1024x128xf32>
    %add3A_56 = arith.addf %mul3A_51, %add3A_55 : vector<1024x128xf32>
    %max3A = arith.constant 0.000000e+00 : f32
    %max3A_57 = vector.broadcast %max3A : f32 to vector<1024x128xf32>
    %max3A_58 = arith.maximumf %add3A_56, %max3A_57 : vector<1024x128xf32>
    %get3A_59 = arith.constant 0 : index
    %get3A_60 = arith.constant 0 : index
    %get3A_61 = vector.load %arg5[%get3A_59, %get3A_60] : memref<128x128xf32, #tpu.memory_space<vmem>>, vector<128x128xf32>
    %dot_general3A = arith.constant dense<0.000000e+00> : vector<1024x128xf32>
    %dot_general3A_62 = tpu.matmul %max3A_58, %get3A_61, %dot_general3A {dimension_numbers = #tpu.dot_dimension_numbers<[1], [0], [0], [1], [0, 0, 1, 1], [], []>, transpose_lhs_hint = false} : vector<1024x128xf32>, vector<128x128xf32>, vector<1024x128xf32> -> vector<1024x128xf32>
    %mul3A_63 = vector.broadcast %rsqrt3A : vector<1024x1xf32> to vector<1024x128xf32>
    %mul3A_64 = arith.mulf %mul3A_63, %dot_general3A_62 : vector<1024x128xf32>
    %swap3A = arith.constant 0 : index
    %swap3A_65 = arith.constant 0 : index
    %swap3A_66 = vector.load %arg6[%swap3A, %swap3A_65] : memref<1024x128xf32, #tpu.memory_space<vmem>>, vector<1024x128xf32>
    tpu.vector_store %arg6[%swap3A, %swap3A_65], %mul3A_64 {strides = array<i32>} : memref<1024x128xf32, #tpu.memory_space<vmem>>, vector<1024x128xf32>,
    return
  }
  func.func @transform_0(%arg0: i32) -> (i32, i32, i32) {
    %c0_i32 = arith.constant 0 : i32
    %c0_i32_0 = arith.constant 0 : i32
    %c0_i32_1 = arith.constant 0 : i32
    return %c0_i32, %arg0, %c0_i32_0 : i32, i32, i32
  }
  func.func @transform_1(%arg0: i32) -> (i32, i32, i32) {
    %c0_i32 = arith.constant 0 : i32
    %c0_i32_0 = arith.constant 0 : i32
    %c0_i32_1 = arith.constant 0 : i32
    return %c0_i32, %arg0, %c0_i32_0 : i32, i32, i32
  }
  func.func @transform_2(%arg0: i32) -> (i32, i32) {
    %c0_i32 = arith.constant 0 : i32
    %c0_i32_0 = arith.constant 0 : i32
    return %arg0, %c0_i32 : i32, i32
  }
  func.func @transform_3(%arg0: i32) -> (i32, i32) {
    %c0_i32 = arith.constant 0 : i32
    %c0_i32_0 = arith.constant 0 : i32
    %c0_i32_1 = arith.constant 0 : i32
    return %c0_i32, %c0_i32_0 : i32, i32
  }
  func.func @transform_4(%arg0: i32) -> (i32, i32) {
    %c0_i32 = arith.constant 0 : i32
    %c0_i32_0 = arith.constant 0 : i32
    %c0_i32_1 = arith.constant 0 : i32
    return %c0_i32, %c0_i32_0 : i32, i32
  }
  func.func @transform_5(%arg0: i32) -> (i32, i32) {
    %c0_i32 = arith.constant 0 : i32
    %c0_i32_0 = arith.constant 0 : i32
    return %arg0, %c0_i32 : i32, i32
  }
}

module attributes {stable_mosaic.version = 14 : i64} {
  func.func @_tc3_body(%arg0: i32, %arg1: memref<2x8x128xf32, #tpu.memory_space<vmem>>, %arg2: memref<2x1024x128xf32, #tpu.memory_space<vmem>>, %arg3: memref<1024x128xf32, #tpu.memory_space<vmem>>, %arg4: memref<1x128xf32, #tpu.memory_space<vmem>>, %arg5: memref<128x64xf32, #tpu.memory_space<vmem>>, %arg6: memref<1xf32, #tpu.memory_space<smem>>, %arg7: memref<1024x64xf32, #tpu.memory_space<vmem>>, %arg8: memref<1024x64xf32, #tpu.memory_space<vmem>>) attributes {dimension_semantics = [#tpu.dimension_semantics<arbitrary>], iteration_bounds = array<i64: 10>, scalar_prefetch = 0 : i64, scratch_operands = 0 : i64, tpu.core_type = #tpu.core_type<tc>, window_params = [{transform_indices = @transform_0, window_bounds = array<i64: 2, 8, 128>}, {transform_indices = @transform_1, window_bounds = array<i64: 2, 1024, 128>}, {transform_indices = @transform_2, window_bounds = array<i64: 1024, 128>}, {pipeline_mode = #tpu.pipeline_mode<synchronous>, transform_indices = @transform_3, window_bounds = array<i64: 1, 128>}, {pipeline_mode = #tpu.pipeline_mode<synchronous>, transform_indices = @transform_4, window_bounds = array<i64: 128, 64>}, {transform_indices = @transform_5, window_bounds = array<i64: 1>}, {transform_indices = @transform_6, window_bounds = array<i64: 1024, 64>}, {transform_indices = @transform_7, window_bounds = array<i64: 1024, 64>}]} {
    %get3A = arith.constant 0 : index
    %get3A_0 = arith.constant 0 : index
    %get3A_1 = arith.constant 0 : index
    %get3A_2 = vector.load %arg1[%get3A, %get3A_0, %get3A_1] : memref<2x8x128xf32, #tpu.memory_space<vmem>>, vector<1x8x128xf32>
    %get3A_3 = vector.shape_cast %get3A_2 : vector<1x8x128xf32> to vector<8x128xf32>
    %get3A_4 = arith.constant 1 : index
    %get3A_5 = arith.constant 0 : index
    %get3A_6 = arith.constant 0 : index
    %get3A_7 = vector.load %arg1[%get3A_4, %get3A_5, %get3A_6] : memref<2x8x128xf32, #tpu.memory_space<vmem>>, vector<1x8x128xf32>
    %get3A_8 = vector.shape_cast %get3A_7 : vector<1x8x128xf32> to vector<8x128xf32>
    %add3A = arith.addf %get3A_3, %get3A_8 : vector<8x128xf32>
    %add3A_9 = arith.constant 1.000000e+00 : f32
    %add3A_10 = vector.broadcast %add3A_9 : f32 to vector<8x128xf32>
    %add3A_11 = arith.addf %add3A, %add3A_10 : vector<8x128xf32>
    %broadcast_in_dim3A = vector.shape_cast %add3A_11 : vector<8x128xf32> to vector<8x1x128xf32>
    %broadcast_in_dim3A_12 = vector.shape_cast %broadcast_in_dim3A : vector<8x1x128xf32> to vector<8x1x128xf32>
    %broadcast_in_dim3A_13 = vector.broadcast %broadcast_in_dim3A_12 : vector<8x1x128xf32> to vector<8x128x128xf32>
    %reshape3A = vector.shape_cast %broadcast_in_dim3A_13 : vector<8x128x128xf32> to vector<1024x128xf32>
    %iota3A = tpu.iota {dimensions = array<i32: 1>} : vector<1024x128xi32>
    %iota3A_14 = tpu.iota {dimensions = array<i32: 0>} : vector<1024x128xi32>
    %jit3A = arith.constant 128 : i32
    %eq3A = arith.constant 0 : i32
    %eq3A_15 = arith.cmpi eq, %jit3A, %eq3A : i32
    %jit3A_16 = arith.constant 1 : i32
    %select_n3A = arith.select %eq3A_15, %jit3A_16, %jit3A : i32
    %rem3A = vector.broadcast %select_n3A : i32 to vector<1024x128xi32>
    %rem3A_17 = arith.remsi %iota3A_14, %rem3A : vector<1024x128xi32>
    %ne3A = arith.constant 0 : i32
    %ne3A_18 = vector.broadcast %ne3A : i32 to vector<1024x128xi32>
    %ne3A_19 = arith.cmpi ne, %rem3A_17, %ne3A_18 : vector<1024x128xi32>
    %lt3A = arith.constant 0 : i32
    %lt3A_20 = vector.broadcast %lt3A : i32 to vector<1024x128xi32>
    %lt3A_21 = arith.cmpi slt, %rem3A_17, %lt3A_20 : vector<1024x128xi32>
    %lt3A_22 = arith.constant 0 : i32
    %lt3A_23 = arith.cmpi slt, %select_n3A, %lt3A_22 : i32
    %ne3A_24 = vector.broadcast %lt3A_23 : i1 to vector<1024x128xi1>
    %ne3A_25 = vector.broadcast %ne3A_24 : vector<1024x128xi1> to vector<1024x128xi1>
    %ne3A_26 = arith.xori %lt3A_21, %ne3A_25 : vector<1024x128xi1>
    %and3A = arith.andi %ne3A_26, %ne3A_19 : vector<1024x128xi1>
    %add3A_27 = vector.broadcast %select_n3A : i32 to vector<1024x128xi32>
    %add3A_28 = arith.addi %rem3A_17, %add3A_27 : vector<1024x128xi32>
    %select_n3A_29 = arith.select %and3A, %add3A_28, %rem3A_17 : vector<1024x128xi1>, vector<1024x128xi32>
    %eq3A_30 = arith.cmpi eq, %iota3A, %select_n3A_29 : vector<1024x128xi32>
    %jit3A_31 = arith.constant 0.000000e+00 : f32
    %broadcast_in_dim3A_32 = vector.broadcast %jit3A_31 : f32 to vector<1024x128xf32>
    %select_n3A_33 = arith.select %eq3A_30, %reshape3A, %broadcast_in_dim3A_32 : vector<1024x128xi1>, vector<1024x128xf32>
    %reduce_sum3A = arith.constant dense<0.000000e+00> : vector<1024xf32>
    %reduce_sum3A_34 = vector.multi_reduction <add>, %select_n3A_33, %reduce_sum3A [1] : vector<1024x128xf32> to vector<1024xf32>
    %broadcast_in_dim3A_35 = vector.shape_cast %reduce_sum3A_34 : vector<1024xf32> to vector<1024x1xf32>
    %rsqrt3A = math.rsqrt %broadcast_in_dim3A_35 : vector<1024x1xf32>
    %get3A_36 = arith.constant 0 : index
    %get3A_37 = arith.constant 0 : index
    %get3A_38 = arith.constant 0 : index
    %get3A_39 = vector.load %arg2[%get3A_36, %get3A_37, %get3A_38] : memref<2x1024x128xf32, #tpu.memory_space<vmem>>, vector<1x1024x128xf32>
    %get3A_40 = vector.shape_cast %get3A_39 : vector<1x1024x128xf32> to vector<1024x128xf32>
    %get3A_41 = arith.constant 1 : index
    %get3A_42 = arith.constant 0 : index
    %get3A_43 = arith.constant 0 : index
    %get3A_44 = vector.load %arg2[%get3A_41, %get3A_42, %get3A_43] : memref<2x1024x128xf32, #tpu.memory_space<vmem>>, vector<1x1024x128xf32>
    %get3A_45 = vector.shape_cast %get3A_44 : vector<1x1024x128xf32> to vector<1024x128xf32>
    %add3A_46 = arith.addf %get3A_40, %get3A_45 : vector<1024x128xf32>
    %get3A_47 = arith.constant 0 : index
    %get3A_48 = arith.constant 0 : index
    %get3A_49 = vector.load %arg3[%get3A_47, %get3A_48] : memref<1024x128xf32, #tpu.memory_space<vmem>>, vector<1024x128xf32>
    %add3A_50 = arith.addf %add3A_46, %get3A_49 : vector<1024x128xf32>
    %mul3A = vector.broadcast %rsqrt3A : vector<1024x1xf32> to vector<1024x128xf32>
    %mul3A_51 = arith.mulf %mul3A, %add3A_50 : vector<1024x128xf32>
    %get3A_52 = arith.constant 0 : index
    %get3A_53 = arith.constant 0 : index
    %get3A_54 = vector.load %arg4[%get3A_52, %get3A_53] : memref<1x128xf32, #tpu.memory_space<vmem>>, vector<1x128xf32>
    %add3A_55 = vector.broadcast %get3A_54 : vector<1x128xf32> to vector<1024x128xf32>
    %add3A_56 = arith.addf %mul3A_51, %add3A_55 : vector<1024x128xf32>
    %get3A_57 = arith.constant 0 : index
    %get3A_58 = arith.constant 0 : index
    %get3A_59 = vector.load %arg5[%get3A_57, %get3A_58] : memref<128x64xf32, #tpu.memory_space<vmem>>, vector<128x64xf32>
    %dot_general3A = arith.constant dense<0.000000e+00> : vector<1024x64xf32>
    %dot_general3A_60 = tpu.matmul %add3A_56, %get3A_59, %dot_general3A {dimension_numbers = #tpu.dot_dimension_numbers<[1], [0], [0], [1], [0, 0, 1, 1], [], []>, transpose_lhs_hint = false} : vector<1024x128xf32>, vector<128x64xf32>, vector<1024x64xf32> -> vector<1024x64xf32>
    %swap3A = arith.constant 0 : index
    %swap3A_61 = arith.constant 0 : index
    %swap3A_62 = vector.load %arg8[%swap3A, %swap3A_61] : memref<1024x64xf32, #tpu.memory_space<vmem>>, vector<1024x64xf32>
    tpu.vector_store %arg8[%swap3A, %swap3A_61], %dot_general3A_60 {strides = array<i32>} : memref<1024x64xf32, #tpu.memory_space<vmem>>, vector<1024x64xf32>,
    %get3A_63 = arith.constant 0 : index
    %get3A_64 = memref.load %arg6[%get3A_63] : memref<1xf32, #tpu.memory_space<smem>>
    %exp3A = math.exp %get3A_64 : f32
    %div3A = vector.broadcast %exp3A : f32 to vector<1024x64xf32>
    %div3A_65 = arith.divf %dot_general3A_60, %div3A : vector<1024x64xf32>
    %reduce_max3A = arith.constant dense<0xFF800000> : vector<1024xf32>
    %reduce_max3A_66 = vector.multi_reduction <maximumf>, %div3A_65, %reduce_max3A [1] : vector<1024x64xf32> to vector<1024xf32>
    %broadcast_in_dim3A_67 = vector.shape_cast %reduce_max3A_66 : vector<1024xf32> to vector<1024x1xf32>
    %sub3A = vector.broadcast %broadcast_in_dim3A_67 : vector<1024x1xf32> to vector<1024x64xf32>
    %sub3A_68 = arith.subf %div3A_65, %sub3A : vector<1024x64xf32>
    %exp3A_69 = math.exp %sub3A_68 : vector<1024x64xf32>
    %reduce_sum3A_70 = arith.constant dense<0.000000e+00> : vector<1024xf32>
    %reduce_sum3A_71 = vector.multi_reduction <add>, %exp3A_69, %reduce_sum3A_70 [1] : vector<1024x64xf32> to vector<1024xf32>
    %broadcast_in_dim3A_72 = vector.shape_cast %reduce_sum3A_71 : vector<1024xf32> to vector<1024x1xf32>
    %div3A_73 = vector.broadcast %broadcast_in_dim3A_72 : vector<1024x1xf32> to vector<1024x64xf32>
    %div3A_74 = arith.divf %exp3A_69, %div3A_73 : vector<1024x64xf32>
    %swap3A_75 = arith.constant 0 : index
    %swap3A_76 = arith.constant 0 : index
    %swap3A_77 = vector.load %arg7[%swap3A_75, %swap3A_76] : memref<1024x64xf32, #tpu.memory_space<vmem>>, vector<1024x64xf32>
    tpu.vector_store %arg7[%swap3A_75, %swap3A_76], %div3A_74 {strides = array<i32>} : memref<1024x64xf32, #tpu.memory_space<vmem>>, vector<1024x64xf32>,
    return
  }
  func.func @transform_0(%arg0: i32) -> (i32, i32, i32) {
    %c0_i32 = arith.constant 0 : i32
    %c0_i32_0 = arith.constant 0 : i32
    %c0_i32_1 = arith.constant 0 : i32
    return %c0_i32, %arg0, %c0_i32_0 : i32, i32, i32
  }
  func.func @transform_1(%arg0: i32) -> (i32, i32, i32) {
    %c0_i32 = arith.constant 0 : i32
    %c0_i32_0 = arith.constant 0 : i32
    %c0_i32_1 = arith.constant 0 : i32
    return %c0_i32, %arg0, %c0_i32_0 : i32, i32, i32
  }
  func.func @transform_2(%arg0: i32) -> (i32, i32) {
    %c0_i32 = arith.constant 0 : i32
    %c0_i32_0 = arith.constant 0 : i32
    return %arg0, %c0_i32 : i32, i32
  }
  func.func @transform_3(%arg0: i32) -> (i32, i32) {
    %c0_i32 = arith.constant 0 : i32
    %c0_i32_0 = arith.constant 0 : i32
    %c0_i32_1 = arith.constant 0 : i32
    return %c0_i32, %c0_i32_0 : i32, i32
  }
  func.func @transform_4(%arg0: i32) -> (i32, i32) {
    %c0_i32 = arith.constant 0 : i32
    %c0_i32_0 = arith.constant 0 : i32
    %c0_i32_1 = arith.constant 0 : i32
    return %c0_i32, %c0_i32_0 : i32, i32
  }
  func.func @transform_5(%arg0: i32) -> i32 {
    %c0_i32 = arith.constant 0 : i32
    %c0_i32_0 = arith.constant 0 : i32
    return %c0_i32 : i32
  }
  func.func @transform_6(%arg0: i32) -> (i32, i32) {
    %c0_i32 = arith.constant 0 : i32
    %c0_i32_0 = arith.constant 0 : i32
    return %arg0, %c0_i32 : i32, i32
  }
  func.func @transform_7(%arg0: i32) -> (i32, i32) {
    %c0_i32 = arith.constant 0 : i32
    %c0_i32_0 = arith.constant 0 : i32
    return %arg0, %c0_i32 : i32, i32
  }
}

</mosaic_0001>

<sc_bundles>
// kernel: kernel.11.cloned.1.call-start
scs
__scs_entry_jumppad:
0x0: {  	(pc) =	sbr.rel $0x88, $3  }
0x1: {  	(tag) =	ssettag $0x0;
	lr =	simm.s32 $0x1  }
0x2: {  	[smem:$0x3F99] =	sst lr;
	_ =	strace $0xD0000000  }
0x3: {  	_ = 	snop  }
0x4: {  	_ = 	snop  }
0x5: {  	_ = 	snop  }
0x6: {  	_ = 	snop  }
0x7: {  	_ = 	snop  }
__scs_overlays_trampoline_lowered:
0x8: {  	[smem:$0x3FA8] =	sst s0  }
0x9: {  	[smem:$0x3FA9] =	sst s1  }
0xa: {  	[smem:$0x3FAA] =	sst s2  }
0xb: {  	[smem:$0x3FAB] =	sst s3  }
0xc: {  	[smem:$0x3FAC] =	sst s4  }
0xd: {  	[smem:$0x3FAD] =	sst s5  }
0xe: {  	[smem:$0x3FAE] =	sst s6  }
0xf: {  	[smem:$0x3FAF] =	sst s7  }
0x10: {  	[smem:$0x3FB0] =	sst s8  }
0x11: {  	[smem:$0x3FB1] =	sst s9;
	s0 =	simm.s32 @!p0 $0x0  }
0x12: {  	s1 =	sld [smem:$0x3F97];
	s0 =	simm.s32 @p0 $0x1  }
0x13: {  	[smem:$0x3FB2] =	sst s0;
	s0 =	simm.s32 @!p1 $0x0  }
0x14: {  	s2 =	sld [smem:$0x3F96];
	s0 =	simm.s32 @p1 $0x1  }
0x15: {  	[smem:$0x3FB3] =	sst s0;
	s0 =	simm.s32 @!p2 $0x0  }
0x16: {  	s3 =	sld [smem:$0x3FDB];
	s0 =	simm.s32 @p2 $0x1  }
0x17: {  	s4 =	simm.s32 $0x1BF5;
	[smem:$0x3FB5] =	sst s0  }
0x18: {  	s0 =	sld [smem:$0x3F98];
	_ =	swait.ge [sflag:s4], $0x0  }
0x19: {  	s7 =	sld [smem:$0x3F99]  }
0x1a: {  	s8 =	sadd.s32 $0xFFFFE003, lr  }
0x1b: {  	s9 =	sadd.s32 $0xFFFFFEF7, lr;
	s5 =	simm.s32 $0xFFFFFFFF;
	p2 =	slt.u32 s8, $0xFFFFF086  }
0x1c: {  	p1 =	slt.u32 s9, $0xF7A;
	s5 =	simm.s32 @!p2 $0x0  }
0x1d: {  	s5 =	simm.s32 @p1 $0x1;
	p0 =	seq.s32 s7, s2  }
0x1e: {  	s7 =	smul.u32 @!p0 $0xF7A, s2;
	p2 =	seq.s32 @!p0 s5, $0x0  }
0x1f: {  	s9 =	smul.u32 $0xF7A, s1;
	s8 =	simm.s32 @!p0 $0x1BF5;
	p2 =	por !p2, p0  }
0x20: {  	[sflag:s8] =	ssyncset.s32 @!p0 $0xFFFFF086;
	s6 =	sadd.s32 @!p0 s3, s7;
	s7 =	simm.s32 @!p0 $0x108  }
0x21: {  	s3 =	sadd.s32 s3, s9;
	s6 =	sadd.s32 @!p0 $0x88, s6;
	s7 =	simm.s32 @p2 $0x1082  }
0x22: {  	[simem:s7], [sflag:s8] =	dma.local @!p0 [hbm:s6], $0xF7A  }
0x23: {  	s9 =	sor.u32 $0xD0000000, s2;
	s6 =	simm.s32 $0x108;
	_ =	swait.ge @!p0 [sflag:s8], $0x0  }
0x24: {  	s3 =	sadd.s32 $0x88, s3;
	s6 =	simm.s32 @!p1 $0x1082;
	[sflag:s4] =	ssyncset.s32 $0xFFFFF086  }
0x25: {  	[simem:s6], [sflag:s4] =	dma.local [hbm:s3], $0xF7A  }
0x26: {  	[smem:$0x3F99] =	sst s1;
	(tag) =	ssettag s2;
	_ =	strace s9  }
0x27: {  	s1 =	sld [smem:$0x3FA9]  }
0x28: {  	s2 =	sld [smem:$0x3FAA]  }
0x29: {  	s4 =	sld [smem:$0x3FAC]  }
0x2a: {  	p0 =	seq.s32 s5, $0x0;
	s5 =	sld [smem:$0x3FAD]  }
0x2b: {  	s6 =	sld [smem:$0x3FAE]  }
0x2c: {  	s7 =	sld [smem:$0x3FAF]  }
0x2d: {  	s3 =	simm.s32 $0x108;
	s8 =	sld [smem:$0x3FB0]  }
0x2e: {  	s3 =	simm.s32 @!p0 $0x1082;
	s9 =	sld [smem:$0x3FB1]  }
0x2f: {  	lr =	sadd.s32 s0, s3;
	s0 =	sld [smem:$0x3FA8]  }
0x30: {  	s3 =	sld [smem:$0x3FAB]  }
0x31: {  	[smem:$0x3FB4] =	sst s10  }
0x32: {  	s10 =	sld [smem:$0x3FB2];
	_ =	sdelay $0x3  }
0x33: {  	p0 =	seq.s32 s10, $0x1;
	s10 =	sld [smem:$0x3FB4];
	_ =	sdelay $0x3  }
0x34: {  	[smem:$0x3FB4] =	sst s10  }
0x35: {  	s10 =	sld [smem:$0x3FB3];
	_ =	sdelay $0x3  }
0x36: {  	p1 =	seq.s32 s10, $0x1;
	s10 =	sld [smem:$0x3FB4];
	_ =	sdelay $0x3  }
0x37: {  	[smem:$0x3FB4] =	sst s10  }
0x38: {  	s10 =	sld [smem:$0x3FB5]  }
0x39: {  	_ = 	snop;
	(pc) =	sbr.ind lr, $3  }
0x3a: {  	_ = 	snop  }
0x3b: {  	_ = 	snop  }
0x3c: {  	p2 =	seq.s32 s10, $0x1;
	s10 =	sld [smem:$0x3FB4]  }
0x3d: {  	_ =	shalt  }
0x3e: {  	_ =	shalt  }
0x3f: {  	_ =	shalt  }
0x40: {  	_ =	shalt  }
0x41: {  	_ =	shalt  }
0x42: {  	_ =	shalt  }
0x43: {  	_ =	shalt  }
0x44: {  	_ =	shalt  }
0x45: {  	_ =	shalt  }
0x46: {  	_ =	shalt  }
0x47: {  	_ =	shalt  }
0x48: {  	_ =	shalt  }
0x49: {  	_ =	shalt  }
0x4a: {  	_ =	shalt  }
0x4b: {  	_ =	shalt  }
0x4c: {  	_ =	shalt  }
0x4d: {  	_ =	shalt  }
0x4e: {  	_ =	shalt  }
0x4f: {  	_ =	shalt  }
0x50: {  	_ =	shalt  }
0x51: {  	_ =	shalt  }
0x52: {  	_ =	shalt  }
0x53: {  	_ =	shalt  }
0x54: {  	_ =	shalt  }
0x55: {  	_ =	shalt  }
0x56: {  	_ =	shalt  }
0x57: {  	_ =	shalt  }
0x58: {  	_ =	shalt  }
0x59: {  	_ =	shalt  }
0x5a: {  	_ =	shalt  }
0x5b: {  	_ =	shalt  }
0x5c: {  	_ =	shalt  }
0x5d: {  	_ =	shalt  }
0x5e: {  	_ =	shalt  }
0x5f: {  	_ =	shalt  }
0x60: {  	_ =	shalt  }
0x61: {  	_ =	shalt  }
0x62: {  	_ =	shalt  }
0x63: {  	_ =	shalt  }
0x64: {  	_ =	shalt  }
0x65: {  	_ =	shalt  }
0x66: {  	_ =	shalt  }
0x67: {  	_ =	shalt  }
0x68: {  	_ =	shalt  }
0x69: {  	_ =	shalt  }
0x6a: {  	_ =	shalt  }
0x6b: {  	_ =	shalt  }
0x6c: {  	_ =	shalt  }
0x6d: {  	_ =	shalt  }
0x6e: {  	_ =	shalt  }
0x6f: {  	_ =	shalt  }
0x70: {  	_ =	shalt  }
0x71: {  	_ =	shalt  }
0x72: {  	_ =	shalt  }
0x73: {  	_ =	shalt  }
0x74: {  	_ =	shalt  }
0x75: {  	_ =	shalt  }
0x76: {  	_ =	shalt  }
0x77: {  	_ =	shalt  }
0x78: {  	_ =	shalt  }
0x79: {  	_ =	shalt  }
0x7a: {  	_ =	shalt  }
0x7b: {  	_ =	shalt  }
0x7c: {  	_ =	shalt  }
0x7d: {  	_ =	shalt  }
0x7e: {  	_ =	shalt  }
0x7f: {  	_ =	shalt  }
0x80: {  	_ =	shalt  }
0x81: {  	_ =	shalt  }
0x82: {  	_ =	shalt  }
0x83: {  	_ =	shalt  }
0x84: {  	_ =	shalt  }
0x85: {  	_ =	shalt  }
0x86: {  	_ =	shalt  }
0x87: {  	_ =	shalt  }
.Lfunc_end0:
.L_simem_size_0:
called_computation.1_lowered:
.L_overlay_start_0:
0x88: {  	s2 =	sld [smem:$0x3FD9]  }
0x89: {  	s3 =	sld [smem:$0x3FFE];
	_ =	sdelay $0x1  }
0x8a: {  	s1 =	srdreg.scid  }
0x8b: {  	s0 =	sand.u32 $0x1, s1  }
0x8c: {  	s14 =	sshll.u32 s0, $0xA;
	s2 =	sadd.s32 s3, s2  }
0x8d: {  	s2 =	sadd.s32 s2, s14  }
0x8e: {  	[smem:$0x3FC0] =	sst s2  }
0x8f: {  	_ = 	snop  }
0x90: {  	s2 =	sld [smem:$0x3FD0];
	_ =	sdelay $0x2  }
0x91: {  	s15 =	simm.s32 $0xA;
	s4 =	simm.s32 $0x10  }
0x92: {  	[smem:s4], [sflag:s15] =	dma.local [hbm:s2], $0x1  }
0x93: {  	_ =	swait.eq [sflag:s15], $0x1  }
0x94: {  	[sflag:s15] =	ssyncset.done $0x0  }
0x95: {  	s16 =	sld [smem:$0x10];
	[sflag:s15] =	ssyncadd.s32 $0xFFFFFFFF  }
0x96: {  	s17 =	sld [smem:$0x11];
	(tm) =	ssettm $0x1  }
0x97: {  	s18 =	sld [smem:$0x3FFB];
	_ =	sdelay $0x3  }
0x98: {  	_ =	strace s18  }
0x99: {  	s4 =	sld [smem:$0x3FFC];
	_ =	sdelay $0x3  }
0x9a: {  	_ =	strace s4  }
0x9b: {  	s4 =	sld [smem:$0x3FFD];
	_ =	sdelay $0x3  }
0x9c: {  	_ =	strace s4  }
0x9d: {  	_ =	strace $0x8FFFFFFF  }
0x9e: {  	s19 =	sld [smem:$0x3FDB];
	_ =	sdelay $0x1  }
0x9f: {  	s5 =	simm.s32 $_scs_section_size  }
0xa0: {  	s6 =	simm.s32 $_size__tile_overlayer_lowered;
	s7 =	simm.s32 $_tile_overlayer_lowered  }
0xa1: {  	s22 =	simm.s32 $0x1BFF;
	s21 =	sshll.u32 s7, $0x1;
	s4 =	sadd.s32 s5, s19  }
0xa2: {  	s8 =	simm.s32 $0x0;
	s20 =	sshll.u32 s6, $0x1;
	s6 =	sadd.s32 s21, s4  }
0xa3: {  	[timem:s8], [sflag:s22] =	dma.local [hbm:s6], s20  }
0xa4: {  	_ =	swait.ge [sflag:s22], s20  }
0xa5: {  	s5 =	ssub.s32 $0x0, s20;
	[sflag:s22] =	ssyncset.done $0x0  }
0xa6: {  	[sflag:s22] =	ssyncadd.s32 s5;
	_ =	sdelay $0x1  }
0xa7: {  	s23 =	simm.s32 $0x1B8B  }
0xa8: {  	_ =	swait.ge [sflag:s23], $0x1  }
0xa9: {  	[sflag:s23] =	ssyncset.done $0x0  }
0xaa: {  	s25 =	simm.s32 $0x1B8E;
	s24 =	sld [smem:$0x3FFE];
	[sflag:s23] =	ssyncadd.s32 $0xFFFFFFFF  }
0xab: {  	s26 =	simm.s32 $execute0_lowered;
	[smem:$0x3FD2] =	sst s25  }
0xac: {  	s6 =	sshll.u32 s26, $0x1;
	_ =	strace $0x80000049;
	[dreg:$0x1] =	wrdreg $0xFFFFFFFF  }
0xad: {  	s28 =	simm.s32 $_size_execute0_lowered;
	s4 =	sadd.s32 s4, s6;
	[dreg:$0x0] =	wrdreg $0x0  }
0xae: {  	s6 =	sshll.u32 s28, $0x1;
	[dreg:$0x2] =	wrdreg s4  }
0xaf: {  	[dreg:$0x3] =	wrdreg s6  }
0xb0: {  	[dreg:$0x4] =	wrdreg $0xC0  }
0xb1: {  	_ =	task [dreg:s8], $0x5FFFF  }
0xb2: {  	[dreg:$0x1] =	wrdreg $0xFFFFFFFF  }
0xb3: {  	[dreg:$0x0] =	wrdreg $0x60  }
0xb4: {  	[dreg:$0x2] =	wrdreg s24  }
0xb5: {  	[dreg:$0x3] =	wrdreg s16  }
0xb6: {  	[dreg:$0x4] =	wrdreg s17  }
0xb7: {  	[dreg:$0x5] =	wrdreg $0x91000  }
0xb8: {  	[dreg:$0x6] =	wrdreg $0x9  }
0xb9: {  	_ =	task.clear_ibuf [dreg:s8], $0x7FFFF;
	_ =	strace $0x90000049  }
0xba: {  	s29 =	simm.s32 $0x9;
	_ =	strace $0x8000004B  }
0xbb: {  	_ =	swait.ge [sflag:s29], $0x1  }
0xbc: {  	[sflag:s29] =	ssyncadd.s32 $0xFFFFFFFF  }
0xbd: {  	_ =	strace $0x9000004B  }
0xbe: {  	_ =	sfence  }
0xbf: {  	s30 =	sld [smem:$0x0];
	_ =	sdelay $0x2  }
0xc0: {  	s31 =	sshll.u32 s1, $0xD;
	s1 =	sshrl.u32 s1, $0x2  }
0xc1: {  	s3 =	sand.u32 $0x4000, s31;
	s1 =	sadd.s32 s1, s30  }
0xc2: {  	s0 =	sor.u32 s3, s0;
	s1 =	sshll.u32 s1, $0x11  }
0xc3: {  	s0 =	sor.u32 s1, s0  }
0xc4: {  	s0 =	sadd.s32 $0x8F2B, s0  }
0xc5: {  	[sflag:s0] =	ssyncadd.remote.s32 $0x1  }
0xc6: {  	_ =	sfence.sel $0xFFFF  }
0xc7: {  	[dreg:$0x0] =	wrdreg $0xFFFFFFFF;
	(pc) =	sbr.abs _section_cstart, $3  }
0xc8: {  	[dreg:$0x1] =	wrdreg $0xFFFFFFFF  }
0xc9: {  	_ =	task.clear_ibuf [dreg:s8], $0x2FFFF;
	_ =	strace $0x9FFFFFFF  }
0xca: {  	(tm) =	ssettm $0x7FFFFFFF  }
0xcb: {  	_ =	shalt  }
tec
execute0_lowered:
.L_overlay_start_1:
0x0: {  	(tag) =	ssettag $0x1  }
0x1: {  	s0 =	rddreg [dreg:$0x0]  }
0x2: {  	s4 =	rddreg [dreg:$0x1]  }
0x3: {  	s1 =	rddreg [dreg:$0x2]  }
0x4: {  	s2 =	rddreg [dreg:$0x3];
	s3 =	simm.s32 $0x0  }
0x5: {  	s5 =	srdreg.scid;
	s12 =	stileid.u32;
	s28 =	simm.s32 $0x4100  }
0x6: {  	s29 =	simm.s32 $0x2;
	s30 =	simm.s32 $0x3;
	s31 =	simm.s32 $0x4  }
0x7: {  	[smem:$0x7FF] =	sst s3;
	s6 =	sand.u32 $0x1, s5;
	s7 =	sadd.s32 $0x29600, s0  }
0x8: {  	s9 =	sshll.u32 s12, $0xF;
	s11 =	smul.u32 $0x14000, s12;
	_ =	strace $0x8000004A  }
0x9: {  	s5 =	ssub.s32 $0x2, s6;
	s10 =	sshll.u32 s6, $0xE;
	s6 =	smul.u32 $0x140000, s6  }
0xa: {  	s8 =	sshrl.u32 s5, $0x1;
	s13 =	sadd.s32 $0x7800, s11;
	s15 =	sadd.s32 $0xA000, s11  }
0xb: {  	s22 =	sadd.s32 $0xC800, s11;
	s23 =	sadd.s32 $0xF000, s11;
	s8 =	ssub.s32 s5, s8  }
0xc: {  	s5 =	sor.u32 s10, s9;
	s9 =	smul.u32 $0x50000, s12;
	s10 =	sor.u32 $0x2800, s11  }
0xd: {  	s12 =	sadd.s32 $0x5000, s11;
	s14 =	sadd.s32 s11, s6;
	s11 =	sadd.s32 $0x11800, s11  }
0xe: {  	s24 =	sadd.s32 s6, s13;
	s17 =	sadd.s32 s6, s15;
	s18 =	sadd.s32 s6, s22  }
0xf: {  	s19 =	sadd.s32 s6, s23;
	s22 =	sadd.s32 s22, s2;
	s23 =	sadd.s32 s23, s2  }
0x10: {  	s16 =	sadd.s32 s6, s10;
	s14 =	sshrl.u32 s14, $0x3;
	s21 =	sadd.s32 s6, s12  }
0x11: {  	s25 =	sshrl.u32 s24, $0x3;
	s26 =	sshrl.u32 s17, $0x3;
	s6 =	sadd.s32 s6, s11  }
0x12: {  	s16 =	sshrl.u32 s16, $0x3;
	s14 =	sadd.s32 s7, s14;
	s17 =	sadd.s32 s7, s26  }
0x13: {  	s6 =	sshrl.u32 s6, $0x3;
	[dreg:$0x5] =	wrdreg s14;
	s20 =	sadd.s32 s7, s16  }
0x14: {  	s14 =	sshrl.u32 s21, $0x3;
	[dreg:$0x9] =	wrdreg s17;
	s6 =	sadd.s32 s7, s6  }
0x15: {  	s21 =	sshrl.u32 s5, $0x3;
	[dreg:$0x6] =	wrdreg s20;
	s14 =	sadd.s32 s7, s14  }
0x16: {  	s20 =	sshrl.u32 s19, $0x3;
	[dreg:$0xc] =	wrdreg s6;
	s24 =	sadd.s32 s4, s21  }
0x17: {  	s26 =	sadd.s32 s1, s21;
	s19 =	sadd.s32 s12, s2;
	s21 =	sadd.s32 s15, s2  }
0x18: {  	s4 =	simm.s32 $0x6900;
	s6 =	simm.s32 $0x4080;
	[dreg:$0x7] =	wrdreg s14  }
0x19: {  	s14 =	sadd.s32 s7, s25;
	[dreg:$0xd] =	wrdreg s24;
	s25 =	sshrl.u32 s9, $0x2  }
0x1a: {  	[dreg:$0xe] =	wrdreg s26;
	s24 =	sadd.s32 s11, s2;
	s26 =	simm.s32 $0x4000  }
0x1b: {  	s9 =	simm.s32 $0x0;
	[dreg:$0x8] =	wrdreg s14;
	s14 =	sshrl.u32 s18, $0x3  }
0x1c: {  	s17 =	sadd.s32 s25, s2;
	s18 =	sadd.s32 s10, s2;
	s14 =	sadd.s32 s7, s14  }
0x1d: {  	s25 =	smax.u32 s8, $0x1;
	s8 =	simm.s32 $0x5;
	[dreg:$0xa] =	wrdreg s14  }
0x1e: {  	s14 =	sadd.s32 s7, s20;
	s20 =	sadd.s32 s13, s2;
	s7 =	simm.s32 $0x1  }
0x1f: {  	v0 =	vimm.f32 $0.0e+00;
	[dreg:$0xb] =	wrdreg s14;
	s14 =	sadd.s32 $0x2400, s0;
	s0 =	simm.s32 $0x50  }
.LBB2_1:
0x20: {  	s10 =	rddreg [dreg:$0xd];
	s16 =	sand.u32 $0xFE00, s3  }
0x21: {  	[tilespmem:s3], [sflag:$0x3] =	stream.linear.gather [hbm4b:s10+s3], $0x3E80, $0x38;
	[tilespmem:$0x1D100] =	vst v63  }
0x22: {  	s15 =	rddreg [dreg:$0xe];
	s11 =	sand.u32 $0x70, s3;
	s12 =	sshrl.u32 s16, $0x2  }
0x23: {  	s10 =	simm.s32 $0x40;
	s12 =	sor.u32 s11, s12;
	s11 =	simm.s32 $0x0  }
0x24: {  	[tilespmem:s26], [sflag:$0x4] =	stream.linear.gather [hbm4b:s15+s3], $0x80, $0x38;
	[tilespmem:$0x1D100] =	vst v63  }
.LBB2_2:
0x25: {  	p0 =	sne.s32 s10, $0x9FC0  }
0x26: {  	[tilespmem:s12+$0x4100] =	vst v0;
	s11 =	sadd.s32 $0x10, s11;
	s12 =	smov.u32 s10;
	s10 =	sadd.s32 $0x40, s10  }
.Ltmp0:
0x27: {  	(pc) =	sbr.rel @p0 .LBB2_2-.Ltmp0, $4  }
0x28: {  	_ = 	snop  }
0x29: {  	s12 =	sand.u32 $0xFE00, s12  }
0x2a: {  	s13 =	sand.u32 $0x70, s11;
	s12 =	sshrl.u32 s12, $0x2  }
0x2b: {  	s12 =	sor.u32 s13, s12  }
0x2c: {  	[tilespmem:s12+$0x4100] =	vst v0  }
0x2d: {  	[spmem:s17] =	stream.linear.scatter [tilespmem:s28], [sflag:$0x2], $0x2800, $0x38;
	[tilespmem:$0x1D100] =	vst v63  }
0x2e: {  	_ = 	snop  }
0x2f: {  	[spmem:s18] =	stream.linear.scatter [tilespmem:s28], [sflag:$0x2], $0x2800, $0x38;
	[tilespmem:$0x1D100] =	vst v63  }
0x30: {  	_ = 	snop  }
0x31: {  	[spmem:s19] =	stream.linear.scatter [tilespmem:s28], [sflag:$0x2], $0x2800, $0x38;
	[tilespmem:$0x1D100] =	vst v63  }
0x32: {  	_ = 	snop  }
0x33: {  	[spmem:s20] =	stream.linear.scatter [tilespmem:s28], [sflag:$0x2], $0x2800, $0x38;
	[tilespmem:$0x1D100] =	vst v63  }
0x34: {  	_ = 	snop  }
0x35: {  	[spmem:s21] =	stream.linear.scatter [tilespmem:s28], [sflag:$0x2], $0x2800, $0x38;
	[tilespmem:$0x1D100] =	vst v63  }
0x36: {  	_ = 	snop  }
0x37: {  	[spmem:s22] =	stream.linear.scatter [tilespmem:s28], [sflag:$0x2], $0x2800, $0x38;
	[tilespmem:$0x1D100] =	vst v63  }
0x38: {  	_ = 	snop  }
0x39: {  	[spmem:s23] =	stream.linear.scatter [tilespmem:s28], [sflag:$0x2], $0x2800, $0x38;
	[tilespmem:$0x1D100] =	vst v63  }
0x3a: {  	_ = 	snop  }
0x3b: {  	[spmem:s24] =	stream.linear.scatter [tilespmem:s28], [sflag:$0x2], $0x2800, $0x38;
	[tilespmem:$0x1D100] =	vst v63  }
0x3c: {  	_ =	swait.ge [sflag:s29], $0x2800  }
0x3d: {  	[sflag:s29] =	ssyncset.done $0x0  }
0x3e: {  	[sflag:s29] =	ssyncadd.s32 $0xFFFFD800  }
0x3f: {  	_ =	swait.ge [sflag:s29], $0x2800  }
0x40: {  	[sflag:s29] =	ssyncset.done $0x0  }
0x41: {  	[sflag:s29] =	ssyncadd.s32 $0xFFFFD800  }
0x42: {  	_ =	swait.ge [sflag:s29], $0x2800  }
0x43: {  	[sflag:s29] =	ssyncset.done $0x0  }
0x44: {  	[sflag:s29] =	ssyncadd.s32 $0xFFFFD800  }
0x45: {  	_ =	swait.ge [sflag:s29], $0x2800  }
0x46: {  	[sflag:s29] =	ssyncset.done $0x0  }
0x47: {  	[sflag:s29] =	ssyncadd.s32 $0xFFFFD800  }
0x48: {  	_ =	swait.ge [sflag:s29], $0x2800  }
0x49: {  	[sflag:s29] =	ssyncset.done $0x0  }
0x4a: {  	[sflag:s29] =	ssyncadd.s32 $0xFFFFD800  }
0x4b: {  	_ =	swait.ge [sflag:s29], $0x2800  }
0x4c: {  	[sflag:s29] =	ssyncset.done $0x0  }
0x4d: {  	[sflag:s29] =	ssyncadd.s32 $0xFFFFD800  }
0x4e: {  	_ =	swait.ge [sflag:s29], $0x2800  }
0x4f: {  	[sflag:s29] =	ssyncset.done $0x0  }
0x50: {  	[sflag:s29] =	ssyncadd.s32 $0xFFFFD800  }
0x51: {  	_ =	swait.ge [sflag:s29], $0x2800  }
0x52: {  	[sflag:s29] =	ssyncset.done $0x0  }
0x53: {  	[sflag:s29] =	ssyncadd.s32 $0xFFFFD800  }
0x54: {  	_ =	swait.ge [sflag:s30], $0x3E80  }
0x55: {  	[sflag:s30] =	ssyncset.done $0x0  }
0x56: {  	s10 =	simm.s32 $0x80;
	s11 =	simm.s32 $0x0;
	[sflag:s30] =	ssyncadd.s32 $0xFFFFC180  }
0x57: {  	s10 =	sand.u32 $0x380, s10;
	s11 =	sand.u32 $0x3C00, s11;
	_ =	swait.ge [sflag:s31], $0x80  }
0x58: {  	s10 =	sor.u32 s10, s11;
	[sflag:s31] =	ssyncset.done $0x0  }
0x59: {  	s10 =	sor.u32 s5, s10;
	[sflag:s31] =	ssyncadd.s32 $0xFFFFFF80  }
0x5a: {  	[tilespmem:s28], [sflag:$0x1] =	stream.indirect.gather [hbm4b:s14+s0], $0x80, s3, s0, $0xb8;
	[tilespmem:$0x1D100] =	vst v63  }
0x5b: {  	s16 =	simm.s32 $0x80;
	s10 =	sshrl.u32 s10, $0x3;
	[bflag:$0x0] =	sbarrier.arrive $0xFFFF  }
0x5c: {  	[tilespmem:s4], [sflag:$0x2] =	stream.indirect.gather [hbm4b:s14+s0], $0x80, s16, s0, $0xb8;
	[tilespmem:$0x1D100] =	vst v63  }
0x5d: {  	s10 =	sadd.s32 s1, s10  }
0x5e: {  	[tilespmem:s6], [sflag:$0x4] =	stream.linear.gather [hbm4b:s10+s3], $0x80, $0x38;
	[tilespmem:$0x1D100] =	vst v63  }
0x5f: {  	_ =	swait.ge [sflag:s7], $0x2800  }
0x60: {  	s12 =	simm.s32 $0x100;
	[sflag:s7] =	ssyncset.done $0x0  }
0x61: {  	s13 =	sand.u32 $0x7C00, s12;
	[sflag:s7] =	ssyncadd.s32 $0xFFFFD800  }
0x62: {  	[spmem:s2] =	stream.indirect.scatter.add.f32 [tilespmem:s28], [sflag:$0x5], $0x80, s26, s0, $0xb8;
	[tilespmem:$0x1D100] =	vst v63  }
0x63: {  	s11 =	sadd.s32 s5, s13;
	s10 =	sand.u32 $0x300, s12;
	_ =	swait.ge [sflag:s8], $0x2800  }
0x64: {  	s10 =	sor.u32 s10, s11;
	[sflag:s8] =	ssyncset.done $0x0  }
0x65: {  	s15 =	simm.s32 $0x100;
	s10 =	sshrl.u32 s10, $0x3;
	[sflag:s8] =	ssyncadd.s32 $0xFFFFD800  }
0x66: {  	[tilespmem:s28], [sflag:$0x1] =	stream.indirect.gather [hbm4b:s14+s0], $0x80, s15, s0, $0xb8;
	[tilespmem:$0x1D100] =	vst v63  }
0x67: {  	s10 =	sadd.s32 s1, s10  }
0x68: {  	[tilespmem:s26], [sflag:$0x3] =	stream.linear.gather [hbm4b:s10+s3], $0x80, $0x38;
	[tilespmem:$0x1D100] =	vst v63  }
0x69: {  	_ =	swait.ge [sflag:s29], $0x2800  }
0x6a: {  	[sflag:s29] =	ssyncset.done $0x0  }
0x6b: {  	[sflag:s29] =	ssyncadd.s32 $0xFFFFD800  }
0x6c: {  	_ =	swait.ge [sflag:s31], $0x80  }
0x6d: {  	[sflag:s31] =	ssyncset.done $0x0  }
0x6e: {  	s13 =	simm.s32 $0x100;
	s16 =	simm.s32 $0x180;
	[sflag:s31] =	ssyncadd.s32 $0xFFFFFF80  }
0x6f: {  	[spmem:s2] =	stream.indirect.scatter.add.f32 [tilespmem:s4], [sflag:$0x5], $0x80, s6, s0, $0xb8;
	[tilespmem:$0x1D100] =	vst v63  }
0x70: {  	s13 =	sand.u32 $0x3C00, s13;
	s11 =	sand.u32 $0x380, s16;
	_ =	swait.ge [sflag:s8], $0x2800  }
0x71: {  	s12 =	simm.s32 $0x300;
	s15 =	sor.u32 s11, s13;
	[sflag:s8] =	ssyncset.done $0x0  }
0x72: {  	s11 =	simm.s32 $0x180;
	s10 =	simm.s32 $0x200;
	[sflag:s8] =	ssyncadd.s32 $0xFFFFD800  }
.LBB2_4:
0x73: {  	s15 =	sor.u32 s5, s15  }
0x74: {  	_ =	swait.ge [sflag:s30], $0x80;
	s16 =	smov.u32 s12;
	s13 =	sadd.s32 $0x100, s12  }
0x75: {  	p0 =	sne.s32 s12, $0x3E00;
	s12 =	sshrl.u32 s15, $0x3;
	[sflag:s30] =	ssyncset.done $0x0  }
0x76: {  	s12 =	sadd.s32 s1, s12;
	[sflag:s30] =	ssyncadd.s32 $0xFFFFFF80  }
0x77: {  	[tilespmem:s4], [sflag:$0x2] =	stream.indirect.gather [hbm4b:s14+s0], $0x80, s11, s0, $0xb8;
	[tilespmem:$0x1D100] =	vst v63  }
0x78: {  	_ = 	snop  }
0x79: {  	[tilespmem:s6], [sflag:$0x4] =	stream.linear.gather [hbm4b:s12+s3], $0x80, $0x38;
	[tilespmem:$0x1D100] =	vst v63  }
0x7a: {  	_ =	swait.ge [sflag:s7], $0x2800  }
0x7b: {  	[sflag:s7] =	ssyncset.done $0x0  }
0x7c: {  	s12 =	sand.u32 $0x7C00, s10;
	[sflag:s7] =	ssyncadd.s32 $0xFFFFD800  }
0x7d: {  	[spmem:s2] =	stream.indirect.scatter.add.f32 [tilespmem:s28], [sflag:$0x5], $0x80, s26, s0, $0xb8;
	[tilespmem:$0x1D100] =	vst v63  }
0x7e: {  	s10 =	sand.u32 $0x300, s10;
	s12 =	sadd.s32 s5, s12;
	_ =	swait.ge [sflag:s8], $0x2800  }
0x7f: {  	s12 =	sor.u32 s10, s12;
	s10 =	smov.u32 s16;
	[sflag:s8] =	ssyncset.done $0x0  }
0x80: {  	s15 =	sadd.s32 $0x80, s11;
	s12 =	sshrl.u32 s12, $0x3;
	[sflag:s8] =	ssyncadd.s32 $0xFFFFD800  }
0x81: {  	[tilespmem:s28], [sflag:$0x1] =	stream.indirect.gather [hbm4b:s14+s0], $0x80, s15, s0, $0xb8;
	[tilespmem:$0x1D100] =	vst v63  }
0x82: {  	s12 =	sadd.s32 s1, s12  }
0x83: {  	[tilespmem:s26], [sflag:$0x3] =	stream.linear.gather [hbm4b:s12+s3], $0x80, $0x38;
	[tilespmem:$0x1D100] =	vst v63  }
0x84: {  	_ =	swait.ge [sflag:s29], $0x2800  }
0x85: {  	[sflag:s29] =	ssyncset.done $0x0  }
0x86: {  	[sflag:s29] =	ssyncadd.s32 $0xFFFFD800  }
0x87: {  	_ =	swait.ge [sflag:s31], $0x80  }
0x88: {  	[sflag:s31] =	ssyncset.done $0x0  }
.Ltmp1:
0x89: {  	s11 =	sadd.s32 $0x100, s11;
	[sflag:s31] =	ssyncadd.s32 $0xFFFFFF80;
	(pc) =	sbr.rel @p0 .LBB2_4-.Ltmp1, $4  }
0x8a: {  	[spmem:s2] =	stream.indirect.scatter.add.f32 [tilespmem:s4], [sflag:$0x5], $0x80, s6, s0, $0xb8;
	[tilespmem:$0x1D100] =	vst v63  }
0x8b: {  	s15 =	sadd.s32 $0xFFFFFF00, s10;
	s12 =	sadd.s32 $0xFFFFFF80, s10;
	_ =	swait.ge [sflag:s8], $0x2800  }
0x8c: {  	s15 =	sand.u32 $0x3C00, s15;
	s12 =	sand.u32 $0x380, s12;
	[sflag:s8] =	ssyncset.done $0x0  }
0x8d: {  	s15 =	sor.u32 s12, s15;
	s12 =	smov.u32 s13;
	[sflag:s8] =	ssyncadd.s32 $0xFFFFD800  }
0x8e: {  	_ =	swait.ge [sflag:s30], $0x80  }
0x8f: {  	s12 =	sor.u32 s5, s15;
	[sflag:s30] =	ssyncset.done $0x0  }
0x90: {  	s12 =	sshrl.u32 s12, $0x3;
	[sflag:s30] =	ssyncadd.s32 $0xFFFFFF80  }
0x91: {  	[tilespmem:s4], [sflag:$0x2] =	stream.indirect.gather [hbm4b:s14+s0], $0x80, s11, s0, $0xb8;
	[tilespmem:$0x1D100] =	vst v63  }
0x92: {  	s12 =	sadd.s32 s1, s12  }
0x93: {  	[tilespmem:s6], [sflag:$0x4] =	stream.linear.gather [hbm4b:s12+s3], $0x80, $0x38;
	[tilespmem:$0x1D100] =	vst v63  }
0x94: {  	_ =	swait.ge [sflag:s7], $0x2800  }
0x95: {  	[sflag:s7] =	ssyncset.done $0x0  }
0x96: {  	s13 =	sand.u32 $0x7C00, s10;
	[sflag:s7] =	ssyncadd.s32 $0xFFFFD800  }
0x97: {  	[spmem:s2] =	stream.indirect.scatter.add.f32 [tilespmem:s28], [sflag:$0x5], $0x80, s26, s0, $0xb8;
	[tilespmem:$0x1D100] =	vst v63  }
0x98: {  	s15 =	sand.u32 $0x300, s10;
	s12 =	sadd.s32 s5, s13;
	_ =	swait.ge [sflag:s8], $0x2800  }
0x99: {  	s10 =	sor.u32 s15, s12;
	[sflag:s8] =	ssyncset.done $0x0  }
0x9a: {  	s16 =	sadd.s32 $0x80, s11;
	s10 =	sshrl.u32 s10, $0x3;
	[sflag:s8] =	ssyncadd.s32 $0xFFFFD800  }
0x9b: {  	[tilespmem:s28], [sflag:$0x1] =	stream.indirect.gather [hbm4b:s14+s0], $0x80, s16, s0, $0xb8;
	[tilespmem:$0x1D100] =	vst v63  }
0x9c: {  	s10 =	sadd.s32 s1, s10  }
0x9d: {  	[tilespmem:s26], [sflag:$0x3] =	stream.linear.gather [hbm4b:s10+s3], $0x80, $0x38;
	[tilespmem:$0x1D100] =	vst v63  }
0x9e: {  	_ =	swait.ge [sflag:s29], $0x2800  }
0x9f: {  	[sflag:s29] =	ssyncset.done $0x0  }
0xa0: {  	[sflag:s29] =	ssyncadd.s32 $0xFFFFD800  }
0xa1: {  	_ =	swait.ge [sflag:s31], $0x80  }
0xa2: {  	[sflag:s31] =	ssyncset.done $0x0  }
0xa3: {  	[sflag:s31] =	ssyncadd.s32 $0xFFFFFF80  }
0xa4: {  	[spmem:s2] =	stream.indirect.scatter.add.f32 [tilespmem:s4], [sflag:$0x5], $0x80, s6, s0, $0xb8;
	[tilespmem:$0x1D100] =	vst v63  }
0xa5: {  	_ =	swait.ge [sflag:s8], $0x2800  }
0xa6: {  	[sflag:s8] =	ssyncset.done $0x0  }
0xa7: {  	[sflag:s8] =	ssyncadd.s32 $0xFFFFD800  }
0xa8: {  	_ =	swait.ge [sflag:s30], $0x80  }
0xa9: {  	[sflag:s30] =	ssyncset.done $0x0  }
0xaa: {  	[sflag:s30] =	ssyncadd.s32 $0xFFFFFF80  }
0xab: {  	_ =	swait.ge [sflag:s7], $0x2800  }
0xac: {  	[sflag:s7] =	ssyncset.done $0x0  }
0xad: {  	[sflag:s7] =	ssyncadd.s32 $0xFFFFD800  }
0xae: {  	[spmem:s2] =	stream.indirect.scatter.add.f32 [tilespmem:s28], [sflag:$0x5], $0x80, s26, s0, $0xb8;
	[tilespmem:$0x1D100] =	vst v63  }
0xaf: {  	_ =	swait.ge [sflag:s8], $0x2800  }
0xb0: {  	[sflag:s8] =	ssyncset.done $0x0  }
0xb1: {  	s12 =	stileid.u32;
	[sflag:s8] =	ssyncadd.s32 $0xFFFFD800  }
0xb2: {  	s10 =	sshll.u32 s12, $0x6;
	[bflag:$0x0] =	sbarrier.arrive $0xFFFF  }
0xb3: {  	s13 =	sshrl.u32 s17, $0x3;
	s10 =	sor.u32 $0x1C01, s10;
	s15 =	rddreg [dreg:$0x5]  }
0xb4: {  	[hbm:s15], [sflag:s10] =	dma.local [spmem:s13], $0x500  }
0xb5: {  	s16 =	sshrl.u32 s18, $0x3;
	s12 =	rddreg [dreg:$0x6]  }
0xb6: {  	[hbm:s12], [sflag:s10] =	dma.local [spmem:s16], $0x500  }
0xb7: {  	s13 =	sshrl.u32 s19, $0x3;
	s12 =	rddreg [dreg:$0x7]  }
0xb8: {  	[hbm:s12], [sflag:s10] =	dma.local [spmem:s13], $0x500  }
0xb9: {  	s15 =	sshrl.u32 s20, $0x3;
	s12 =	rddreg [dreg:$0x8]  }
0xba: {  	[hbm:s12], [sflag:s10] =	dma.local [spmem:s15], $0x500  }
0xbb: {  	s16 =	sshrl.u32 s21, $0x3;
	s12 =	rddreg [dreg:$0x9]  }
0xbc: {  	[hbm:s12], [sflag:s10] =	dma.local [spmem:s16], $0x500  }
0xbd: {  	s13 =	sshrl.u32 s22, $0x3;
	s12 =	rddreg [dreg:$0xa]  }
0xbe: {  	[hbm:s12], [sflag:s10] =	dma.local [spmem:s13], $0x500  }
0xbf: {  	s15 =	sshrl.u32 s23, $0x3;
	s12 =	rddreg [dreg:$0xb]  }
0xc0: {  	[hbm:s12], [sflag:s10] =	dma.local [spmem:s15], $0x500  }
0xc1: {  	s16 =	sshrl.u32 s24, $0x3;
	s12 =	rddreg [dreg:$0xc]  }
0xc2: {  	[hbm:s12], [sflag:s10] =	dma.local [spmem:s16], $0x500  }
0xc3: {  	_ =	swait.ge [sflag:s7], $0x500  }
0xc4: {  	[sflag:s7] =	ssyncset.done $0x0  }
0xc5: {  	[sflag:s7] =	ssyncadd.s32 $0xFFFFFB00  }
0xc6: {  	_ =	swait.ge [sflag:s7], $0x500  }
0xc7: {  	[sflag:s7] =	ssyncset.done $0x0  }
0xc8: {  	[sflag:s7] =	ssyncadd.s32 $0xFFFFFB00  }
0xc9: {  	_ =	swait.ge [sflag:s7], $0x500  }
0xca: {  	[sflag:s7] =	ssyncset.done $0x0  }
0xcb: {  	[sflag:s7] =	ssyncadd.s32 $0xFFFFFB00  }
0xcc: {  	_ =	swait.ge [sflag:s7], $0x500  }
0xcd: {  	[sflag:s7] =	ssyncset.done $0x0  }
0xce: {  	[sflag:s7] =	ssyncadd.s32 $0xFFFFFB00  }
0xcf: {  	_ =	swait.ge [sflag:s7], $0x500  }
0xd0: {  	[sflag:s7] =	ssyncset.done $0x0  }
0xd1: {  	[sflag:s7] =	ssyncadd.s32 $0xFFFFFB00  }
0xd2: {  	_ =	swait.ge [sflag:s7], $0x500  }
0xd3: {  	[sflag:s7] =	ssyncset.done $0x0  }
0xd4: {  	s9 =	sadd.s32 $0x1, s9;
	[sflag:s7] =	ssyncadd.s32 $0xFFFFFB00  }
0xd5: {  	p0 =	sne.s32 s9, s25;
	_ =	swait.ge [sflag:s7], $0x500  }
.Ltmp2:
0xd6: {  	[sflag:s7] =	ssyncset.done $0x0;
	(pc) =	sbr.rel @p0 .LBB2_1-.Ltmp2, $4  }
0xd7: {  	[sflag:s7] =	ssyncadd.s32 $0xFFFFFB00  }
0xd8: {  	_ =	swait.ge [sflag:s7], $0x500  }
0xd9: {  	[sflag:s7] =	ssyncset.done $0x0  }
0xda: {  	[sflag:s7] =	ssyncadd.s32 $0xFFFFFB00  }
0xdb: {  	_ =	sfence.sel $0x180000  }
0xdc: {  	[bflag:$0x0] =	sbarrier.arrive $0xFFFF  }
0xdd: {  	_ =	strace $0x9000004A  }
0xde: {  	s0 =	stileid.u32;
	[bflag:$0x2] =	sbarrier.arrive $0xFFFF  }
0xdf: {  	p0 =	sne.s32 s0, $0x0;
	s0 =	rddreg [dreg:$0x4]  }
0xe0: {  	s0 =	sadd.s32 @!p0 $0x100000, s0  }
0xe1: {  	[sflag:s0] =	ssyncadd.tile.s32 @!p0 $0x1;
	_ =	shalt  }
.Lfunc_end2:
_tile_overlayer_lowered:
.L_overlay_start_2:
0xe2: {  	(tag) =	ssettag $0x2  }
0xe3: {  	s0 =	rddreg [dreg:$0x0];
	s2 =	stileid.u32  }
0xe4: {  	s1 =	rddreg [dreg:$0x1];
	p0 =	sne.s32 s2, $0x0  }
0xe5: {  	s3 =	rddreg [dreg:$0x2];
	[bflag:$0x3] =	sbarrier.arrive $0xFFFF;
	s2 =	simm.s32 @!p0 $0x1C05  }
0xe6: {  	[timem:s3], [sflag:s2] =	dma.local @!p0 [hbm:s0], s1  }
0xe7: {  	s0 =	simm.s32 @!p0 $0x5  }
0xe8: {  	_ =	swait.ge @!p0 [sflag:s0], s1  }
0xe9: {  	s1 =	ssub.s32 @!p0 $0x0, s1;
	[sflag:s0] =	ssyncset.done @!p0 $0x0  }
0xea: {  	[sflag:s0] =	ssyncadd.s32 @!p0 s1  }
0xeb: {  	[bflag:$0x3] =	sbarrier.arrive $0xFFFF  }
0xec: {  	_ =	shalt  }

// kernel: kernel.14.cloned.1.call-start
scs
__scs_entry_jumppad:
0x0: {  	(pc) =	sbr.rel $0x88, $3  }
0x1: {  	(tag) =	ssettag $0x0;
	lr =	simm.s32 $0x1  }
0x2: {  	[smem:$0x3F99] =	sst lr;
	_ =	strace $0xD0000000  }
0x3: {  	_ = 	snop  }
0x4: {  	_ = 	snop  }
0x5: {  	_ = 	snop  }
0x6: {  	_ = 	snop  }
0x7: {  	_ = 	snop  }
__scs_overlays_trampoline_lowered:
0x8: {  	[smem:$0x3FA8] =	sst s0  }
0x9: {  	[smem:$0x3FA9] =	sst s1  }
0xa: {  	[smem:$0x3FAA] =	sst s2  }
0xb: {  	[smem:$0x3FAB] =	sst s3  }
0xc: {  	[smem:$0x3FAC] =	sst s4  }
0xd: {  	[smem:$0x3FAD] =	sst s5  }
0xe: {  	[smem:$0x3FAE] =	sst s6  }
0xf: {  	[smem:$0x3FAF] =	sst s7  }
0x10: {  	[smem:$0x3FB0] =	sst s8  }
0x11: {  	[smem:$0x3FB1] =	sst s9;
	s0 =	simm.s32 @!p0 $0x0  }
0x12: {  	s1 =	sld [smem:$0x3F97];
	s0 =	simm.s32 @p0 $0x1  }
0x13: {  	[smem:$0x3FB2] =	sst s0;
	s0 =	simm.s32 @!p1 $0x0  }
0x14: {  	s2 =	sld [smem:$0x3F96];
	s0 =	simm.s32 @p1 $0x1  }
0x15: {  	[smem:$0x3FB3] =	sst s0;
	s0 =	simm.s32 @!p2 $0x0  }
0x16: {  	s3 =	sld [smem:$0x3FDB];
	s0 =	simm.s32 @p2 $0x1  }
0x17: {  	s4 =	simm.s32 $0x1BF5;
	[smem:$0x3FB5] =	sst s0  }
0x18: {  	s0 =	sld [smem:$0x3F98];
	_ =	swait.ge [sflag:s4], $0x0  }
0x19: {  	s7 =	sld [smem:$0x3F99]  }
0x1a: {  	s8 =	sadd.s32 $0xFFFFE003, lr  }
0x1b: {  	s9 =	sadd.s32 $0xFFFFFEF7, lr;
	s5 =	simm.s32 $0xFFFFFFFF;
	p2 =	slt.u32 s8, $0xFFFFF086  }
0x1c: {  	p1 =	slt.u32 s9, $0xF7A;
	s5 =	simm.s32 @!p2 $0x0  }
0x1d: {  	s5 =	simm.s32 @p1 $0x1;
	p0 =	seq.s32 s7, s2  }
0x1e: {  	s7 =	smul.u32 @!p0 $0xF7A, s2;
	p2 =	seq.s32 @!p0 s5, $0x0  }
0x1f: {  	s9 =	smul.u32 $0xF7A, s1;
	s8 =	simm.s32 @!p0 $0x1BF5;
	p2 =	por !p2, p0  }
0x20: {  	[sflag:s8] =	ssyncset.s32 @!p0 $0xFFFFF086;
	s6 =	sadd.s32 @!p0 s3, s7;
	s7 =	simm.s32 @!p0 $0x108  }
0x21: {  	s3 =	sadd.s32 s3, s9;
	s6 =	sadd.s32 @!p0 $0x88, s6;
	s7 =	simm.s32 @p2 $0x1082  }
0x22: {  	[simem:s7], [sflag:s8] =	dma.local @!p0 [hbm:s6], $0xF7A  }
0x23: {  	s9 =	sor.u32 $0xD0000000, s2;
	s6 =	simm.s32 $0x108;
	_ =	swait.ge @!p0 [sflag:s8], $0x0  }
0x24: {  	s3 =	sadd.s32 $0x88, s3;
	s6 =	simm.s32 @!p1 $0x1082;
	[sflag:s4] =	ssyncset.s32 $0xFFFFF086  }
0x25: {  	[simem:s6], [sflag:s4] =	dma.local [hbm:s3], $0xF7A  }
0x26: {  	[smem:$0x3F99] =	sst s1;
	(tag) =	ssettag s2;
	_ =	strace s9  }
0x27: {  	s1 =	sld [smem:$0x3FA9]  }
0x28: {  	s2 =	sld [smem:$0x3FAA]  }
0x29: {  	s4 =	sld [smem:$0x3FAC]  }
0x2a: {  	p0 =	seq.s32 s5, $0x0;
	s5 =	sld [smem:$0x3FAD]  }
0x2b: {  	s6 =	sld [smem:$0x3FAE]  }
0x2c: {  	s7 =	sld [smem:$0x3FAF]  }
0x2d: {  	s3 =	simm.s32 $0x108;
	s8 =	sld [smem:$0x3FB0]  }
0x2e: {  	s3 =	simm.s32 @!p0 $0x1082;
	s9 =	sld [smem:$0x3FB1]  }
0x2f: {  	lr =	sadd.s32 s0, s3;
	s0 =	sld [smem:$0x3FA8]  }
0x30: {  	s3 =	sld [smem:$0x3FAB]  }
0x31: {  	[smem:$0x3FB4] =	sst s10  }
0x32: {  	s10 =	sld [smem:$0x3FB2];
	_ =	sdelay $0x3  }
0x33: {  	p0 =	seq.s32 s10, $0x1;
	s10 =	sld [smem:$0x3FB4];
	_ =	sdelay $0x3  }
0x34: {  	[smem:$0x3FB4] =	sst s10  }
0x35: {  	s10 =	sld [smem:$0x3FB3];
	_ =	sdelay $0x3  }
0x36: {  	p1 =	seq.s32 s10, $0x1;
	s10 =	sld [smem:$0x3FB4];
	_ =	sdelay $0x3  }
0x37: {  	[smem:$0x3FB4] =	sst s10  }
0x38: {  	s10 =	sld [smem:$0x3FB5]  }
0x39: {  	_ = 	snop;
	(pc) =	sbr.ind lr, $3  }
0x3a: {  	_ = 	snop  }
0x3b: {  	_ = 	snop  }
0x3c: {  	p2 =	seq.s32 s10, $0x1;
	s10 =	sld [smem:$0x3FB4]  }
0x3d: {  	_ =	shalt  }
0x3e: {  	_ =	shalt  }
0x3f: {  	_ =	shalt  }
0x40: {  	_ =	shalt  }
0x41: {  	_ =	shalt  }
0x42: {  	_ =	shalt  }
0x43: {  	_ =	shalt  }
0x44: {  	_ =	shalt  }
0x45: {  	_ =	shalt  }
0x46: {  	_ =	shalt  }
0x47: {  	_ =	shalt  }
0x48: {  	_ =	shalt  }
0x49: {  	_ =	shalt  }
0x4a: {  	_ =	shalt  }
0x4b: {  	_ =	shalt  }
0x4c: {  	_ =	shalt  }
0x4d: {  	_ =	shalt  }
0x4e: {  	_ =	shalt  }
0x4f: {  	_ =	shalt  }
0x50: {  	_ =	shalt  }
0x51: {  	_ =	shalt  }
0x52: {  	_ =	shalt  }
0x53: {  	_ =	shalt  }
0x54: {  	_ =	shalt  }
0x55: {  	_ =	shalt  }
0x56: {  	_ =	shalt  }
0x57: {  	_ =	shalt  }
0x58: {  	_ =	shalt  }
0x59: {  	_ =	shalt  }
0x5a: {  	_ =	shalt  }
0x5b: {  	_ =	shalt  }
0x5c: {  	_ =	shalt  }
0x5d: {  	_ =	shalt  }
0x5e: {  	_ =	shalt  }
0x5f: {  	_ =	shalt  }
0x60: {  	_ =	shalt  }
0x61: {  	_ =	shalt  }
0x62: {  	_ =	shalt  }
0x63: {  	_ =	shalt  }
0x64: {  	_ =	shalt  }
0x65: {  	_ =	shalt  }
0x66: {  	_ =	shalt  }
0x67: {  	_ =	shalt  }
0x68: {  	_ =	shalt  }
0x69: {  	_ =	shalt  }
0x6a: {  	_ =	shalt  }
0x6b: {  	_ =	shalt  }
0x6c: {  	_ =	shalt  }
0x6d: {  	_ =	shalt  }
0x6e: {  	_ =	shalt  }
0x6f: {  	_ =	shalt  }
0x70: {  	_ =	shalt  }
0x71: {  	_ =	shalt  }
0x72: {  	_ =	shalt  }
0x73: {  	_ =	shalt  }
0x74: {  	_ =	shalt  }
0x75: {  	_ =	shalt  }
0x76: {  	_ =	shalt  }
0x77: {  	_ =	shalt  }
0x78: {  	_ =	shalt  }
0x79: {  	_ =	shalt  }
0x7a: {  	_ =	shalt  }
0x7b: {  	_ =	shalt  }
0x7c: {  	_ =	shalt  }
0x7d: {  	_ =	shalt  }
0x7e: {  	_ =	shalt  }
0x7f: {  	_ =	shalt  }
0x80: {  	_ =	shalt  }
0x81: {  	_ =	shalt  }
0x82: {  	_ =	shalt  }
0x83: {  	_ =	shalt  }
0x84: {  	_ =	shalt  }
0x85: {  	_ =	shalt  }
0x86: {  	_ =	shalt  }
0x87: {  	_ =	shalt  }
.Lfunc_end0:
.L_simem_size_0:
called_computation.2_lowered:
.L_overlay_start_0:
0x88: {  	s2 =	sld [smem:$0x3FD9]  }
0x89: {  	s3 =	sld [smem:$0x3FFE];
	_ =	sdelay $0x1  }
0x8a: {  	s1 =	srdreg.scid  }
0x8b: {  	s0 =	sand.u32 $0x1, s1  }
0x8c: {  	s14 =	sshll.u32 s0, $0xA;
	s2 =	sadd.s32 s3, s2  }
0x8d: {  	s2 =	sadd.s32 s2, s14  }
0x8e: {  	[smem:$0x3FC0] =	sst s2  }
0x8f: {  	_ = 	snop  }
0x90: {  	s2 =	sld [smem:$0x3FD0];
	_ =	sdelay $0x2  }
0x91: {  	s15 =	simm.s32 $0xA;
	s4 =	simm.s32 $0x10  }
0x92: {  	[smem:s4], [sflag:s15] =	dma.local [hbm:s2], $0x1  }
0x93: {  	_ =	swait.eq [sflag:s15], $0x1  }
0x94: {  	[sflag:s15] =	ssyncset.done $0x0  }
0x95: {  	s16 =	sld [smem:$0x10];
	[sflag:s15] =	ssyncadd.s32 $0xFFFFFFFF  }
0x96: {  	s17 =	sld [smem:$0x11];
	(tm) =	ssettm $0x1  }
0x97: {  	s18 =	sld [smem:$0x3FFB];
	_ =	sdelay $0x3  }
0x98: {  	_ =	strace s18  }
0x99: {  	s4 =	sld [smem:$0x3FFC];
	_ =	sdelay $0x3  }
0x9a: {  	_ =	strace s4  }
0x9b: {  	s4 =	sld [smem:$0x3FFD];
	_ =	sdelay $0x3  }
0x9c: {  	_ =	strace s4  }
0x9d: {  	_ =	strace $0x8FFFFFFF  }
0x9e: {  	s19 =	sld [smem:$0x3FDB];
	_ =	sdelay $0x1  }
0x9f: {  	s5 =	simm.s32 $_scs_section_size  }
0xa0: {  	s6 =	simm.s32 $_size__tile_overlayer_lowered;
	s7 =	simm.s32 $_tile_overlayer_lowered  }
0xa1: {  	s22 =	simm.s32 $0x1BFF;
	s21 =	sshll.u32 s7, $0x1;
	s4 =	sadd.s32 s5, s19  }
0xa2: {  	s8 =	simm.s32 $0x0;
	s20 =	sshll.u32 s6, $0x1;
	s6 =	sadd.s32 s21, s4  }
0xa3: {  	[timem:s8], [sflag:s22] =	dma.local [hbm:s6], s20  }
0xa4: {  	_ =	swait.ge [sflag:s22], s20  }
0xa5: {  	s5 =	ssub.s32 $0x0, s20;
	[sflag:s22] =	ssyncset.done $0x0  }
0xa6: {  	[sflag:s22] =	ssyncadd.s32 s5;
	_ =	sdelay $0x1  }
0xa7: {  	s23 =	simm.s32 $0x1B8B  }
0xa8: {  	_ =	swait.ge [sflag:s23], $0x1  }
0xa9: {  	[sflag:s23] =	ssyncset.done $0x0  }
0xaa: {  	s25 =	simm.s32 $0x1B8E;
	s24 =	sld [smem:$0x3FFE];
	[sflag:s23] =	ssyncadd.s32 $0xFFFFFFFF  }
0xab: {  	s26 =	simm.s32 $execute0_lowered;
	[smem:$0x3FD2] =	sst s25  }
0xac: {  	s6 =	sshll.u32 s26, $0x1;
	_ =	strace $0x8000004C;
	[dreg:$0x1] =	wrdreg $0xFFFFFFFF  }
0xad: {  	s28 =	simm.s32 $_size_execute0_lowered;
	s4 =	sadd.s32 s4, s6;
	[dreg:$0x0] =	wrdreg $0x0  }
0xae: {  	s6 =	sshll.u32 s28, $0x1;
	[dreg:$0x2] =	wrdreg s4  }
0xaf: {  	[dreg:$0x3] =	wrdreg s6  }
0xb0: {  	[dreg:$0x4] =	wrdreg $0xC0  }
0xb1: {  	_ =	task [dreg:s8], $0x5FFFF  }
0xb2: {  	[dreg:$0x1] =	wrdreg $0xFFFFFFFF  }
0xb3: {  	[dreg:$0x0] =	wrdreg $0x60  }
0xb4: {  	[dreg:$0x2] =	wrdreg s24  }
0xb5: {  	[dreg:$0x3] =	wrdreg s16  }
0xb6: {  	[dreg:$0x4] =	wrdreg s17  }
0xb7: {  	[dreg:$0x5] =	wrdreg $0x91000  }
0xb8: {  	[dreg:$0x6] =	wrdreg $0x9  }
0xb9: {  	_ =	task.clear_ibuf [dreg:s8], $0x7FFFF;
	_ =	strace $0x9000004C  }
0xba: {  	s29 =	simm.s32 $0x9;
	_ =	strace $0x8000004E  }
0xbb: {  	_ =	swait.ge [sflag:s29], $0x1  }
0xbc: {  	[sflag:s29] =	ssyncadd.s32 $0xFFFFFFFF  }
0xbd: {  	_ =	strace $0x9000004E  }
0xbe: {  	_ =	sfence  }
0xbf: {  	s30 =	sld [smem:$0x0];
	_ =	sdelay $0x2  }
0xc0: {  	s31 =	sshll.u32 s1, $0xD;
	s1 =	sshrl.u32 s1, $0x2  }
0xc1: {  	s3 =	sand.u32 $0x4000, s31;
	s1 =	sadd.s32 s1, s30  }
0xc2: {  	s0 =	sor.u32 s3, s0;
	s1 =	sshll.u32 s1, $0x11  }
0xc3: {  	s0 =	sor.u32 s1, s0  }
0xc4: {  	s0 =	sadd.s32 $0x8F2B, s0  }
0xc5: {  	[sflag:s0] =	ssyncadd.remote.s32 $0x1  }
0xc6: {  	_ =	sfence.sel $0xFFFF  }
0xc7: {  	[dreg:$0x0] =	wrdreg $0xFFFFFFFF;
	(pc) =	sbr.abs _section_cstart, $3  }
0xc8: {  	[dreg:$0x1] =	wrdreg $0xFFFFFFFF  }
0xc9: {  	_ =	task.clear_ibuf [dreg:s8], $0x2FFFF;
	_ =	strace $0x9FFFFFFF  }
0xca: {  	(tm) =	ssettm $0x7FFFFFFF  }
0xcb: {  	_ =	shalt  }
tec
execute0_lowered:
.L_overlay_start_1:
0x0: {  	(tag) =	ssettag $0x1  }
0x1: {  	s0 =	rddreg [dreg:$0x0]  }
0x2: {  	s4 =	rddreg [dreg:$0x1]  }
0x3: {  	s1 =	rddreg [dreg:$0x2]  }
0x4: {  	s2 =	rddreg [dreg:$0x3];
	s3 =	simm.s32 $0x0  }
0x5: {  	s5 =	srdreg.scid;
	s12 =	stileid.u32;
	s28 =	simm.s32 $0x4100  }
0x6: {  	s29 =	simm.s32 $0x2;
	s30 =	simm.s32 $0x3;
	s31 =	simm.s32 $0x4  }
0x7: {  	[smem:$0x7FF] =	sst s3;
	s6 =	sand.u32 $0x1, s5;
	s7 =	sadd.s32 $0x29600, s0  }
0x8: {  	s9 =	sshll.u32 s12, $0xF;
	s11 =	smul.u32 $0x14000, s12;
	_ =	strace $0x8000004D  }
0x9: {  	s5 =	ssub.s32 $0x2, s6;
	s10 =	sshll.u32 s6, $0xE;
	s6 =	smul.u32 $0x140000, s6  }
0xa: {  	s8 =	sshrl.u32 s5, $0x1;
	s13 =	sadd.s32 $0x7800, s11;
	s15 =	sadd.s32 $0xA000, s11  }
0xb: {  	s22 =	sadd.s32 $0xC800, s11;
	s23 =	sadd.s32 $0xF000, s11;
	s8 =	ssub.s32 s5, s8  }
0xc: {  	s5 =	sor.u32 s10, s9;
	s9 =	smul.u32 $0x50000, s12;
	s10 =	sor.u32 $0x2800, s11  }
0xd: {  	s12 =	sadd.s32 $0x5000, s11;
	s14 =	sadd.s32 s11, s6;
	s11 =	sadd.s32 $0x11800, s11  }
0xe: {  	s24 =	sadd.s32 s6, s13;
	s17 =	sadd.s32 s6, s15;
	s18 =	sadd.s32 s6, s22  }
0xf: {  	s19 =	sadd.s32 s6, s23;
	s22 =	sadd.s32 s22, s2;
	s23 =	sadd.s32 s23, s2  }
0x10: {  	s16 =	sadd.s32 s6, s10;
	s14 =	sshrl.u32 s14, $0x3;
	s21 =	sadd.s32 s6, s12  }
0x11: {  	s25 =	sshrl.u32 s24, $0x3;
	s26 =	sshrl.u32 s17, $0x3;
	s6 =	sadd.s32 s6, s11  }
0x12: {  	s16 =	sshrl.u32 s16, $0x3;
	s14 =	sadd.s32 s7, s14;
	s17 =	sadd.s32 s7, s26  }
0x13: {  	s6 =	sshrl.u32 s6, $0x3;
	[dreg:$0x5] =	wrdreg s14;
	s20 =	sadd.s32 s7, s16  }
0x14: {  	s14 =	sshrl.u32 s21, $0x3;
	[dreg:$0x9] =	wrdreg s17;
	s6 =	sadd.s32 s7, s6  }
0x15: {  	s21 =	sshrl.u32 s5, $0x3;
	[dreg:$0x6] =	wrdreg s20;
	s14 =	sadd.s32 s7, s14  }
0x16: {  	s20 =	sshrl.u32 s19, $0x3;
	[dreg:$0xc] =	wrdreg s6;
	s24 =	sadd.s32 s4, s21  }
0x17: {  	s26 =	sadd.s32 s1, s21;
	s19 =	sadd.s32 s12, s2;
	s21 =	sadd.s32 s15, s2  }
0x18: {  	s4 =	simm.s32 $0x6900;
	s6 =	simm.s32 $0x4080;
	[dreg:$0x7] =	wrdreg s14  }
0x19: {  	s14 =	sadd.s32 s7, s25;
	[dreg:$0xd] =	wrdreg s24;
	s25 =	sshrl.u32 s9, $0x2  }
0x1a: {  	[dreg:$0xe] =	wrdreg s26;
	s24 =	sadd.s32 s11, s2;
	s26 =	simm.s32 $0x4000  }
0x1b: {  	s9 =	simm.s32 $0x0;
	[dreg:$0x8] =	wrdreg s14;
	s14 =	sshrl.u32 s18, $0x3  }
0x1c: {  	s17 =	sadd.s32 s25, s2;
	s18 =	sadd.s32 s10, s2;
	s14 =	sadd.s32 s7, s14  }
0x1d: {  	s25 =	smax.u32 s8, $0x1;
	s8 =	simm.s32 $0x5;
	[dreg:$0xa] =	wrdreg s14  }
0x1e: {  	s14 =	sadd.s32 s7, s20;
	s20 =	sadd.s32 s13, s2;
	s7 =	simm.s32 $0x1  }
0x1f: {  	v0 =	vimm.f32 $0.0e+00;
	[dreg:$0xb] =	wrdreg s14;
	s14 =	sadd.s32 $0x2400, s0;
	s0 =	simm.s32 $0x50  }
.LBB2_1:
0x20: {  	s10 =	rddreg [dreg:$0xd];
	s16 =	sand.u32 $0xFE00, s3  }
0x21: {  	[tilespmem:s3], [sflag:$0x3] =	stream.linear.gather [hbm4b:s10+s3], $0x3E80, $0x38;
	[tilespmem:$0x1D100] =	vst v63  }
0x22: {  	s15 =	rddreg [dreg:$0xe];
	s11 =	sand.u32 $0x70, s3;
	s12 =	sshrl.u32 s16, $0x2  }
0x23: {  	s10 =	simm.s32 $0x40;
	s12 =	sor.u32 s11, s12;
	s11 =	simm.s32 $0x0  }
0x24: {  	[tilespmem:s26], [sflag:$0x4] =	stream.linear.gather [hbm4b:s15+s3], $0x80, $0x38;
	[tilespmem:$0x1D100] =	vst v63  }
.LBB2_2:
0x25: {  	p0 =	sne.s32 s10, $0x9FC0  }
0x26: {  	[tilespmem:s12+$0x4100] =	vst v0;
	s11 =	sadd.s32 $0x10, s11;
	s12 =	smov.u32 s10;
	s10 =	sadd.s32 $0x40, s10  }
.Ltmp0:
0x27: {  	(pc) =	sbr.rel @p0 .LBB2_2-.Ltmp0, $4  }
0x28: {  	_ = 	snop  }
0x29: {  	s12 =	sand.u32 $0xFE00, s12  }
0x2a: {  	s13 =	sand.u32 $0x70, s11;
	s12 =	sshrl.u32 s12, $0x2  }
0x2b: {  	s12 =	sor.u32 s13, s12  }
0x2c: {  	[tilespmem:s12+$0x4100] =	vst v0  }
0x2d: {  	[spmem:s17] =	stream.linear.scatter [tilespmem:s28], [sflag:$0x2], $0x2800, $0x38;
	[tilespmem:$0x1D100] =	vst v63  }
0x2e: {  	_ = 	snop  }
0x2f: {  	[spmem:s18] =	stream.linear.scatter [tilespmem:s28], [sflag:$0x2], $0x2800, $0x38;
	[tilespmem:$0x1D100] =	vst v63  }
0x30: {  	_ = 	snop  }
0x31: {  	[spmem:s19] =	stream.linear.scatter [tilespmem:s28], [sflag:$0x2], $0x2800, $0x38;
	[tilespmem:$0x1D100] =	vst v63  }
0x32: {  	_ = 	snop  }
0x33: {  	[spmem:s20] =	stream.linear.scatter [tilespmem:s28], [sflag:$0x2], $0x2800, $0x38;
	[tilespmem:$0x1D100] =	vst v63  }
0x34: {  	_ = 	snop  }
0x35: {  	[spmem:s21] =	stream.linear.scatter [tilespmem:s28], [sflag:$0x2], $0x2800, $0x38;
	[tilespmem:$0x1D100] =	vst v63  }
0x36: {  	_ = 	snop  }
0x37: {  	[spmem:s22] =	stream.linear.scatter [tilespmem:s28], [sflag:$0x2], $0x2800, $0x38;
	[tilespmem:$0x1D100] =	vst v63  }
0x38: {  	_ = 	snop  }
0x39: {  	[spmem:s23] =	stream.linear.scatter [tilespmem:s28], [sflag:$0x2], $0x2800, $0x38;
	[tilespmem:$0x1D100] =	vst v63  }
0x3a: {  	_ = 	snop  }
0x3b: {  	[spmem:s24] =	stream.linear.scatter [tilespmem:s28], [sflag:$0x2], $0x2800, $0x38;
	[tilespmem:$0x1D100] =	vst v63  }
0x3c: {  	_ =	swait.ge [sflag:s29], $0x2800  }
0x3d: {  	[sflag:s29] =	ssyncset.done $0x0  }
0x3e: {  	[sflag:s29] =	ssyncadd.s32 $0xFFFFD800  }
0x3f: {  	_ =	swait.ge [sflag:s29], $0x2800  }
0x40: {  	[sflag:s29] =	ssyncset.done $0x0  }
0x41: {  	[sflag:s29] =	ssyncadd.s32 $0xFFFFD800  }
0x42: {  	_ =	swait.ge [sflag:s29], $0x2800  }
0x43: {  	[sflag:s29] =	ssyncset.done $0x0  }
0x44: {  	[sflag:s29] =	ssyncadd.s32 $0xFFFFD800  }
0x45: {  	_ =	swait.ge [sflag:s29], $0x2800  }
0x46: {  	[sflag:s29] =	ssyncset.done $0x0  }
0x47: {  	[sflag:s29] =	ssyncadd.s32 $0xFFFFD800  }
0x48: {  	_ =	swait.ge [sflag:s29], $0x2800  }
0x49: {  	[sflag:s29] =	ssyncset.done $0x0  }
0x4a: {  	[sflag:s29] =	ssyncadd.s32 $0xFFFFD800  }
0x4b: {  	_ =	swait.ge [sflag:s29], $0x2800  }
0x4c: {  	[sflag:s29] =	ssyncset.done $0x0  }
0x4d: {  	[sflag:s29] =	ssyncadd.s32 $0xFFFFD800  }
0x4e: {  	_ =	swait.ge [sflag:s29], $0x2800  }
0x4f: {  	[sflag:s29] =	ssyncset.done $0x0  }
0x50: {  	[sflag:s29] =	ssyncadd.s32 $0xFFFFD800  }
0x51: {  	_ =	swait.ge [sflag:s29], $0x2800  }
0x52: {  	[sflag:s29] =	ssyncset.done $0x0  }
0x53: {  	[sflag:s29] =	ssyncadd.s32 $0xFFFFD800  }
0x54: {  	_ =	swait.ge [sflag:s30], $0x3E80  }
0x55: {  	[sflag:s30] =	ssyncset.done $0x0  }
0x56: {  	s10 =	simm.s32 $0x80;
	s11 =	simm.s32 $0x0;
	[sflag:s30] =	ssyncadd.s32 $0xFFFFC180  }
0x57: {  	s10 =	sand.u32 $0x380, s10;
	s11 =	sand.u32 $0x3C00, s11;
	_ =	swait.ge [sflag:s31], $0x80  }
0x58: {  	s10 =	sor.u32 s10, s11;
	[sflag:s31] =	ssyncset.done $0x0  }
0x59: {  	s10 =	sor.u32 s5, s10;
	[sflag:s31] =	ssyncadd.s32 $0xFFFFFF80  }
0x5a: {  	[tilespmem:s28], [sflag:$0x1] =	stream.indirect.gather [hbm4b:s14+s0], $0x80, s3, s0, $0xb8;
	[tilespmem:$0x1D100] =	vst v63  }
0x5b: {  	s16 =	simm.s32 $0x80;
	s10 =	sshrl.u32 s10, $0x3;
	[bflag:$0x0] =	sbarrier.arrive $0xFFFF  }
0x5c: {  	[tilespmem:s4], [sflag:$0x2] =	stream.indirect.gather [hbm4b:s14+s0], $0x80, s16, s0, $0xb8;
	[tilespmem:$0x1D100] =	vst v63  }
0x5d: {  	s10 =	sadd.s32 s1, s10  }
0x5e: {  	[tilespmem:s6], [sflag:$0x4] =	stream.linear.gather [hbm4b:s10+s3], $0x80, $0x38;
	[tilespmem:$0x1D100] =	vst v63  }
0x5f: {  	_ =	swait.ge [sflag:s7], $0x2800  }
0x60: {  	s12 =	simm.s32 $0x100;
	[sflag:s7] =	ssyncset.done $0x0  }
0x61: {  	s13 =	sand.u32 $0x7C00, s12;
	[sflag:s7] =	ssyncadd.s32 $0xFFFFD800  }
0x62: {  	[spmem:s2] =	stream.indirect.scatter.add.f32 [tilespmem:s28], [sflag:$0x5], $0x80, s26, s0, $0xb8;
	[tilespmem:$0x1D100] =	vst v63  }
0x63: {  	s11 =	sadd.s32 s5, s13;
	s10 =	sand.u32 $0x300, s12;
	_ =	swait.ge [sflag:s8], $0x2800  }
0x64: {  	s10 =	sor.u32 s10, s11;
	[sflag:s8] =	ssyncset.done $0x0  }
0x65: {  	s15 =	simm.s32 $0x100;
	s10 =	sshrl.u32 s10, $0x3;
	[sflag:s8] =	ssyncadd.s32 $0xFFFFD800  }
0x66: {  	[tilespmem:s28], [sflag:$0x1] =	stream.indirect.gather [hbm4b:s14+s0], $0x80, s15, s0, $0xb8;
	[tilespmem:$0x1D100] =	vst v63  }
0x67: {  	s10 =	sadd.s32 s1, s10  }
0x68: {  	[tilespmem:s26], [sflag:$0x3] =	stream.linear.gather [hbm4b:s10+s3], $0x80, $0x38;
	[tilespmem:$0x1D100] =	vst v63  }
0x69: {  	_ =	swait.ge [sflag:s29], $0x2800  }
0x6a: {  	[sflag:s29] =	ssyncset.done $0x0  }
0x6b: {  	[sflag:s29] =	ssyncadd.s32 $0xFFFFD800  }
0x6c: {  	_ =	swait.ge [sflag:s31], $0x80  }
0x6d: {  	[sflag:s31] =	ssyncset.done $0x0  }
0x6e: {  	s13 =	simm.s32 $0x100;
	s16 =	simm.s32 $0x180;
	[sflag:s31] =	ssyncadd.s32 $0xFFFFFF80  }
0x6f: {  	[spmem:s2] =	stream.indirect.scatter.add.f32 [tilespmem:s4], [sflag:$0x5], $0x80, s6, s0, $0xb8;
	[tilespmem:$0x1D100] =	vst v63  }
0x70: {  	s13 =	sand.u32 $0x3C00, s13;
	s11 =	sand.u32 $0x380, s16;
	_ =	swait.ge [sflag:s8], $0x2800  }
0x71: {  	s12 =	simm.s32 $0x300;
	s15 =	sor.u32 s11, s13;
	[sflag:s8] =	ssyncset.done $0x0  }
0x72: {  	s11 =	simm.s32 $0x180;
	s10 =	simm.s32 $0x200;
	[sflag:s8] =	ssyncadd.s32 $0xFFFFD800  }
.LBB2_4:
0x73: {  	s15 =	sor.u32 s5, s15  }
0x74: {  	_ =	swait.ge [sflag:s30], $0x80;
	s16 =	smov.u32 s12;
	s13 =	sadd.s32 $0x100, s12  }
0x75: {  	p0 =	sne.s32 s12, $0x3E00;
	s12 =	sshrl.u32 s15, $0x3;
	[sflag:s30] =	ssyncset.done $0x0  }
0x76: {  	s12 =	sadd.s32 s1, s12;
	[sflag:s30] =	ssyncadd.s32 $0xFFFFFF80  }
0x77: {  	[tilespmem:s4], [sflag:$0x2] =	stream.indirect.gather [hbm4b:s14+s0], $0x80, s11, s0, $0xb8;
	[tilespmem:$0x1D100] =	vst v63  }
0x78: {  	_ = 	snop  }
0x79: {  	[tilespmem:s6], [sflag:$0x4] =	stream.linear.gather [hbm4b:s12+s3], $0x80, $0x38;
	[tilespmem:$0x1D100] =	vst v63  }
0x7a: {  	_ =	swait.ge [sflag:s7], $0x2800  }
0x7b: {  	[sflag:s7] =	ssyncset.done $0x0  }
0x7c: {  	s12 =	sand.u32 $0x7C00, s10;
	[sflag:s7] =	ssyncadd.s32 $0xFFFFD800  }
0x7d: {  	[spmem:s2] =	stream.indirect.scatter.add.f32 [tilespmem:s28], [sflag:$0x5], $0x80, s26, s0, $0xb8;
	[tilespmem:$0x1D100] =	vst v63  }
0x7e: {  	s10 =	sand.u32 $0x300, s10;
	s12 =	sadd.s32 s5, s12;
	_ =	swait.ge [sflag:s8], $0x2800  }
0x7f: {  	s12 =	sor.u32 s10, s12;
	s10 =	smov.u32 s16;
	[sflag:s8] =	ssyncset.done $0x0  }
0x80: {  	s15 =	sadd.s32 $0x80, s11;
	s12 =	sshrl.u32 s12, $0x3;
	[sflag:s8] =	ssyncadd.s32 $0xFFFFD800  }
0x81: {  	[tilespmem:s28], [sflag:$0x1] =	stream.indirect.gather [hbm4b:s14+s0], $0x80, s15, s0, $0xb8;
	[tilespmem:$0x1D100] =	vst v63  }
0x82: {  	s12 =	sadd.s32 s1, s12  }
0x83: {  	[tilespmem:s26], [sflag:$0x3] =	stream.linear.gather [hbm4b:s12+s3], $0x80, $0x38;
	[tilespmem:$0x1D100] =	vst v63  }
0x84: {  	_ =	swait.ge [sflag:s29], $0x2800  }
0x85: {  	[sflag:s29] =	ssyncset.done $0x0  }
0x86: {  	[sflag:s29] =	ssyncadd.s32 $0xFFFFD800  }
0x87: {  	_ =	swait.ge [sflag:s31], $0x80  }
0x88: {  	[sflag:s31] =	ssyncset.done $0x0  }
.Ltmp1:
0x89: {  	s11 =	sadd.s32 $0x100, s11;
	[sflag:s31] =	ssyncadd.s32 $0xFFFFFF80;
	(pc) =	sbr.rel @p0 .LBB2_4-.Ltmp1, $4  }
0x8a: {  	[spmem:s2] =	stream.indirect.scatter.add.f32 [tilespmem:s4], [sflag:$0x5], $0x80, s6, s0, $0xb8;
	[tilespmem:$0x1D100] =	vst v63  }
0x8b: {  	s15 =	sadd.s32 $0xFFFFFF00, s10;
	s12 =	sadd.s32 $0xFFFFFF80, s10;
	_ =	swait.ge [sflag:s8], $0x2800  }
0x8c: {  	s15 =	sand.u32 $0x3C00, s15;
	s12 =	sand.u32 $0x380, s12;
	[sflag:s8] =	ssyncset.done $0x0  }
0x8d: {  	s15 =	sor.u32 s12, s15;
	s12 =	smov.u32 s13;
	[sflag:s8] =	ssyncadd.s32 $0xFFFFD800  }
0x8e: {  	_ =	swait.ge [sflag:s30], $0x80  }
0x8f: {  	s12 =	sor.u32 s5, s15;
	[sflag:s30] =	ssyncset.done $0x0  }
0x90: {  	s12 =	sshrl.u32 s12, $0x3;
	[sflag:s30] =	ssyncadd.s32 $0xFFFFFF80  }
0x91: {  	[tilespmem:s4], [sflag:$0x2] =	stream.indirect.gather [hbm4b:s14+s0], $0x80, s11, s0, $0xb8;
	[tilespmem:$0x1D100] =	vst v63  }
0x92: {  	s12 =	sadd.s32 s1, s12  }
0x93: {  	[tilespmem:s6], [sflag:$0x4] =	stream.linear.gather [hbm4b:s12+s3], $0x80, $0x38;
	[tilespmem:$0x1D100] =	vst v63  }
0x94: {  	_ =	swait.ge [sflag:s7], $0x2800  }
0x95: {  	[sflag:s7] =	ssyncset.done $0x0  }
0x96: {  	s13 =	sand.u32 $0x7C00, s10;
	[sflag:s7] =	ssyncadd.s32 $0xFFFFD800  }
0x97: {  	[spmem:s2] =	stream.indirect.scatter.add.f32 [tilespmem:s28], [sflag:$0x5], $0x80, s26, s0, $0xb8;
	[tilespmem:$0x1D100] =	vst v63  }
0x98: {  	s15 =	sand.u32 $0x300, s10;
	s12 =	sadd.s32 s5, s13;
	_ =	swait.ge [sflag:s8], $0x2800  }
0x99: {  	s10 =	sor.u32 s15, s12;
	[sflag:s8] =	ssyncset.done $0x0  }
0x9a: {  	s16 =	sadd.s32 $0x80, s11;
	s10 =	sshrl.u32 s10, $0x3;
	[sflag:s8] =	ssyncadd.s32 $0xFFFFD800  }
0x9b: {  	[tilespmem:s28], [sflag:$0x1] =	stream.indirect.gather [hbm4b:s14+s0], $0x80, s16, s0, $0xb8;
	[tilespmem:$0x1D100] =	vst v63  }
0x9c: {  	s10 =	sadd.s32 s1, s10  }
0x9d: {  	[tilespmem:s26], [sflag:$0x3] =	stream.linear.gather [hbm4b:s10+s3], $0x80, $0x38;
	[tilespmem:$0x1D100] =	vst v63  }
0x9e: {  	_ =	swait.ge [sflag:s29], $0x2800  }
0x9f: {  	[sflag:s29] =	ssyncset.done $0x0  }
0xa0: {  	[sflag:s29] =	ssyncadd.s32 $0xFFFFD800  }
0xa1: {  	_ =	swait.ge [sflag:s31], $0x80  }
0xa2: {  	[sflag:s31] =	ssyncset.done $0x0  }
0xa3: {  	[sflag:s31] =	ssyncadd.s32 $0xFFFFFF80  }
0xa4: {  	[spmem:s2] =	stream.indirect.scatter.add.f32 [tilespmem:s4], [sflag:$0x5], $0x80, s6, s0, $0xb8;
	[tilespmem:$0x1D100] =	vst v63  }
0xa5: {  	_ =	swait.ge [sflag:s8], $0x2800  }
0xa6: {  	[sflag:s8] =	ssyncset.done $0x0  }
0xa7: {  	[sflag:s8] =	ssyncadd.s32 $0xFFFFD800  }
0xa8: {  	_ =	swait.ge [sflag:s30], $0x80  }
0xa9: {  	[sflag:s30] =	ssyncset.done $0x0  }
0xaa: {  	[sflag:s30] =	ssyncadd.s32 $0xFFFFFF80  }
0xab: {  	_ =	swait.ge [sflag:s7], $0x2800  }
0xac: {  	[sflag:s7] =	ssyncset.done $0x0  }
0xad: {  	[sflag:s7] =	ssyncadd.s32 $0xFFFFD800  }
0xae: {  	[spmem:s2] =	stream.indirect.scatter.add.f32 [tilespmem:s28], [sflag:$0x5], $0x80, s26, s0, $0xb8;
	[tilespmem:$0x1D100] =	vst v63  }
0xaf: {  	_ =	swait.ge [sflag:s8], $0x2800  }
0xb0: {  	[sflag:s8] =	ssyncset.done $0x0  }
0xb1: {  	s12 =	stileid.u32;
	[sflag:s8] =	ssyncadd.s32 $0xFFFFD800  }
0xb2: {  	s10 =	sshll.u32 s12, $0x6;
	[bflag:$0x0] =	sbarrier.arrive $0xFFFF  }
0xb3: {  	s13 =	sshrl.u32 s17, $0x3;
	s10 =	sor.u32 $0x1C01, s10;
	s15 =	rddreg [dreg:$0x5]  }
0xb4: {  	[hbm:s15], [sflag:s10] =	dma.local [spmem:s13], $0x500  }
0xb5: {  	s16 =	sshrl.u32 s18, $0x3;
	s12 =	rddreg [dreg:$0x6]  }
0xb6: {  	[hbm:s12], [sflag:s10] =	dma.local [spmem:s16], $0x500  }
0xb7: {  	s13 =	sshrl.u32 s19, $0x3;
	s12 =	rddreg [dreg:$0x7]  }
0xb8: {  	[hbm:s12], [sflag:s10] =	dma.local [spmem:s13], $0x500  }
0xb9: {  	s15 =	sshrl.u32 s20, $0x3;
	s12 =	rddreg [dreg:$0x8]  }
0xba: {  	[hbm:s12], [sflag:s10] =	dma.local [spmem:s15], $0x500  }
0xbb: {  	s16 =	sshrl.u32 s21, $0x3;
	s12 =	rddreg [dreg:$0x9]  }
0xbc: {  	[hbm:s12], [sflag:s10] =	dma.local [spmem:s16], $0x500  }
0xbd: {  	s13 =	sshrl.u32 s22, $0x3;
	s12 =	rddreg [dreg:$0xa]  }
0xbe: {  	[hbm:s12], [sflag:s10] =	dma.local [spmem:s13], $0x500  }
0xbf: {  	s15 =	sshrl.u32 s23, $0x3;
	s12 =	rddreg [dreg:$0xb]  }
0xc0: {  	[hbm:s12], [sflag:s10] =	dma.local [spmem:s15], $0x500  }
0xc1: {  	s16 =	sshrl.u32 s24, $0x3;
	s12 =	rddreg [dreg:$0xc]  }
0xc2: {  	[hbm:s12], [sflag:s10] =	dma.local [spmem:s16], $0x500  }
0xc3: {  	_ =	swait.ge [sflag:s7], $0x500  }
0xc4: {  	[sflag:s7] =	ssyncset.done $0x0  }
0xc5: {  	[sflag:s7] =	ssyncadd.s32 $0xFFFFFB00  }
0xc6: {  	_ =	swait.ge [sflag:s7], $0x500  }
0xc7: {  	[sflag:s7] =	ssyncset.done $0x0  }
0xc8: {  	[sflag:s7] =	ssyncadd.s32 $0xFFFFFB00  }
0xc9: {  	_ =	swait.ge [sflag:s7], $0x500  }
0xca: {  	[sflag:s7] =	ssyncset.done $0x0  }
0xcb: {  	[sflag:s7] =	ssyncadd.s32 $0xFFFFFB00  }
0xcc: {  	_ =	swait.ge [sflag:s7], $0x500  }
0xcd: {  	[sflag:s7] =	ssyncset.done $0x0  }
0xce: {  	[sflag:s7] =	ssyncadd.s32 $0xFFFFFB00  }
0xcf: {  	_ =	swait.ge [sflag:s7], $0x500  }
0xd0: {  	[sflag:s7] =	ssyncset.done $0x0  }
0xd1: {  	[sflag:s7] =	ssyncadd.s32 $0xFFFFFB00  }
0xd2: {  	_ =	swait.ge [sflag:s7], $0x500  }
0xd3: {  	[sflag:s7] =	ssyncset.done $0x0  }
0xd4: {  	s9 =	sadd.s32 $0x1, s9;
	[sflag:s7] =	ssyncadd.s32 $0xFFFFFB00  }
0xd5: {  	p0 =	sne.s32 s9, s25;
	_ =	swait.ge [sflag:s7], $0x500  }
.Ltmp2:
0xd6: {  	[sflag:s7] =	ssyncset.done $0x0;
	(pc) =	sbr.rel @p0 .LBB2_1-.Ltmp2, $4  }
0xd7: {  	[sflag:s7] =	ssyncadd.s32 $0xFFFFFB00  }
0xd8: {  	_ =	swait.ge [sflag:s7], $0x500  }
0xd9: {  	[sflag:s7] =	ssyncset.done $0x0  }
0xda: {  	[sflag:s7] =	ssyncadd.s32 $0xFFFFFB00  }
0xdb: {  	_ =	sfence.sel $0x180000  }
0xdc: {  	[bflag:$0x0] =	sbarrier.arrive $0xFFFF  }
0xdd: {  	_ =	strace $0x9000004D  }
0xde: {  	s0 =	stileid.u32;
	[bflag:$0x2] =	sbarrier.arrive $0xFFFF  }
0xdf: {  	p0 =	sne.s32 s0, $0x0;
	s0 =	rddreg [dreg:$0x4]  }
0xe0: {  	s0 =	sadd.s32 @!p0 $0x100000, s0  }
0xe1: {  	[sflag:s0] =	ssyncadd.tile.s32 @!p0 $0x1;
	_ =	shalt  }
.Lfunc_end2:
_tile_overlayer_lowered:
.L_overlay_start_2:
0xe2: {  	(tag) =	ssettag $0x2  }
0xe3: {  	s0 =	rddreg [dreg:$0x0];
	s2 =	stileid.u32  }
0xe4: {  	s1 =	rddreg [dreg:$0x1];
	p0 =	sne.s32 s2, $0x0  }
0xe5: {  	s3 =	rddreg [dreg:$0x2];
	[bflag:$0x3] =	sbarrier.arrive $0xFFFF;
	s2 =	simm.s32 @!p0 $0x1C05  }
0xe6: {  	[timem:s3], [sflag:s2] =	dma.local @!p0 [hbm:s0], s1  }
0xe7: {  	s0 =	simm.s32 @!p0 $0x5  }
0xe8: {  	_ =	swait.ge @!p0 [sflag:s0], s1  }
0xe9: {  	s1 =	ssub.s32 @!p0 $0x0, s1;
	[sflag:s0] =	ssyncset.done @!p0 $0x0  }
0xea: {  	[sflag:s0] =	ssyncadd.s32 @!p0 s1  }
0xeb: {  	[bflag:$0x3] =	sbarrier.arrive $0xFFFF  }
0xec: {  	_ =	shalt  }

// kernel: kernel.8.cloned.1.call-start
scs
__scs_entry_jumppad:
0x0: {  	(pc) =	sbr.rel $0x88, $3  }
0x1: {  	(tag) =	ssettag $0x0;
	lr =	simm.s32 $0x1  }
0x2: {  	[smem:$0x3F99] =	sst lr;
	_ =	strace $0xD0000000  }
0x3: {  	_ = 	snop  }
0x4: {  	_ = 	snop  }
0x5: {  	_ = 	snop  }
0x6: {  	_ = 	snop  }
0x7: {  	_ = 	snop  }
__scs_overlays_trampoline_lowered:
0x8: {  	[smem:$0x3FA8] =	sst s0  }
0x9: {  	[smem:$0x3FA9] =	sst s1  }
0xa: {  	[smem:$0x3FAA] =	sst s2  }
0xb: {  	[smem:$0x3FAB] =	sst s3  }
0xc: {  	[smem:$0x3FAC] =	sst s4  }
0xd: {  	[smem:$0x3FAD] =	sst s5  }
0xe: {  	[smem:$0x3FAE] =	sst s6  }
0xf: {  	[smem:$0x3FAF] =	sst s7  }
0x10: {  	[smem:$0x3FB0] =	sst s8  }
0x11: {  	[smem:$0x3FB1] =	sst s9;
	s0 =	simm.s32 @!p0 $0x0  }
0x12: {  	s1 =	sld [smem:$0x3F97];
	s0 =	simm.s32 @p0 $0x1  }
0x13: {  	[smem:$0x3FB2] =	sst s0;
	s0 =	simm.s32 @!p1 $0x0  }
0x14: {  	s2 =	sld [smem:$0x3F96];
	s0 =	simm.s32 @p1 $0x1  }
0x15: {  	[smem:$0x3FB3] =	sst s0;
	s0 =	simm.s32 @!p2 $0x0  }
0x16: {  	s3 =	sld [smem:$0x3FDB];
	s0 =	simm.s32 @p2 $0x1  }
0x17: {  	s4 =	simm.s32 $0x1BF5;
	[smem:$0x3FB5] =	sst s0  }
0x18: {  	s0 =	sld [smem:$0x3F98];
	_ =	swait.ge [sflag:s4], $0x0  }
0x19: {  	s7 =	sld [smem:$0x3F99]  }
0x1a: {  	s8 =	sadd.s32 $0xFFFFE003, lr  }
0x1b: {  	s9 =	sadd.s32 $0xFFFFFEF7, lr;
	s5 =	simm.s32 $0xFFFFFFFF;
	p2 =	slt.u32 s8, $0xFFFFF086  }
0x1c: {  	p1 =	slt.u32 s9, $0xF7A;
	s5 =	simm.s32 @!p2 $0x0  }
0x1d: {  	s5 =	simm.s32 @p1 $0x1;
	p0 =	seq.s32 s7, s2  }
0x1e: {  	s7 =	smul.u32 @!p0 $0xF7A, s2;
	p2 =	seq.s32 @!p0 s5, $0x0  }
0x1f: {  	s9 =	smul.u32 $0xF7A, s1;
	s8 =	simm.s32 @!p0 $0x1BF5;
	p2 =	por !p2, p0  }
0x20: {  	[sflag:s8] =	ssyncset.s32 @!p0 $0xFFFFF086;
	s6 =	sadd.s32 @!p0 s3, s7;
	s7 =	simm.s32 @!p0 $0x108  }
0x21: {  	s3 =	sadd.s32 s3, s9;
	s6 =	sadd.s32 @!p0 $0x88, s6;
	s7 =	simm.s32 @p2 $0x1082  }
0x22: {  	[simem:s7], [sflag:s8] =	dma.local @!p0 [hbm:s6], $0xF7A  }
0x23: {  	s9 =	sor.u32 $0xD0000000, s2;
	s6 =	simm.s32 $0x108;
	_ =	swait.ge @!p0 [sflag:s8], $0x0  }
0x24: {  	s3 =	sadd.s32 $0x88, s3;
	s6 =	simm.s32 @!p1 $0x1082;
	[sflag:s4] =	ssyncset.s32 $0xFFFFF086  }
0x25: {  	[simem:s6], [sflag:s4] =	dma.local [hbm:s3], $0xF7A  }
0x26: {  	[smem:$0x3F99] =	sst s1;
	(tag) =	ssettag s2;
	_ =	strace s9  }
0x27: {  	s1 =	sld [smem:$0x3FA9]  }
0x28: {  	s2 =	sld [smem:$0x3FAA]  }
0x29: {  	s4 =	sld [smem:$0x3FAC]  }
0x2a: {  	p0 =	seq.s32 s5, $0x0;
	s5 =	sld [smem:$0x3FAD]  }
0x2b: {  	s6 =	sld [smem:$0x3FAE]  }
0x2c: {  	s7 =	sld [smem:$0x3FAF]  }
0x2d: {  	s3 =	simm.s32 $0x108;
	s8 =	sld [smem:$0x3FB0]  }
0x2e: {  	s3 =	simm.s32 @!p0 $0x1082;
	s9 =	sld [smem:$0x3FB1]  }
0x2f: {  	lr =	sadd.s32 s0, s3;
	s0 =	sld [smem:$0x3FA8]  }
0x30: {  	s3 =	sld [smem:$0x3FAB]  }
0x31: {  	[smem:$0x3FB4] =	sst s10  }
0x32: {  	s10 =	sld [smem:$0x3FB2];
	_ =	sdelay $0x3  }
0x33: {  	p0 =	seq.s32 s10, $0x1;
	s10 =	sld [smem:$0x3FB4];
	_ =	sdelay $0x3  }
0x34: {  	[smem:$0x3FB4] =	sst s10  }
0x35: {  	s10 =	sld [smem:$0x3FB3];
	_ =	sdelay $0x3  }
0x36: {  	p1 =	seq.s32 s10, $0x1;
	s10 =	sld [smem:$0x3FB4];
	_ =	sdelay $0x3  }
0x37: {  	[smem:$0x3FB4] =	sst s10  }
0x38: {  	s10 =	sld [smem:$0x3FB5]  }
0x39: {  	_ = 	snop;
	(pc) =	sbr.ind lr, $3  }
0x3a: {  	_ = 	snop  }
0x3b: {  	_ = 	snop  }
0x3c: {  	p2 =	seq.s32 s10, $0x1;
	s10 =	sld [smem:$0x3FB4]  }
0x3d: {  	_ =	shalt  }
0x3e: {  	_ =	shalt  }
0x3f: {  	_ =	shalt  }
0x40: {  	_ =	shalt  }
0x41: {  	_ =	shalt  }
0x42: {  	_ =	shalt  }
0x43: {  	_ =	shalt  }
0x44: {  	_ =	shalt  }
0x45: {  	_ =	shalt  }
0x46: {  	_ =	shalt  }
0x47: {  	_ =	shalt  }
0x48: {  	_ =	shalt  }
0x49: {  	_ =	shalt  }
0x4a: {  	_ =	shalt  }
0x4b: {  	_ =	shalt  }
0x4c: {  	_ =	shalt  }
0x4d: {  	_ =	shalt  }
0x4e: {  	_ =	shalt  }
0x4f: {  	_ =	shalt  }
0x50: {  	_ =	shalt  }
0x51: {  	_ =	shalt  }
0x52: {  	_ =	shalt  }
0x53: {  	_ =	shalt  }
0x54: {  	_ =	shalt  }
0x55: {  	_ =	shalt  }
0x56: {  	_ =	shalt  }
0x57: {  	_ =	shalt  }
0x58: {  	_ =	shalt  }
0x59: {  	_ =	shalt  }
0x5a: {  	_ =	shalt  }
0x5b: {  	_ =	shalt  }
0x5c: {  	_ =	shalt  }
0x5d: {  	_ =	shalt  }
0x5e: {  	_ =	shalt  }
0x5f: {  	_ =	shalt  }
0x60: {  	_ =	shalt  }
0x61: {  	_ =	shalt  }
0x62: {  	_ =	shalt  }
0x63: {  	_ =	shalt  }
0x64: {  	_ =	shalt  }
0x65: {  	_ =	shalt  }
0x66: {  	_ =	shalt  }
0x67: {  	_ =	shalt  }
0x68: {  	_ =	shalt  }
0x69: {  	_ =	shalt  }
0x6a: {  	_ =	shalt  }
0x6b: {  	_ =	shalt  }
0x6c: {  	_ =	shalt  }
0x6d: {  	_ =	shalt  }
0x6e: {  	_ =	shalt  }
0x6f: {  	_ =	shalt  }
0x70: {  	_ =	shalt  }
0x71: {  	_ =	shalt  }
0x72: {  	_ =	shalt  }
0x73: {  	_ =	shalt  }
0x74: {  	_ =	shalt  }
0x75: {  	_ =	shalt  }
0x76: {  	_ =	shalt  }
0x77: {  	_ =	shalt  }
0x78: {  	_ =	shalt  }
0x79: {  	_ =	shalt  }
0x7a: {  	_ =	shalt  }
0x7b: {  	_ =	shalt  }
0x7c: {  	_ =	shalt  }
0x7d: {  	_ =	shalt  }
0x7e: {  	_ =	shalt  }
0x7f: {  	_ =	shalt  }
0x80: {  	_ =	shalt  }
0x81: {  	_ =	shalt  }
0x82: {  	_ =	shalt  }
0x83: {  	_ =	shalt  }
0x84: {  	_ =	shalt  }
0x85: {  	_ =	shalt  }
0x86: {  	_ =	shalt  }
0x87: {  	_ =	shalt  }
.Lfunc_end0:
.L_simem_size_0:
called_computation_lowered:
.L_overlay_start_0:
0x88: {  	s2 =	sld [smem:$0x3FD9]  }
0x89: {  	s3 =	sld [smem:$0x3FFE];
	_ =	sdelay $0x1  }
0x8a: {  	s1 =	srdreg.scid  }
0x8b: {  	s0 =	sand.u32 $0x1, s1  }
0x8c: {  	s14 =	sshll.u32 s0, $0xA;
	s2 =	sadd.s32 s3, s2  }
0x8d: {  	s2 =	sadd.s32 s2, s14  }
0x8e: {  	[smem:$0x3FC0] =	sst s2  }
0x8f: {  	_ = 	snop  }
0x90: {  	s2 =	sld [smem:$0x3FD0];
	_ =	sdelay $0x2  }
0x91: {  	s15 =	simm.s32 $0xA;
	s4 =	simm.s32 $0x10  }
0x92: {  	[smem:s4], [sflag:s15] =	dma.local [hbm:s2], $0x1  }
0x93: {  	_ =	swait.eq [sflag:s15], $0x1  }
0x94: {  	[sflag:s15] =	ssyncset.done $0x0  }
0x95: {  	[sflag:s15] =	ssyncadd.s32 $0xFFFFFFFF  }
0x96: {  	s16 =	sld [smem:$0x11];
	(tm) =	ssettm $0x1  }
0x97: {  	s17 =	sld [smem:$0x3FFB];
	_ =	sdelay $0x3  }
0x98: {  	_ =	strace s17  }
0x99: {  	s3 =	sld [smem:$0x3FFC];
	_ =	sdelay $0x3  }
0x9a: {  	_ =	strace s3  }
0x9b: {  	s3 =	sld [smem:$0x3FFD];
	_ =	sdelay $0x3  }
0x9c: {  	_ =	strace s3  }
0x9d: {  	_ =	strace $0x8FFFFFFF  }
0x9e: {  	s18 =	sld [smem:$0x3FDB];
	_ =	sdelay $0x1  }
0x9f: {  	s19 =	simm.s32 $_scs_section_size  }
0xa0: {  	s5 =	simm.s32 $_size__tile_overlayer_lowered;
	s6 =	simm.s32 $_tile_overlayer_lowered  }
0xa1: {  	s22 =	simm.s32 $0x1BFF;
	s21 =	sshll.u32 s6, $0x1;
	s3 =	sadd.s32 s19, s18  }
0xa2: {  	s7 =	simm.s32 $0x0;
	s20 =	sshll.u32 s5, $0x1;
	s5 =	sadd.s32 s21, s3  }
0xa3: {  	[timem:s7], [sflag:s22] =	dma.local [hbm:s5], s20  }
0xa4: {  	_ =	swait.ge [sflag:s22], s20  }
0xa5: {  	s4 =	ssub.s32 $0x0, s20;
	[sflag:s22] =	ssyncset.done $0x0  }
0xa6: {  	[sflag:s22] =	ssyncadd.s32 s4;
	_ =	sdelay $0x1  }
0xa7: {  	s23 =	simm.s32 $0x1B8B  }
0xa8: {  	_ =	swait.ge [sflag:s23], $0x1  }
0xa9: {  	[sflag:s23] =	ssyncset.done $0x0  }
0xaa: {  	s25 =	simm.s32 $0x1B8E;
	s24 =	sld [smem:$0x3FFE];
	[sflag:s23] =	ssyncadd.s32 $0xFFFFFFFF  }
0xab: {  	s26 =	simm.s32 $execute0_lowered;
	[smem:$0x3FD2] =	sst s25  }
0xac: {  	s5 =	sshll.u32 s26, $0x1;
	_ =	strace $0x80000046;
	[dreg:$0x1] =	wrdreg $0xFFFFFFFF  }
0xad: {  	s28 =	simm.s32 $_size_execute0_lowered;
	s3 =	sadd.s32 s3, s5;
	[dreg:$0x0] =	wrdreg $0x0  }
0xae: {  	s5 =	sshll.u32 s28, $0x1;
	[dreg:$0x2] =	wrdreg s3  }
0xaf: {  	[dreg:$0x3] =	wrdreg s5  }
0xb0: {  	[dreg:$0x4] =	wrdreg $0xC0  }
0xb1: {  	_ =	task [dreg:s7], $0x5FFFF  }
0xb2: {  	[dreg:$0x1] =	wrdreg $0xFFFFFFFF  }
0xb3: {  	[dreg:$0x0] =	wrdreg $0x60  }
0xb4: {  	[dreg:$0x2] =	wrdreg s16  }
0xb5: {  	[dreg:$0x3] =	wrdreg s24  }
0xb6: {  	[dreg:$0x4] =	wrdreg $0x43000  }
0xb7: {  	[dreg:$0x5] =	wrdreg $0x9  }
0xb8: {  	_ =	task.clear_ibuf [dreg:s7], $0x6FFFF;
	_ =	strace $0x90000046  }
0xb9: {  	s29 =	simm.s32 $0x9;
	_ =	strace $0x80000048  }
0xba: {  	_ =	swait.ge [sflag:s29], $0x1  }
0xbb: {  	[sflag:s29] =	ssyncadd.s32 $0xFFFFFFFF  }
0xbc: {  	_ =	strace $0x90000048  }
0xbd: {  	_ =	sfence  }
0xbe: {  	s30 =	sld [smem:$0x0];
	_ =	sdelay $0x2  }
0xbf: {  	s31 =	sshll.u32 s1, $0xD;
	s1 =	sshrl.u32 s1, $0x2  }
0xc0: {  	s3 =	sand.u32 $0x4000, s31;
	s1 =	sadd.s32 s1, s30  }
0xc1: {  	s0 =	sor.u32 s3, s0;
	s1 =	sshll.u32 s1, $0x11  }
0xc2: {  	s0 =	sor.u32 s1, s0  }
0xc3: {  	s0 =	sadd.s32 $0x8F2B, s0  }
0xc4: {  	[sflag:s0] =	ssyncadd.remote.s32 $0x1  }
0xc5: {  	_ =	sfence.sel $0xFFFF  }
0xc6: {  	[dreg:$0x0] =	wrdreg $0xFFFFFFFF;
	(pc) =	sbr.abs _section_cstart, $3  }
0xc7: {  	[dreg:$0x1] =	wrdreg $0xFFFFFFFF  }
0xc8: {  	_ =	task.clear_ibuf [dreg:s7], $0x2FFFF;
	_ =	strace $0x9FFFFFFF  }
0xc9: {  	(tm) =	ssettm $0x7FFFFFFF  }
tec
execute0_lowered:
.L_overlay_start_1:
0x0: {  	(tag) =	ssettag $0x1  }
0x1: {  	s4 =	rddreg [dreg:$0x0]  }
0x2: {  	s5 =	rddreg [dreg:$0x1]  }
0x3: {  	s1 =	srdreg.scid;
	s0 =	stileid.u32  }
0x4: {  	s2 =	rddreg [dreg:$0x2];
	s3 =	simm.s32 $0x0;
	s12 =	simm.s32 $0x4000  }
0x5: {  	s15 =	simm.s32 $0x0;
	s6 =	sand.u32 $0x1, s1;
	s1 =	rddreg [dreg:$0x3]  }
0x6: {  	s7 =	smul.u32 $0x280, s0;
	[smem:$0x7FF] =	sst s3;
	s11 =	sshll.u32 s0, $0xC  }
0x7: {  	s13 =	sshll.u32 s0, $0x6;
	s8 =	smul.u32 $0x2800, s6;
	_ =	strace $0x80000047  }
0x8: {  	s9 =	ssub.s32 $0x2, s6;
	s6 =	sshll.u32 s6, $0xB;
	s13 =	sor.u32 $0x1C02, s13  }
0x9: {  	s10 =	sshrl.u32 s9, $0x1;
	s4 =	sadd.s32 s4, s6;
	s8 =	sadd.s32 s7, s8  }
0xa: {  	s31 =	ssub.s32 s9, s10;
	s4 =	sadd.s32 s11, s4;
	s9 =	simm.s32 $0x2  }
0xb: {  	s10 =	simm.s32 $0x1;
	s11 =	simm.s32 $0x50;
	s8 =	sshrl.u32 s8, $0x3  }
0xc: {  	s30 =	sadd.s32 s8, s5;
	s5 =	sadd.s32 s7, s2;
	s7 =	smax.u32 s31, $0x1  }
0xd: {  	v0 =	vimm.f32 $1.000000000e+00;
	v1 =	vimm.f32 $0.0e+00;
	s8 =	simm.s32 $0x4080;
	s6 =	sadd.s32 $0x2400, s30;
	s14 =	sshrl.u32 s5, $0x3  }
.LBB2_1:
0xe: {  	[tilespmem:s3], [sflag:$0x1] =	stream.linear.gather [hbm4b:s4+s3], $0x3E80, $0x38;
	[tilespmem:$0x4580] =	vst v63  }
0xf: {  	[tilespmem:$0x4000] =	vst v0  }
0x10: {  	[tilespmem:$0x4010] =	vst v0  }
0x11: {  	[tilespmem:$0x4020] =	vst v0  }
0x12: {  	[tilespmem:$0x4030] =	vst v0  }
0x13: {  	[tilespmem:$0x4040] =	vst v0  }
0x14: {  	[tilespmem:$0x4080] =	vst v1  }
0x15: {  	[tilespmem:$0x4090] =	vst v1  }
0x16: {  	[tilespmem:$0x40A0] =	vst v1  }
0x17: {  	[tilespmem:$0x40B0] =	vst v1  }
0x18: {  	[tilespmem:$0x40C0] =	vst v1  }
0x19: {  	[tilespmem:$0x40D0] =	vst v1  }
0x1a: {  	[tilespmem:$0x40E0] =	vst v1  }
0x1b: {  	[tilespmem:$0x40F0] =	vst v1  }
0x1c: {  	[tilespmem:$0x4100] =	vst v1  }
0x1d: {  	[tilespmem:$0x4110] =	vst v1  }
0x1e: {  	[tilespmem:$0x4120] =	vst v1  }
0x1f: {  	[tilespmem:$0x4130] =	vst v1  }
0x20: {  	[tilespmem:$0x4140] =	vst v1  }
0x21: {  	[tilespmem:$0x4150] =	vst v1  }
0x22: {  	[tilespmem:$0x4160] =	vst v1  }
0x23: {  	[tilespmem:$0x4170] =	vst v1  }
0x24: {  	[tilespmem:$0x4180] =	vst v1  }
0x25: {  	[tilespmem:$0x4190] =	vst v1  }
0x26: {  	[tilespmem:$0x41A0] =	vst v1  }
0x27: {  	[tilespmem:$0x41B0] =	vst v1  }
0x28: {  	[tilespmem:$0x41C0] =	vst v1  }
0x29: {  	[tilespmem:$0x41D0] =	vst v1  }
0x2a: {  	[tilespmem:$0x41E0] =	vst v1  }
0x2b: {  	[tilespmem:$0x41F0] =	vst v1  }
0x2c: {  	[tilespmem:$0x4200] =	vst v1  }
0x2d: {  	[tilespmem:$0x4210] =	vst v1  }
0x2e: {  	[tilespmem:$0x4220] =	vst v1  }
0x2f: {  	[tilespmem:$0x4230] =	vst v1  }
0x30: {  	[tilespmem:$0x4240] =	vst v1  }
0x31: {  	[tilespmem:$0x4250] =	vst v1  }
0x32: {  	[tilespmem:$0x4260] =	vst v1  }
0x33: {  	[tilespmem:$0x4270] =	vst v1  }
0x34: {  	[tilespmem:$0x4280] =	vst v1  }
0x35: {  	[tilespmem:$0x4290] =	vst v1  }
0x36: {  	[tilespmem:$0x42A0] =	vst v1  }
0x37: {  	[tilespmem:$0x42B0] =	vst v1  }
0x38: {  	[tilespmem:$0x42C0] =	vst v1  }
0x39: {  	[tilespmem:$0x42D0] =	vst v1  }
0x3a: {  	[tilespmem:$0x42E0] =	vst v1  }
0x3b: {  	[tilespmem:$0x42F0] =	vst v1  }
0x3c: {  	[spmem:s5] =	stream.linear.scatter [tilespmem:s8], [sflag:$0x2], $0x280, $0x38;
	[tilespmem:$0x4580] =	vst v63  }
0x3d: {  	_ =	swait.ge [sflag:s9], $0x280  }
0x3e: {  	[sflag:s9] =	ssyncset.done $0x0  }
0x3f: {  	[sflag:s9] =	ssyncadd.s32 $0xFFFFFD80  }
0x40: {  	_ =	swait.ge [sflag:s10], $0x3E80  }
0x41: {  	[sflag:s10] =	ssyncset.done $0x0  }
0x42: {  	[sflag:s10] =	ssyncadd.s32 $0xFFFFC180  }
0x43: {  	s16 =	simm.s32 $0x0;
	[bflag:$0x0] =	sbarrier.arrive $0xFFFF  }
0x44: {  	[spmem:s2] =	stream.indirect.scatter.add.f32 [tilespmem:s12], [sflag:$0x1], $0x1, s16, s11, $0xb8;
	[tilespmem:$0x4580] =	vst v63  }
0x45: {  	s21 =	simm.s32 $0x80  }
0x46: {  	[spmem:s2] =	stream.indirect.scatter.add.f32 [tilespmem:s12], [sflag:$0x1], $0x1, s21, s11, $0xb8;
	[tilespmem:$0x4580] =	vst v63  }
0x47: {  	s22 =	simm.s32 $0x100  }
0x48: {  	[spmem:s2] =	stream.indirect.scatter.add.f32 [tilespmem:s12], [sflag:$0x1], $0x1, s22, s11, $0xb8;
	[tilespmem:$0x4580] =	vst v63  }
0x49: {  	s23 =	simm.s32 $0x180  }
0x4a: {  	[spmem:s2] =	stream.indirect.scatter.add.f32 [tilespmem:s12], [sflag:$0x1], $0x1, s23, s11, $0xb8;
	[tilespmem:$0x4580] =	vst v63  }
0x4b: {  	s24 =	simm.s32 $0x200  }
0x4c: {  	[spmem:s2] =	stream.indirect.scatter.add.f32 [tilespmem:s12], [sflag:$0x1], $0x1, s24, s11, $0xb8;
	[tilespmem:$0x4580] =	vst v63  }
0x4d: {  	s25 =	simm.s32 $0x280  }
0x4e: {  	[spmem:s2] =	stream.indirect.scatter.add.f32 [tilespmem:s12], [sflag:$0x1], $0x1, s25, s11, $0xb8;
	[tilespmem:$0x4580] =	vst v63  }
0x4f: {  	s26 =	simm.s32 $0x300  }
0x50: {  	[spmem:s2] =	stream.indirect.scatter.add.f32 [tilespmem:s12], [sflag:$0x1], $0x1, s26, s11, $0xb8;
	[tilespmem:$0x4580] =	vst v63  }
0x51: {  	s28 =	simm.s32 $0x380  }
0x52: {  	[spmem:s2] =	stream.indirect.scatter.add.f32 [tilespmem:s12], [sflag:$0x1], $0x1, s28, s11, $0xb8;
	[tilespmem:$0x4580] =	vst v63  }
0x53: {  	s29 =	simm.s32 $0x400  }
0x54: {  	[spmem:s2] =	stream.indirect.scatter.add.f32 [tilespmem:s12], [sflag:$0x1], $0x1, s29, s11, $0xb8;
	[tilespmem:$0x4580] =	vst v63  }
0x55: {  	s30 =	simm.s32 $0x480  }
0x56: {  	[spmem:s2] =	stream.indirect.scatter.add.f32 [tilespmem:s12], [sflag:$0x1], $0x1, s30, s11, $0xb8;
	[tilespmem:$0x4580] =	vst v63  }
0x57: {  	s31 =	simm.s32 $0x500  }
0x58: {  	[spmem:s2] =	stream.indirect.scatter.add.f32 [tilespmem:s12], [sflag:$0x1], $0x1, s31, s11, $0xb8;
	[tilespmem:$0x4580] =	vst v63  }
0x59: {  	s17 =	simm.s32 $0x580  }
0x5a: {  	[spmem:s2] =	stream.indirect.scatter.add.f32 [tilespmem:s12], [sflag:$0x1], $0x1, s17, s11, $0xb8;
	[tilespmem:$0x4580] =	vst v63  }
0x5b: {  	s18 =	simm.s32 $0x600  }
0x5c: {  	[spmem:s2] =	stream.indirect.scatter.add.f32 [tilespmem:s12], [sflag:$0x1], $0x1, s18, s11, $0xb8;
	[tilespmem:$0x4580] =	vst v63  }
0x5d: {  	s19 =	simm.s32 $0x680  }
0x5e: {  	[spmem:s2] =	stream.indirect.scatter.add.f32 [tilespmem:s12], [sflag:$0x1], $0x1, s19, s11, $0xb8;
	[tilespmem:$0x4580] =	vst v63  }
0x5f: {  	s20 =	simm.s32 $0x700  }
0x60: {  	[spmem:s2] =	stream.indirect.scatter.add.f32 [tilespmem:s12], [sflag:$0x1], $0x1, s20, s11, $0xb8;
	[tilespmem:$0x4580] =	vst v63  }
0x61: {  	s21 =	simm.s32 $0x780  }
0x62: {  	[spmem:s2] =	stream.indirect.scatter.add.f32 [tilespmem:s12], [sflag:$0x1], $0x1, s21, s11, $0xb8;
	[tilespmem:$0x4580] =	vst v63  }
0x63: {  	s22 =	simm.s32 $0x800  }
0x64: {  	[spmem:s2] =	stream.indirect.scatter.add.f32 [tilespmem:s12], [sflag:$0x1], $0x1, s22, s11, $0xb8;
	[tilespmem:$0x4580] =	vst v63  }
0x65: {  	s23 =	simm.s32 $0x880  }
0x66: {  	[spmem:s2] =	stream.indirect.scatter.add.f32 [tilespmem:s12], [sflag:$0x1], $0x1, s23, s11, $0xb8;
	[tilespmem:$0x4580] =	vst v63  }
0x67: {  	s24 =	simm.s32 $0x900  }
0x68: {  	[spmem:s2] =	stream.indirect.scatter.add.f32 [tilespmem:s12], [sflag:$0x1], $0x1, s24, s11, $0xb8;
	[tilespmem:$0x4580] =	vst v63  }
0x69: {  	s25 =	simm.s32 $0x980  }
0x6a: {  	[spmem:s2] =	stream.indirect.scatter.add.f32 [tilespmem:s12], [sflag:$0x1], $0x1, s25, s11, $0xb8;
	[tilespmem:$0x4580] =	vst v63  }
0x6b: {  	s26 =	simm.s32 $0xA00  }
0x6c: {  	[spmem:s2] =	stream.indirect.scatter.add.f32 [tilespmem:s12], [sflag:$0x1], $0x1, s26, s11, $0xb8;
	[tilespmem:$0x4580] =	vst v63  }
0x6d: {  	s28 =	simm.s32 $0xA80  }
0x6e: {  	[spmem:s2] =	stream.indirect.scatter.add.f32 [tilespmem:s12], [sflag:$0x1], $0x1, s28, s11, $0xb8;
	[tilespmem:$0x4580] =	vst v63  }
0x6f: {  	s29 =	simm.s32 $0xB00  }
0x70: {  	[spmem:s2] =	stream.indirect.scatter.add.f32 [tilespmem:s12], [sflag:$0x1], $0x1, s29, s11, $0xb8;
	[tilespmem:$0x4580] =	vst v63  }
0x71: {  	s30 =	simm.s32 $0xB80  }
0x72: {  	[spmem:s2] =	stream.indirect.scatter.add.f32 [tilespmem:s12], [sflag:$0x1], $0x1, s30, s11, $0xb8;
	[tilespmem:$0x4580] =	vst v63  }
0x73: {  	s31 =	simm.s32 $0xC00  }
0x74: {  	[spmem:s2] =	stream.indirect.scatter.add.f32 [tilespmem:s12], [sflag:$0x1], $0x1, s31, s11, $0xb8;
	[tilespmem:$0x4580] =	vst v63  }
0x75: {  	_ =	swait.ge [sflag:s10], $0x50  }
0x76: {  	[sflag:s10] =	ssyncset.done $0x0  }
0x77: {  	[sflag:s10] =	ssyncadd.s32 $0xFFFFFFB0  }
0x78: {  	_ =	swait.ge [sflag:s10], $0x50  }
0x79: {  	[sflag:s10] =	ssyncset.done $0x0  }
0x7a: {  	[sflag:s10] =	ssyncadd.s32 $0xFFFFFFB0  }
0x7b: {  	_ =	swait.ge [sflag:s10], $0x50  }
0x7c: {  	[sflag:s10] =	ssyncset.done $0x0  }
0x7d: {  	[sflag:s10] =	ssyncadd.s32 $0xFFFFFFB0  }
0x7e: {  	_ =	swait.ge [sflag:s10], $0x50  }
0x7f: {  	[sflag:s10] =	ssyncset.done $0x0  }
0x80: {  	[sflag:s10] =	ssyncadd.s32 $0xFFFFFFB0  }
0x81: {  	_ =	swait.ge [sflag:s10], $0x50  }
0x82: {  	[sflag:s10] =	ssyncset.done $0x0  }
0x83: {  	[sflag:s10] =	ssyncadd.s32 $0xFFFFFFB0  }
0x84: {  	_ =	swait.ge [sflag:s10], $0x50  }
0x85: {  	[sflag:s10] =	ssyncset.done $0x0  }
0x86: {  	[sflag:s10] =	ssyncadd.s32 $0xFFFFFFB0  }
0x87: {  	_ =	swait.ge [sflag:s10], $0x50  }
0x88: {  	[sflag:s10] =	ssyncset.done $0x0  }
0x89: {  	[sflag:s10] =	ssyncadd.s32 $0xFFFFFFB0  }
0x8a: {  	_ =	swait.ge [sflag:s10], $0x50  }
0x8b: {  	[sflag:s10] =	ssyncset.done $0x0  }
0x8c: {  	[sflag:s10] =	ssyncadd.s32 $0xFFFFFFB0  }
0x8d: {  	_ =	swait.ge [sflag:s10], $0x50  }
0x8e: {  	[sflag:s10] =	ssyncset.done $0x0  }
0x8f: {  	[sflag:s10] =	ssyncadd.s32 $0xFFFFFFB0  }
0x90: {  	_ =	swait.ge [sflag:s10], $0x50  }
0x91: {  	[sflag:s10] =	ssyncset.done $0x0  }
0x92: {  	[sflag:s10] =	ssyncadd.s32 $0xFFFFFFB0  }
0x93: {  	_ =	swait.ge [sflag:s10], $0x50  }
0x94: {  	[sflag:s10] =	ssyncset.done $0x0  }
0x95: {  	[sflag:s10] =	ssyncadd.s32 $0xFFFFFFB0  }
0x96: {  	_ =	swait.ge [sflag:s10], $0x50  }
0x97: {  	[sflag:s10] =	ssyncset.done $0x0  }
0x98: {  	[sflag:s10] =	ssyncadd.s32 $0xFFFFFFB0  }
0x99: {  	_ =	swait.ge [sflag:s10], $0x50  }
0x9a: {  	[sflag:s10] =	ssyncset.done $0x0  }
0x9b: {  	[sflag:s10] =	ssyncadd.s32 $0xFFFFFFB0  }
0x9c: {  	_ =	swait.ge [sflag:s10], $0x50  }
0x9d: {  	[sflag:s10] =	ssyncset.done $0x0  }
0x9e: {  	[sflag:s10] =	ssyncadd.s32 $0xFFFFFFB0  }
0x9f: {  	_ =	swait.ge [sflag:s10], $0x50  }
0xa0: {  	[sflag:s10] =	ssyncset.done $0x0  }
0xa1: {  	[sflag:s10] =	ssyncadd.s32 $0xFFFFFFB0  }
0xa2: {  	_ =	swait.ge [sflag:s10], $0x50  }
0xa3: {  	[sflag:s10] =	ssyncset.done $0x0  }
0xa4: {  	[sflag:s10] =	ssyncadd.s32 $0xFFFFFFB0  }
0xa5: {  	_ =	swait.ge [sflag:s10], $0x50  }
0xa6: {  	[sflag:s10] =	ssyncset.done $0x0  }
0xa7: {  	[sflag:s10] =	ssyncadd.s32 $0xFFFFFFB0  }
0xa8: {  	_ =	swait.ge [sflag:s10], $0x50  }
0xa9: {  	[sflag:s10] =	ssyncset.done $0x0  }
0xaa: {  	[sflag:s10] =	ssyncadd.s32 $0xFFFFFFB0  }
0xab: {  	_ =	swait.ge [sflag:s10], $0x50  }
0xac: {  	[sflag:s10] =	ssyncset.done $0x0  }
0xad: {  	[sflag:s10] =	ssyncadd.s32 $0xFFFFFFB0  }
0xae: {  	_ =	swait.ge [sflag:s10], $0x50  }
0xaf: {  	[sflag:s10] =	ssyncset.done $0x0  }
0xb0: {  	[sflag:s10] =	ssyncadd.s32 $0xFFFFFFB0  }
0xb1: {  	_ =	swait.ge [sflag:s10], $0x50  }
0xb2: {  	[sflag:s10] =	ssyncset.done $0x0  }
0xb3: {  	[sflag:s10] =	ssyncadd.s32 $0xFFFFFFB0  }
0xb4: {  	_ =	swait.ge [sflag:s10], $0x50  }
0xb5: {  	[sflag:s10] =	ssyncset.done $0x0  }
0xb6: {  	[sflag:s10] =	ssyncadd.s32 $0xFFFFFFB0  }
0xb7: {  	_ =	swait.ge [sflag:s10], $0x50  }
0xb8: {  	[sflag:s10] =	ssyncset.done $0x0  }
0xb9: {  	[sflag:s10] =	ssyncadd.s32 $0xFFFFFFB0  }
0xba: {  	_ =	swait.ge [sflag:s10], $0x50  }
0xbb: {  	[sflag:s10] =	ssyncset.done $0x0  }
0xbc: {  	[sflag:s10] =	ssyncadd.s32 $0xFFFFFFB0  }
0xbd: {  	_ =	swait.ge [sflag:s10], $0x50  }
0xbe: {  	s16 =	simm.s32 $0x3200;
	s19 =	simm.s32 $0x6400;
	[sflag:s10] =	ssyncset.done $0x0  }
.LBB2_2:
0xbf: {  	s18 =	sshra.s32 s16, $0x2  }
0xc0: {  	[sflag:s10] =	ssyncadd.s32 $0xFFFFFFB0;
	s16 =	smov.u32 s19;
	s17 =	sadd.s32 $0x3200, s19  }
0xc1: {  	[spmem:s2] =	stream.indirect.scatter.add.f32 [tilespmem:s12], [sflag:$0x1], $0x1, s18, s11, $0xb8;
	[tilespmem:$0x4580] =	vst v63  }
0xc2: {  	p0 =	sne.s32 s19, $0xC800;
	s19 =	sadd.s32 $0x80, s18  }
0xc3: {  	[spmem:s2] =	stream.indirect.scatter.add.f32 [tilespmem:s12], [sflag:$0x1], $0x1, s19, s11, $0xb8;
	[tilespmem:$0x4580] =	vst v63  }
0xc4: {  	s19 =	sadd.s32 $0x100, s18  }
0xc5: {  	[spmem:s2] =	stream.indirect.scatter.add.f32 [tilespmem:s12], [sflag:$0x1], $0x1, s19, s11, $0xb8;
	[tilespmem:$0x4580] =	vst v63  }
0xc6: {  	s19 =	sadd.s32 $0x180, s18  }
0xc7: {  	[spmem:s2] =	stream.indirect.scatter.add.f32 [tilespmem:s12], [sflag:$0x1], $0x1, s19, s11, $0xb8;
	[tilespmem:$0x4580] =	vst v63  }
0xc8: {  	s19 =	sadd.s32 $0x200, s18  }
0xc9: {  	[spmem:s2] =	stream.indirect.scatter.add.f32 [tilespmem:s12], [sflag:$0x1], $0x1, s19, s11, $0xb8;
	[tilespmem:$0x4580] =	vst v63  }
0xca: {  	s19 =	sadd.s32 $0x280, s18  }
0xcb: {  	[spmem:s2] =	stream.indirect.scatter.add.f32 [tilespmem:s12], [sflag:$0x1], $0x1, s19, s11, $0xb8;
	[tilespmem:$0x4580] =	vst v63  }
0xcc: {  	s19 =	sadd.s32 $0x300, s18  }
0xcd: {  	[spmem:s2] =	stream.indirect.scatter.add.f32 [tilespmem:s12], [sflag:$0x1], $0x1, s19, s11, $0xb8;
	[tilespmem:$0x4580] =	vst v63  }
0xce: {  	s19 =	sadd.s32 $0x380, s18  }
0xcf: {  	[spmem:s2] =	stream.indirect.scatter.add.f32 [tilespmem:s12], [sflag:$0x1], $0x1, s19, s11, $0xb8;
	[tilespmem:$0x4580] =	vst v63  }
0xd0: {  	s19 =	sadd.s32 $0x400, s18  }
0xd1: {  	[spmem:s2] =	stream.indirect.scatter.add.f32 [tilespmem:s12], [sflag:$0x1], $0x1, s19, s11, $0xb8;
	[tilespmem:$0x4580] =	vst v63  }
0xd2: {  	s19 =	sadd.s32 $0x480, s18  }
0xd3: {  	[spmem:s2] =	stream.indirect.scatter.add.f32 [tilespmem:s12], [sflag:$0x1], $0x1, s19, s11, $0xb8;
	[tilespmem:$0x4580] =	vst v63  }
0xd4: {  	s19 =	sadd.s32 $0x500, s18  }
0xd5: {  	[spmem:s2] =	stream.indirect.scatter.add.f32 [tilespmem:s12], [sflag:$0x1], $0x1, s19, s11, $0xb8;
	[tilespmem:$0x4580] =	vst v63  }
0xd6: {  	s19 =	sadd.s32 $0x580, s18  }
0xd7: {  	[spmem:s2] =	stream.indirect.scatter.add.f32 [tilespmem:s12], [sflag:$0x1], $0x1, s19, s11, $0xb8;
	[tilespmem:$0x4580] =	vst v63  }
0xd8: {  	s19 =	sadd.s32 $0x600, s18  }
0xd9: {  	[spmem:s2] =	stream.indirect.scatter.add.f32 [tilespmem:s12], [sflag:$0x1], $0x1, s19, s11, $0xb8;
	[tilespmem:$0x4580] =	vst v63  }
0xda: {  	s19 =	sadd.s32 $0x680, s18  }
0xdb: {  	[spmem:s2] =	stream.indirect.scatter.add.f32 [tilespmem:s12], [sflag:$0x1], $0x1, s19, s11, $0xb8;
	[tilespmem:$0x4580] =	vst v63  }
0xdc: {  	s19 =	sadd.s32 $0x700, s18  }
0xdd: {  	[spmem:s2] =	stream.indirect.scatter.add.f32 [tilespmem:s12], [sflag:$0x1], $0x1, s19, s11, $0xb8;
	[tilespmem:$0x4580] =	vst v63  }
0xde: {  	s19 =	sadd.s32 $0x780, s18  }
0xdf: {  	[spmem:s2] =	stream.indirect.scatter.add.f32 [tilespmem:s12], [sflag:$0x1], $0x1, s19, s11, $0xb8;
	[tilespmem:$0x4580] =	vst v63  }
0xe0: {  	s19 =	sadd.s32 $0x800, s18  }
0xe1: {  	[spmem:s2] =	stream.indirect.scatter.add.f32 [tilespmem:s12], [sflag:$0x1], $0x1, s19, s11, $0xb8;
	[tilespmem:$0x4580] =	vst v63  }
0xe2: {  	s19 =	sadd.s32 $0x880, s18  }
0xe3: {  	[spmem:s2] =	stream.indirect.scatter.add.f32 [tilespmem:s12], [sflag:$0x1], $0x1, s19, s11, $0xb8;
	[tilespmem:$0x4580] =	vst v63  }
0xe4: {  	s19 =	sadd.s32 $0x900, s18  }
0xe5: {  	[spmem:s2] =	stream.indirect.scatter.add.f32 [tilespmem:s12], [sflag:$0x1], $0x1, s19, s11, $0xb8;
	[tilespmem:$0x4580] =	vst v63  }
0xe6: {  	s19 =	sadd.s32 $0x980, s18  }
0xe7: {  	[spmem:s2] =	stream.indirect.scatter.add.f32 [tilespmem:s12], [sflag:$0x1], $0x1, s19, s11, $0xb8;
	[tilespmem:$0x4580] =	vst v63  }
0xe8: {  	s19 =	sadd.s32 $0xA00, s18  }
0xe9: {  	[spmem:s2] =	stream.indirect.scatter.add.f32 [tilespmem:s12], [sflag:$0x1], $0x1, s19, s11, $0xb8;
	[tilespmem:$0x4580] =	vst v63  }
0xea: {  	s19 =	sadd.s32 $0xA80, s18  }
0xeb: {  	[spmem:s2] =	stream.indirect.scatter.add.f32 [tilespmem:s12], [sflag:$0x1], $0x1, s19, s11, $0xb8;
	[tilespmem:$0x4580] =	vst v63  }
0xec: {  	s19 =	sadd.s32 $0xB00, s18  }
0xed: {  	[spmem:s2] =	stream.indirect.scatter.add.f32 [tilespmem:s12], [sflag:$0x1], $0x1, s19, s11, $0xb8;
	[tilespmem:$0x4580] =	vst v63  }
0xee: {  	s19 =	sadd.s32 $0xB80, s18  }
0xef: {  	[spmem:s2] =	stream.indirect.scatter.add.f32 [tilespmem:s12], [sflag:$0x1], $0x1, s19, s11, $0xb8;
	[tilespmem:$0x4580] =	vst v63  }
0xf0: {  	s18 =	sadd.s32 $0xC00, s18  }
0xf1: {  	[spmem:s2] =	stream.indirect.scatter.add.f32 [tilespmem:s12], [sflag:$0x1], $0x1, s18, s11, $0xb8;
	[tilespmem:$0x4580] =	vst v63  }
0xf2: {  	_ =	swait.ge [sflag:s10], $0x50  }
0xf3: {  	[sflag:s10] =	ssyncset.done $0x0  }
0xf4: {  	[sflag:s10] =	ssyncadd.s32 $0xFFFFFFB0  }
0xf5: {  	_ =	swait.ge [sflag:s10], $0x50  }
0xf6: {  	[sflag:s10] =	ssyncset.done $0x0  }
0xf7: {  	[sflag:s10] =	ssyncadd.s32 $0xFFFFFFB0  }
0xf8: {  	_ =	swait.ge [sflag:s10], $0x50  }
0xf9: {  	[sflag:s10] =	ssyncset.done $0x0  }
0xfa: {  	[sflag:s10] =	ssyncadd.s32 $0xFFFFFFB0  }
0xfb: {  	_ =	swait.ge [sflag:s10], $0x50  }
0xfc: {  	[sflag:s10] =	ssyncset.done $0x0  }
0xfd: {  	[sflag:s10] =	ssyncadd.s32 $0xFFFFFFB0  }
0xfe: {  	_ =	swait.ge [sflag:s10], $0x50  }
0xff: {  	[sflag:s10] =	ssyncset.done $0x0  }
0x100: {  	[sflag:s10] =	ssyncadd.s32 $0xFFFFFFB0  }
0x101: {  	_ =	swait.ge [sflag:s10], $0x50  }
0x102: {  	[sflag:s10] =	ssyncset.done $0x0  }
0x103: {  	[sflag:s10] =	ssyncadd.s32 $0xFFFFFFB0  }
0x104: {  	_ =	swait.ge [sflag:s10], $0x50  }
0x105: {  	[sflag:s10] =	ssyncset.done $0x0  }
0x106: {  	[sflag:s10] =	ssyncadd.s32 $0xFFFFFFB0  }
0x107: {  	_ =	swait.ge [sflag:s10], $0x50  }
0x108: {  	[sflag:s10] =	ssyncset.done $0x0  }
0x109: {  	[sflag:s10] =	ssyncadd.s32 $0xFFFFFFB0  }
0x10a: {  	_ =	swait.ge [sflag:s10], $0x50  }
0x10b: {  	[sflag:s10] =	ssyncset.done $0x0  }
0x10c: {  	[sflag:s10] =	ssyncadd.s32 $0xFFFFFFB0  }
0x10d: {  	_ =	swait.ge [sflag:s10], $0x50  }
0x10e: {  	[sflag:s10] =	ssyncset.done $0x0  }
0x10f: {  	[sflag:s10] =	ssyncadd.s32 $0xFFFFFFB0  }
0x110: {  	_ =	swait.ge [sflag:s10], $0x50  }
0x111: {  	[sflag:s10] =	ssyncset.done $0x0  }
0x112: {  	[sflag:s10] =	ssyncadd.s32 $0xFFFFFFB0  }
0x113: {  	_ =	swait.ge [sflag:s10], $0x50  }
0x114: {  	[sflag:s10] =	ssyncset.done $0x0  }
0x115: {  	[sflag:s10] =	ssyncadd.s32 $0xFFFFFFB0  }
0x116: {  	_ =	swait.ge [sflag:s10], $0x50  }
0x117: {  	[sflag:s10] =	ssyncset.done $0x0  }
0x118: {  	[sflag:s10] =	ssyncadd.s32 $0xFFFFFFB0  }
0x119: {  	_ =	swait.ge [sflag:s10], $0x50  }
0x11a: {  	[sflag:s10] =	ssyncset.done $0x0  }
0x11b: {  	[sflag:s10] =	ssyncadd.s32 $0xFFFFFFB0  }
0x11c: {  	_ =	swait.ge [sflag:s10], $0x50  }
0x11d: {  	[sflag:s10] =	ssyncset.done $0x0  }
0x11e: {  	[sflag:s10] =	ssyncadd.s32 $0xFFFFFFB0  }
0x11f: {  	_ =	swait.ge [sflag:s10], $0x50  }
0x120: {  	[sflag:s10] =	ssyncset.done $0x0  }
0x121: {  	[sflag:s10] =	ssyncadd.s32 $0xFFFFFFB0  }
0x122: {  	_ =	swait.ge [sflag:s10], $0x50  }
0x123: {  	[sflag:s10] =	ssyncset.done $0x0  }
0x124: {  	[sflag:s10] =	ssyncadd.s32 $0xFFFFFFB0  }
0x125: {  	_ =	swait.ge [sflag:s10], $0x50  }
0x126: {  	[sflag:s10] =	ssyncset.done $0x0  }
0x127: {  	[sflag:s10] =	ssyncadd.s32 $0xFFFFFFB0  }
0x128: {  	_ =	swait.ge [sflag:s10], $0x50  }
0x129: {  	[sflag:s10] =	ssyncset.done $0x0  }
0x12a: {  	[sflag:s10] =	ssyncadd.s32 $0xFFFFFFB0  }
0x12b: {  	_ =	swait.ge [sflag:s10], $0x50  }
0x12c: {  	[sflag:s10] =	ssyncset.done $0x0  }
0x12d: {  	[sflag:s10] =	ssyncadd.s32 $0xFFFFFFB0  }
0x12e: {  	_ =	swait.ge [sflag:s10], $0x50  }
0x12f: {  	[sflag:s10] =	ssyncset.done $0x0  }
0x130: {  	[sflag:s10] =	ssyncadd.s32 $0xFFFFFFB0  }
0x131: {  	_ =	swait.ge [sflag:s10], $0x50  }
0x132: {  	[sflag:s10] =	ssyncset.done $0x0  }
0x133: {  	[sflag:s10] =	ssyncadd.s32 $0xFFFFFFB0  }
0x134: {  	_ =	swait.ge [sflag:s10], $0x50  }
0x135: {  	[sflag:s10] =	ssyncset.done $0x0  }
0x136: {  	[sflag:s10] =	ssyncadd.s32 $0xFFFFFFB0  }
.Ltmp0:
0x137: {  	_ =	swait.ge [sflag:s10], $0x50;
	(pc) =	sbr.rel @p0 .LBB2_2-.Ltmp0, $4  }
0x138: {  	[sflag:s10] =	ssyncset.done $0x0  }
0x139: {  	[sflag:s10] =	ssyncadd.s32 $0xFFFFFFB0  }
0x13a: {  	_ =	swait.ge [sflag:s10], $0x50  }
0x13b: {  	s19 =	smov.u32 s17;
	[sflag:s10] =	ssyncset.done $0x0  }
0x13c: {  	s16 =	sshra.s32 s16, $0x2;
	[sflag:s10] =	ssyncadd.s32 $0xFFFFFFB0  }
0x13d: {  	[spmem:s2] =	stream.indirect.scatter.add.f32 [tilespmem:s12], [sflag:$0x1], $0x1, s16, s11, $0xb8;
	[tilespmem:$0x4580] =	vst v63  }
0x13e: {  	s17 =	sadd.s32 $0x80, s16  }
0x13f: {  	[spmem:s2] =	stream.indirect.scatter.add.f32 [tilespmem:s12], [sflag:$0x1], $0x1, s17, s11, $0xb8;
	[tilespmem:$0x4580] =	vst v63  }
0x140: {  	s22 =	sadd.s32 $0x100, s16  }
0x141: {  	[spmem:s2] =	stream.indirect.scatter.add.f32 [tilespmem:s12], [sflag:$0x1], $0x1, s22, s11, $0xb8;
	[tilespmem:$0x4580] =	vst v63  }
0x142: {  	s23 =	sadd.s32 $0x180, s16  }
0x143: {  	[spmem:s2] =	stream.indirect.scatter.add.f32 [tilespmem:s12], [sflag:$0x1], $0x1, s23, s11, $0xb8;
	[tilespmem:$0x4580] =	vst v63  }
0x144: {  	s24 =	sadd.s32 $0x200, s16  }
0x145: {  	[spmem:s2] =	stream.indirect.scatter.add.f32 [tilespmem:s12], [sflag:$0x1], $0x1, s24, s11, $0xb8;
	[tilespmem:$0x4580] =	vst v63  }
0x146: {  	s25 =	sadd.s32 $0x280, s16  }
0x147: {  	[spmem:s2] =	stream.indirect.scatter.add.f32 [tilespmem:s12], [sflag:$0x1], $0x1, s25, s11, $0xb8;
	[tilespmem:$0x4580] =	vst v63  }
0x148: {  	s26 =	sadd.s32 $0x300, s16  }
0x149: {  	[spmem:s2] =	stream.indirect.scatter.add.f32 [tilespmem:s12], [sflag:$0x1], $0x1, s26, s11, $0xb8;
	[tilespmem:$0x4580] =	vst v63  }
0x14a: {  	s28 =	sadd.s32 $0x380, s16  }
0x14b: {  	[spmem:s2] =	stream.indirect.scatter.add.f32 [tilespmem:s12], [sflag:$0x1], $0x1, s28, s11, $0xb8;
	[tilespmem:$0x4580] =	vst v63  }
0x14c: {  	s29 =	sadd.s32 $0x400, s16  }
0x14d: {  	[spmem:s2] =	stream.indirect.scatter.add.f32 [tilespmem:s12], [sflag:$0x1], $0x1, s29, s11, $0xb8;
	[tilespmem:$0x4580] =	vst v63  }
0x14e: {  	s30 =	sadd.s32 $0x480, s16  }
0x14f: {  	[spmem:s2] =	stream.indirect.scatter.add.f32 [tilespmem:s12], [sflag:$0x1], $0x1, s30, s11, $0xb8;
	[tilespmem:$0x4580] =	vst v63  }
0x150: {  	s31 =	sadd.s32 $0x500, s16  }
0x151: {  	[spmem:s2] =	stream.indirect.scatter.add.f32 [tilespmem:s12], [sflag:$0x1], $0x1, s31, s11, $0xb8;
	[tilespmem:$0x4580] =	vst v63  }
0x152: {  	s18 =	sadd.s32 $0x580, s16  }
0x153: {  	[spmem:s2] =	stream.indirect.scatter.add.f32 [tilespmem:s12], [sflag:$0x1], $0x1, s18, s11, $0xb8;
	[tilespmem:$0x4580] =	vst v63  }
0x154: {  	s19 =	sadd.s32 $0x600, s16  }
0x155: {  	[spmem:s2] =	stream.indirect.scatter.add.f32 [tilespmem:s12], [sflag:$0x1], $0x1, s19, s11, $0xb8;
	[tilespmem:$0x4580] =	vst v63  }
0x156: {  	s20 =	sadd.s32 $0x680, s16  }
0x157: {  	[spmem:s2] =	stream.indirect.scatter.add.f32 [tilespmem:s12], [sflag:$0x1], $0x1, s20, s11, $0xb8;
	[tilespmem:$0x4580] =	vst v63  }
0x158: {  	s21 =	sadd.s32 $0x700, s16  }
0x159: {  	[spmem:s2] =	stream.indirect.scatter.add.f32 [tilespmem:s12], [sflag:$0x1], $0x1, s21, s11, $0xb8;
	[tilespmem:$0x4580] =	vst v63  }
0x15a: {  	s22 =	sadd.s32 $0x780, s16  }
0x15b: {  	[spmem:s2] =	stream.indirect.scatter.add.f32 [tilespmem:s12], [sflag:$0x1], $0x1, s22, s11, $0xb8;
	[tilespmem:$0x4580] =	vst v63  }
0x15c: {  	s23 =	sadd.s32 $0x800, s16  }
0x15d: {  	[spmem:s2] =	stream.indirect.scatter.add.f32 [tilespmem:s12], [sflag:$0x1], $0x1, s23, s11, $0xb8;
	[tilespmem:$0x4580] =	vst v63  }
0x15e: {  	s24 =	sadd.s32 $0x880, s16  }
0x15f: {  	[spmem:s2] =	stream.indirect.scatter.add.f32 [tilespmem:s12], [sflag:$0x1], $0x1, s24, s11, $0xb8;
	[tilespmem:$0x4580] =	vst v63  }
0x160: {  	s25 =	sadd.s32 $0x900, s16  }
0x161: {  	[spmem:s2] =	stream.indirect.scatter.add.f32 [tilespmem:s12], [sflag:$0x1], $0x1, s25, s11, $0xb8;
	[tilespmem:$0x4580] =	vst v63  }
0x162: {  	s26 =	sadd.s32 $0x980, s16  }
0x163: {  	[spmem:s2] =	stream.indirect.scatter.add.f32 [tilespmem:s12], [sflag:$0x1], $0x1, s26, s11, $0xb8;
	[tilespmem:$0x4580] =	vst v63  }
0x164: {  	s28 =	sadd.s32 $0xA00, s16  }
0x165: {  	[spmem:s2] =	stream.indirect.scatter.add.f32 [tilespmem:s12], [sflag:$0x1], $0x1, s28, s11, $0xb8;
	[tilespmem:$0x4580] =	vst v63  }
0x166: {  	s29 =	sadd.s32 $0xA80, s16  }
0x167: {  	[spmem:s2] =	stream.indirect.scatter.add.f32 [tilespmem:s12], [sflag:$0x1], $0x1, s29, s11, $0xb8;
	[tilespmem:$0x4580] =	vst v63  }
0x168: {  	s30 =	sadd.s32 $0xB00, s16  }
0x169: {  	[spmem:s2] =	stream.indirect.scatter.add.f32 [tilespmem:s12], [sflag:$0x1], $0x1, s30, s11, $0xb8;
	[tilespmem:$0x4580] =	vst v63  }
0x16a: {  	s31 =	sadd.s32 $0xB80, s16  }
0x16b: {  	[spmem:s2] =	stream.indirect.scatter.add.f32 [tilespmem:s12], [sflag:$0x1], $0x1, s31, s11, $0xb8;
	[tilespmem:$0x4580] =	vst v63  }
0x16c: {  	s16 =	sadd.s32 $0xC00, s16  }
0x16d: {  	[spmem:s2] =	stream.indirect.scatter.add.f32 [tilespmem:s12], [sflag:$0x1], $0x1, s16, s11, $0xb8;
	[tilespmem:$0x4580] =	vst v63  }
0x16e: {  	_ =	swait.ge [sflag:s10], $0x50  }
0x16f: {  	[sflag:s10] =	ssyncset.done $0x0  }
0x170: {  	[sflag:s10] =	ssyncadd.s32 $0xFFFFFFB0  }
0x171: {  	_ =	swait.ge [sflag:s10], $0x50  }
0x172: {  	[sflag:s10] =	ssyncset.done $0x0  }
0x173: {  	[sflag:s10] =	ssyncadd.s32 $0xFFFFFFB0  }
0x174: {  	_ =	swait.ge [sflag:s10], $0x50  }
0x175: {  	[sflag:s10] =	ssyncset.done $0x0  }
0x176: {  	[sflag:s10] =	ssyncadd.s32 $0xFFFFFFB0  }
0x177: {  	_ =	swait.ge [sflag:s10], $0x50  }
0x178: {  	[sflag:s10] =	ssyncset.done $0x0  }
0x179: {  	[sflag:s10] =	ssyncadd.s32 $0xFFFFFFB0  }
0x17a: {  	_ =	swait.ge [sflag:s10], $0x50  }
0x17b: {  	[sflag:s10] =	ssyncset.done $0x0  }
0x17c: {  	[sflag:s10] =	ssyncadd.s32 $0xFFFFFFB0  }
0x17d: {  	_ =	swait.ge [sflag:s10], $0x50  }
0x17e: {  	[sflag:s10] =	ssyncset.done $0x0  }
0x17f: {  	[sflag:s10] =	ssyncadd.s32 $0xFFFFFFB0  }
0x180: {  	_ =	swait.ge [sflag:s10], $0x50  }
0x181: {  	[sflag:s10] =	ssyncset.done $0x0  }
0x182: {  	[sflag:s10] =	ssyncadd.s32 $0xFFFFFFB0  }
0x183: {  	_ =	swait.ge [sflag:s10], $0x50  }
0x184: {  	[sflag:s10] =	ssyncset.done $0x0  }
0x185: {  	[sflag:s10] =	ssyncadd.s32 $0xFFFFFFB0  }
0x186: {  	_ =	swait.ge [sflag:s10], $0x50  }
0x187: {  	[sflag:s10] =	ssyncset.done $0x0  }
0x188: {  	[sflag:s10] =	ssyncadd.s32 $0xFFFFFFB0  }
0x189: {  	_ =	swait.ge [sflag:s10], $0x50  }
0x18a: {  	[sflag:s10] =	ssyncset.done $0x0  }
0x18b: {  	[sflag:s10] =	ssyncadd.s32 $0xFFFFFFB0  }
0x18c: {  	_ =	swait.ge [sflag:s10], $0x50  }
0x18d: {  	[sflag:s10] =	ssyncset.done $0x0  }
0x18e: {  	[sflag:s10] =	ssyncadd.s32 $0xFFFFFFB0  }
0x18f: {  	_ =	swait.ge [sflag:s10], $0x50  }
0x190: {  	[sflag:s10] =	ssyncset.done $0x0  }
0x191: {  	[sflag:s10] =	ssyncadd.s32 $0xFFFFFFB0  }
0x192: {  	_ =	swait.ge [sflag:s10], $0x50  }
0x193: {  	[sflag:s10] =	ssyncset.done $0x0  }
0x194: {  	[sflag:s10] =	ssyncadd.s32 $0xFFFFFFB0  }
0x195: {  	_ =	swait.ge [sflag:s10], $0x50  }
0x196: {  	[sflag:s10] =	ssyncset.done $0x0  }
0x197: {  	[sflag:s10] =	ssyncadd.s32 $0xFFFFFFB0  }
0x198: {  	_ =	swait.ge [sflag:s10], $0x50  }
0x199: {  	[sflag:s10] =	ssyncset.done $0x0  }
0x19a: {  	[sflag:s10] =	ssyncadd.s32 $0xFFFFFFB0  }
0x19b: {  	_ =	swait.ge [sflag:s10], $0x50  }
0x19c: {  	[sflag:s10] =	ssyncset.done $0x0  }
0x19d: {  	[sflag:s10] =	ssyncadd.s32 $0xFFFFFFB0  }
0x19e: {  	_ =	swait.ge [sflag:s10], $0x50  }
0x19f: {  	[sflag:s10] =	ssyncset.done $0x0  }
0x1a0: {  	[sflag:s10] =	ssyncadd.s32 $0xFFFFFFB0  }
0x1a1: {  	_ =	swait.ge [sflag:s10], $0x50  }
0x1a2: {  	[sflag:s10] =	ssyncset.done $0x0  }
0x1a3: {  	[sflag:s10] =	ssyncadd.s32 $0xFFFFFFB0  }
0x1a4: {  	_ =	swait.ge [sflag:s10], $0x50  }
0x1a5: {  	[sflag:s10] =	ssyncset.done $0x0  }
0x1a6: {  	[sflag:s10] =	ssyncadd.s32 $0xFFFFFFB0  }
0x1a7: {  	_ =	swait.ge [sflag:s10], $0x50  }
0x1a8: {  	[sflag:s10] =	ssyncset.done $0x0  }
0x1a9: {  	[sflag:s10] =	ssyncadd.s32 $0xFFFFFFB0  }
0x1aa: {  	_ =	swait.ge [sflag:s10], $0x50  }
0x1ab: {  	[sflag:s10] =	ssyncset.done $0x0  }
0x1ac: {  	[sflag:s10] =	ssyncadd.s32 $0xFFFFFFB0  }
0x1ad: {  	_ =	swait.ge [sflag:s10], $0x50  }
0x1ae: {  	[sflag:s10] =	ssyncset.done $0x0  }
0x1af: {  	[sflag:s10] =	ssyncadd.s32 $0xFFFFFFB0  }
0x1b0: {  	_ =	swait.ge [sflag:s10], $0x50  }
0x1b1: {  	[sflag:s10] =	ssyncset.done $0x0  }
0x1b2: {  	[sflag:s10] =	ssyncadd.s32 $0xFFFFFFB0  }
0x1b3: {  	_ =	swait.ge [sflag:s10], $0x50  }
0x1b4: {  	[sflag:s10] =	ssyncset.done $0x0  }
0x1b5: {  	[sflag:s10] =	ssyncadd.s32 $0xFFFFFFB0  }
0x1b6: {  	_ =	swait.ge [sflag:s10], $0x50  }
0x1b7: {  	s15 =	sadd.s32 $0x1, s15;
	[sflag:s10] =	ssyncset.done $0x0  }
0x1b8: {  	p0 =	sne.s32 s15, s7;
	[sflag:s10] =	ssyncadd.s32 $0xFFFFFFB0  }
.Ltmp1:
0x1b9: {  	[bflag:$0x0] =	sbarrier.arrive $0xFFFF;
	(pc) =	sbr.rel @p0 .LBB2_1-.Ltmp1, $4  }
0x1ba: {  	[hbm:s6], [sflag:s13] =	dma.local [spmem:s14], $0x50  }
0x1bb: {  	_ =	swait.ge [sflag:s9], $0x50  }
0x1bc: {  	[sflag:s9] =	ssyncset.done $0x0  }
0x1bd: {  	[sflag:s9] =	ssyncadd.s32 $0xFFFFFFB0  }
0x1be: {  	_ =	sfence.sel $0x180000  }
0x1bf: {  	[bflag:$0x0] =	sbarrier.arrive $0xFFFF  }
0x1c0: {  	p0 =	sne.s32 s0, $0x0;
	_ =	strace $0x90000047  }
0x1c1: {  	s0 =	sadd.s32 @!p0 $0x100000, s1;
	[bflag:$0x2] =	sbarrier.arrive $0xFFFF  }
0x1c2: {  	[sflag:s0] =	ssyncadd.tile.s32 @!p0 $0x1;
	_ =	shalt  }
.Lfunc_end2:
_tile_overlayer_lowered:
.L_overlay_start_2:
0x1c3: {  	(tag) =	ssettag $0x2  }
0x1c4: {  	s0 =	rddreg [dreg:$0x0];
	s2 =	stileid.u32  }
0x1c5: {  	s1 =	rddreg [dreg:$0x1];
	p0 =	sne.s32 s2, $0x0  }
0x1c6: {  	s3 =	rddreg [dreg:$0x2];
	[bflag:$0x3] =	sbarrier.arrive $0xFFFF;
	s2 =	simm.s32 @!p0 $0x1C02  }
0x1c7: {  	[timem:s3], [sflag:s2] =	dma.local @!p0 [hbm:s0], s1  }
0x1c8: {  	s0 =	simm.s32 @!p0 $0x2  }
0x1c9: {  	_ =	swait.ge @!p0 [sflag:s0], s1  }
0x1ca: {  	s1 =	ssub.s32 @!p0 $0x0, s1;
	[sflag:s0] =	ssyncset.done @!p0 $0x0  }
0x1cb: {  	[sflag:s0] =	ssyncadd.s32 @!p0 s1  }
0x1cc: {  	[bflag:$0x3] =	sbarrier.arrive $0xFFFF  }
0x1cd: {  	_ =	shalt  }

</sc_bundles>
